<compile_context>
chip_gen: v7x
topology: tpu7x:2x2x1
jax: 0.10.2.dev20260603
libtpu: 0.0.44.dev20260713+nightly
codegen_flags: <defaults>
</compile_context>

<pallas_src>
import functools

import jax
import jax.numpy as jnp
from jax import lax
from jax.experimental import pallas as pl
from jax.experimental.pallas import tpu as pltpu
from jax.experimental.pallas import tpu_sc as plsc

HIDDEN = 768
NV = HIDDEN // 16

NC = 2
NS = 16
NW = NC * NS

TC = 32
NSTEP = 32
NBUF = 3
PF = 1


def _rsqrt_vec(v):
    i = plsc.bitcast(v, jnp.int32)
    i = jnp.int32(0x5F3759DF) - (i >> 1)
    y = plsc.bitcast(i, jnp.float32)
    for _ in range(3):
        y = y * (1.5 - 0.5 * v * y * y)
    return y


def _make_sc_kernel(batch, seq):
    tokens = batch * seq
    ppw = seq // NW
    tpw = batch * ppw
    assert tpw == TC * NSTEP
    mesh = plsc.VectorSubcoreMesh(
        core_axis_name="c", subcore_axis_name="s", num_cores=NC, num_subcores=NS
    )

    @functools.partial(
        pl.kernel,
        mesh=mesh,
        out_type=jax.ShapeDtypeStruct((tokens, HIDDEN), jnp.float32),
        scratch_types=[
            pltpu.VMEM((tpw,), jnp.int32),
            pltpu.VMEM((TC, HIDDEN), jnp.float32),
            pltpu.VMEM((TC, HIDDEN), jnp.float32),
            pltpu.VMEM((TC, HIDDEN), jnp.float32),
            pltpu.VMEM((TC, HIDDEN), jnp.float32),
            pltpu.VMEM((TC, HIDDEN), jnp.float32),
            pltpu.VMEM((HIDDEN,), jnp.float32),
            pltpu.VMEM((HIDDEN,), jnp.float32),
            pltpu.VMEM((HIDDEN,), jnp.float32),
            pltpu.VMEM((TC,), jnp.float32),
            pltpu.VMEM((TC,), jnp.float32),
            pltpu.VMEM((16, 17), jnp.float32),
            pltpu.VMEM((16, 17), jnp.float32),
            pltpu.SemaphoreType.DMA,
            pltpu.SemaphoreType.DMA,
            pltpu.SemaphoreType.DMA,
            pltpu.SemaphoreType.DMA,
            pltpu.SemaphoreType.DMA,
            pltpu.SemaphoreType.DMA,
        ],
        compiler_params=pltpu.CompilerParams(needs_layout_passes=False),
    )
    def emb_kernel(ids_hbm, word_hbm, pos_hbm, tt_hbm, g_hbm, b_hbm, out_hbm,
                   ids_v, w0, w1, w2, xbuf, prows, ttv, gv, bv, stats_u,
                   stats_w, accm, accv, g0, g1, g2, o0, o1, o2):
        bufs = (w0, w1, w2)
        gsems = (g0, g1, g2)
        osems = (o0, o1, o2)
        wid = lax.axis_index("s") * NC + lax.axis_index("c")
        pbase = wid * ppw

        pltpu.sync_copy(tt_hbm, ttv)
        pltpu.sync_copy(g_hbm, gv)
        pltpu.sync_copy(b_hbm, bv)
        for b in range(batch):
            pltpu.sync_copy(
                ids_hbm.at[pl.ds(b * seq + pbase, ppw)],
                ids_v.at[pl.ds(b * ppw, ppw)],
            )

        def ids_off(s):
            return (s & 3) * ppw + (s >> 2) * TC

        def out_off(s):
            return (s & 3) * seq + pbase + (s >> 2) * TC

        def gather(s, k):
            pltpu.async_copy(
                word_hbm.at[ids_v.at[pl.ds(ids_off(s), TC)]], bufs[k], gsems[k]
            )

        def gather_wait(s, k):
            pltpu.make_async_copy(
                word_hbm.at[ids_v.at[pl.ds(ids_off(s), TC)]], bufs[k], gsems[k]
            ).wait()

        def out_copy(s, k):
            pltpu.async_copy(
                bufs[k], out_hbm.at[pl.ds(out_off(s), TC)], osems[k]
            )

        def out_wait(s, k):
            pltpu.make_async_copy(
                bufs[k], out_hbm.at[pl.ds(out_off(s), TC)], osems[k]
            ).wait()

        def compute(buf):
            iota = lax.broadcasted_iota(jnp.int32, (16,), 0)
            TA = 8
            for g in range(TC // 16):
                for h in range(16 // TA):
                    t0 = g * 16 + h * TA
                    zf = jnp.zeros((16,), jnp.float32)

                    def a_col(j, carry, t0=t0):
                        sl = pl.ds(j * 16, 16)
                        ms = list(carry[:TA])
                        vs = list(carry[TA:])
                        for t in range(TA):
                            x = buf[t0 + t, sl] + prows[t0 + t, sl]
                            xbuf[t0 + t, sl] = x
                            ms[t] = ms[t] + x
                            vs[t] = vs[t] + x * x
                        return (*ms, *vs)

                    fin = plsc.parallel_loop(
                        0, NV, carry=(zf,) * (2 * TA))(a_col)
                    for t in range(TA):
                        accm[h * TA + t, pl.ds(0, 16)] = fin[t]
                        accv[h * TA + t, pl.ds(0, 16)] = fin[TA + t]
                m = jnp.zeros((16,), jnp.float32)
                v2 = jnp.zeros((16,), jnp.float32)
                for i in range(16):
                    ci = jnp.full((16,), i, jnp.int32)
                    m = m + plsc.load_gather(accm, [iota, ci])
                    v2 = v2 + plsc.load_gather(accv, [iota, ci])
                mean = m * (1.0 / HIDDEN)
                var = v2 * (1.0 / HIDDEN) - mean * mean
                rstd = _rsqrt_vec(var + 1e-12)
                stats_u[pl.ds(g * 16, 16)] = rstd
                stats_w[pl.ds(g * 16, 16)] = mean * rstd

            TB = 8
            for grp in range(TC // TB):
                t0 = grp * TB
                su = stats_u[pl.ds((t0 // 16) * 16, 16)]
                sw = stats_w[pl.ds((t0 // 16) * 16, 16)]
                lo = t0 % 16
                us = [jnp.full((16,), su[lo + i], jnp.float32)
                      for i in range(TB)]
                ws = [jnp.full((16,), sw[lo + i], jnp.float32)
                      for i in range(TB)]

                def b_body(j, t0=t0, us=us, ws=ws):
                    sl = pl.ds(j * 16, 16)
                    gj = gv[sl]
                    bj = bv[sl]
                    for i in range(TB):
                        x = xbuf[t0 + i, sl]
                        buf[t0 + i, sl] = (x * us[i] - ws[i]) * gj + bj

                plsc.parallel_loop(0, NV)(b_body)

        def load_pos(pc):
            pltpu.sync_copy(pos_hbm.at[pl.ds(pbase + pc * TC, TC)], prows)

            def fold(j):
                sl = pl.ds(j * 16, 16)
                tj = ttv[sl]
                for t in range(TC):
                    prows[t, sl] = prows[t, sl] + tj

            plsc.parallel_loop(0, NV)(fold)

        def step(s, k):
            kp = (k + PF) % NBUF
            gather_wait(s, k)
            if isinstance(s, int):
                if s >= NBUF - PF:
                    out_wait(s + PF - NBUF, kp)
                if s + PF < NSTEP:
                    gather(s + PF, kp)
                if (s & 3) == 0:
                    load_pos(s >> 2)
            else:
                @pl.when(s >= NBUF - PF)
                def _():
                    out_wait(s + PF - NBUF, kp)

                @pl.when(s + PF < NSTEP)
                def _():
                    gather(s + PF, kp)

                @pl.when((s & 3) == 0)
                def _():
                    load_pos(s >> 2)

            out_copy(s, k)

        for p in range(PF):
            gather(p, p)

        def loop_body(i, carry):
            s = i * NBUF
            for k in range(NBUF):
                step(s + k, k)
            return carry

        nfull = NSTEP // NBUF
        lax.fori_loop(0, nfull, loop_body, 0)
        for s in range(nfull * NBUF, NSTEP):
            step(s, s % NBUF)
        for s in range(NSTEP - (NBUF - PF), NSTEP):
            out_wait(s, s % NBUF)

    return emb_kernel


def kernel(input_ids, word_table, token_type_table, pos_table, ln_gamma, ln_beta):
    batch, seq = input_ids.shape
    tokens = batch * seq
    ids = input_ids.reshape(tokens)
    sc = _make_sc_kernel(batch, seq)
    out = sc(ids, word_table, pos_table, token_type_table[0], ln_gamma, ln_beta)
    return out.reshape(batch, seq, HIDDEN)

# --- scband reference (transcript-rebuilt; emitter-appended) ---
"""Pipeline reference for scband-embeddings-59373627899924 (READ-ONLY COPY).

The authoritative reference and input builder live on the scoring server;
editing this copy changes nothing except your own understanding.
"""

import jax, jax.numpy as jnp
import numpy as np

VOCAB = 100000
HIDDEN = 768
MAX_POS = 8192
TYPE_VOCAB = 2
BATCH = 4
SEQ = 8192
EPS = 1e-12


def setup_inputs(seed: int = 0) -> dict:
    key = jax.random.key(seed)
    k1, k2, k3, k4 = jax.random.split(key, 4)
    input_ids = jax.random.randint(k1, (BATCH, SEQ), 0, VOCAB).astype(jnp.int32)
    word_table = jax.random.normal(k2, (VOCAB, HIDDEN), dtype=jnp.float32) * 0.02
    # padding_idx=0: zero row like nn.Embedding(padding_idx=0)
    word_table = word_table.at[0].set(0.0)
    token_type_table = jax.random.normal(k3, (TYPE_VOCAB, HIDDEN), dtype=jnp.float32) * 0.02
    pos_table = jax.random.normal(k4, (MAX_POS, HIDDEN), dtype=jnp.float32) * 0.02
    ln_gamma = jnp.ones((HIDDEN,), dtype=jnp.float32)
    ln_beta = jnp.zeros((HIDDEN,), dtype=jnp.float32)
    return {
        "input_ids": input_ids,
        "word_table": word_table,
        "token_type_table": token_type_table,
        "pos_table": pos_table,
        "ln_gamma": ln_gamma,
        "ln_beta": ln_beta,
    }


def reference(input_ids, word_table, token_type_table, pos_table, ln_gamma, ln_beta):
    seq_length = input_ids.shape[1]
    # buffered position_ids[:, 0:seq_length]
    position_ids = jnp.arange(seq_length, dtype=jnp.int32)[None, :]
    # buffered token_type_ids (zeros) expanded to input shape
    token_type_ids = jnp.zeros_like(input_ids)
    inputs_embeds = jnp.take(word_table, input_ids, axis=0)
    token_type_embeddings = jnp.take(token_type_table, token_type_ids, axis=0)
    embeddings = inputs_embeds + token_type_embeddings
    position_embeddings = jnp.take(pos_table, position_ids, axis=0)
    embeddings = embeddings + position_embeddings
    # LayerNorm (biased variance, matching torch)
    mean = jnp.mean(embeddings, axis=-1, keepdims=True)
    var = jnp.var(embeddings, axis=-1, keepdims=True)
    normed = (embeddings - mean) / jnp.sqrt(var + EPS)
    out = normed * ln_gamma + ln_beta
    # dropout: identity in eval mode
    return out

if __name__ == "__main__":
    import jax
    _d = setup_inputs()
    print(jax.jit(kernel)(*tuple(_d.values())))

</pallas_src>

<mosaic_0001>
#map = affine_map<(d0, d1) -> (0)>
#map1 = affine_map<(d0, d1) -> (0, 0)>
module attributes {stable_mosaic.version = 14 : i64} {
  func.func @emb_kernel(%arg0: i32, %arg1: i32, %arg2: memref<32768xi32, #tpu.memory_space<hbm>>, %arg3: memref<100000x768xf32, #tpu.memory_space<hbm>>, %arg4: memref<8192x768xf32, #tpu.memory_space<hbm>>, %arg5: memref<768xf32, #tpu.memory_space<hbm>>, %arg6: memref<768xf32, #tpu.memory_space<hbm>>, %arg7: memref<768xf32, #tpu.memory_space<hbm>>, %arg8: memref<32768x768xf32, #tpu.memory_space<hbm>>, %arg9: memref<1024xi32, #tpu.memory_space<vmem>>, %arg10: memref<32x768xf32, #tpu.memory_space<vmem>>, %arg11: memref<32x768xf32, #tpu.memory_space<vmem>>, %arg12: memref<32x768xf32, #tpu.memory_space<vmem>>, %arg13: memref<32x768xf32, #tpu.memory_space<vmem>>, %arg14: memref<32x768xf32, #tpu.memory_space<vmem>>, %arg15: memref<768xf32, #tpu.memory_space<vmem>>, %arg16: memref<768xf32, #tpu.memory_space<vmem>>, %arg17: memref<768xf32, #tpu.memory_space<vmem>>, %arg18: memref<32xf32, #tpu.memory_space<vmem>>, %arg19: memref<32xf32, #tpu.memory_space<vmem>>, %arg20: memref<16x17xf32, #tpu.memory_space<vmem>>, %arg21: memref<16x17xf32, #tpu.memory_space<vmem>>, %arg22: memref<!tpu.dma_semaphore, #tpu.memory_space<semaphore_mem>>, %arg23: memref<!tpu.dma_semaphore, #tpu.memory_space<semaphore_mem>>, %arg24: memref<!tpu.dma_semaphore, #tpu.memory_space<semaphore_mem>>, %arg25: memref<!tpu.dma_semaphore, #tpu.memory_space<semaphore_mem>>, %arg26: memref<!tpu.dma_semaphore, #tpu.memory_space<semaphore_mem>>, %arg27: memref<!tpu.dma_semaphore, #tpu.memory_space<semaphore_mem>>) attributes {dimension_semantics = [#tpu.dimension_semantics<core_parallel>, #tpu.dimension_semantics<subcore_parallel>], iteration_bounds = array<i64: 2, 16>, scalar_prefetch = 0 : i64, scratch_operands = 19 : i64, tpu.core_type = #tpu.core_type<sc_vector_subcore>, window_params = [{transform_indices = #map}, {transform_indices = #map1}, {transform_indices = #map1}, {transform_indices = #map}, {transform_indices = #map}, {transform_indices = #map}, {transform_indices = #map1}]} {
    %mul3A = arith.constant 2 : i32
    %mul3A_0 = arith.muli %arg1, %mul3A : i32
    %add3A = arith.addi %mul3A_0, %arg0 : i32
    %mul3A_1 = arith.constant 256 : i32
    %mul3A_2 = arith.muli %add3A, %mul3A_1 : i32
    "tpu.region"() ({
      %run_scoped3A = tpu.sem_alloc : memref<!tpu.dma_semaphore, #tpu.memory_space<semaphore_mem>>
      tpu.enqueue_dma source(%arg5 : memref<768xf32, #tpu.memory_space<hbm>>) target(%arg15 : memref<768xf32, #tpu.memory_space<vmem>>) target_semaphore(%run_scoped3A : memref<!tpu.dma_semaphore, #tpu.memory_space<semaphore_mem>>)
      tpu.wait_dma2 semaphore(%run_scoped3A : memref<!tpu.dma_semaphore, #tpu.memory_space<semaphore_mem>>) src(%arg5 : memref<768xf32, #tpu.memory_space<hbm>>) dst(%arg15 : memref<768xf32, #tpu.memory_space<vmem>>)
      tpu.yield
    }) : () -> ()
    "tpu.region"() ({
      %run_scoped3A = tpu.sem_alloc : memref<!tpu.dma_semaphore, #tpu.memory_space<semaphore_mem>>
      tpu.enqueue_dma source(%arg6 : memref<768xf32, #tpu.memory_space<hbm>>) target(%arg16 : memref<768xf32, #tpu.memory_space<vmem>>) target_semaphore(%run_scoped3A : memref<!tpu.dma_semaphore, #tpu.memory_space<semaphore_mem>>)
      tpu.wait_dma2 semaphore(%run_scoped3A : memref<!tpu.dma_semaphore, #tpu.memory_space<semaphore_mem>>) src(%arg6 : memref<768xf32, #tpu.memory_space<hbm>>) dst(%arg16 : memref<768xf32, #tpu.memory_space<vmem>>)
      tpu.yield
    }) : () -> ()
    "tpu.region"() ({
      %run_scoped3A = tpu.sem_alloc : memref<!tpu.dma_semaphore, #tpu.memory_space<semaphore_mem>>
      tpu.enqueue_dma source(%arg7 : memref<768xf32, #tpu.memory_space<hbm>>) target(%arg17 : memref<768xf32, #tpu.memory_space<vmem>>) target_semaphore(%run_scoped3A : memref<!tpu.dma_semaphore, #tpu.memory_space<semaphore_mem>>)
      tpu.wait_dma2 semaphore(%run_scoped3A : memref<!tpu.dma_semaphore, #tpu.memory_space<semaphore_mem>>) src(%arg7 : memref<768xf32, #tpu.memory_space<hbm>>) dst(%arg17 : memref<768xf32, #tpu.memory_space<vmem>>)
      tpu.yield
    }) : () -> ()
    %add3A_3 = arith.constant 0 : i32
    %add3A_4 = arith.addi %add3A_3, %mul3A_2 : i32
    "tpu.region"() ({
      %run_scoped3A = tpu.sem_alloc : memref<!tpu.dma_semaphore, #tpu.memory_space<semaphore_mem>>
      %dma_start3A_82 = arith.constant 0 : i32
      %dma_start3A_83 = tpu.memref_slice %arg9[%dma_start3A_82] : memref<1024xi32, #tpu.memory_space<vmem>> -> memref<256xi32, #tpu.memory_space<vmem>>
      %dma_start3A_84 = tpu.memref_slice %arg2[%add3A_4] : memref<32768xi32, #tpu.memory_space<hbm>> -> memref<256xi32, #tpu.memory_space<hbm>>
      %dma_start3A_85 = arith.constant 0 : i32
      %dma_start3A_86 = tpu.memref_slice %arg9[%dma_start3A_85] : memref<1024xi32, #tpu.memory_space<vmem>> -> memref<256xi32, #tpu.memory_space<vmem>>
      %dma_start3A_87 = tpu.memref_slice %arg2[%add3A_4] : memref<32768xi32, #tpu.memory_space<hbm>> -> memref<256xi32, #tpu.memory_space<hbm>>
      tpu.enqueue_dma source(%dma_start3A_87 : memref<256xi32, #tpu.memory_space<hbm>>) target(%dma_start3A_86 : memref<256xi32, #tpu.memory_space<vmem>>) target_semaphore(%run_scoped3A : memref<!tpu.dma_semaphore, #tpu.memory_space<semaphore_mem>>)
      %dma_wait3A_88 = arith.constant 0 : i32
      %dma_wait3A_89 = tpu.memref_slice %arg9[%dma_wait3A_88] : memref<1024xi32, #tpu.memory_space<vmem>> -> memref<256xi32, #tpu.memory_space<vmem>>
      %dma_wait3A_90 = tpu.memref_slice %arg2[%add3A_4] : memref<32768xi32, #tpu.memory_space<hbm>> -> memref<256xi32, #tpu.memory_space<hbm>>
      %dma_wait3A_91 = arith.constant 0 : i32
      %dma_wait3A_92 = tpu.memref_slice %arg9[%dma_wait3A_91] : memref<1024xi32, #tpu.memory_space<vmem>> -> memref<256xi32, #tpu.memory_space<vmem>>
      %dma_wait3A_93 = tpu.memref_slice %arg2[%add3A_4] : memref<32768xi32, #tpu.memory_space<hbm>> -> memref<256xi32, #tpu.memory_space<hbm>>
      tpu.wait_dma2 semaphore(%run_scoped3A : memref<!tpu.dma_semaphore, #tpu.memory_space<semaphore_mem>>) src(%dma_wait3A_93 : memref<256xi32, #tpu.memory_space<hbm>>) dst(%dma_wait3A_92 : memref<256xi32, #tpu.memory_space<vmem>>)
      tpu.yield
    }) : () -> ()
    %add3A_5 = arith.constant 8192 : i32
    %add3A_6 = arith.addi %add3A_5, %mul3A_2 : i32
    "tpu.region"() ({
      %run_scoped3A = tpu.sem_alloc : memref<!tpu.dma_semaphore, #tpu.memory_space<semaphore_mem>>
      %dma_start3A_82 = arith.constant 256 : i32
      %dma_start3A_83 = tpu.memref_slice %arg9[%dma_start3A_82] : memref<1024xi32, #tpu.memory_space<vmem>> -> memref<256xi32, #tpu.memory_space<vmem>>
      %dma_start3A_84 = tpu.memref_slice %arg2[%add3A_6] : memref<32768xi32, #tpu.memory_space<hbm>> -> memref<256xi32, #tpu.memory_space<hbm>>
      %dma_start3A_85 = arith.constant 256 : i32
      %dma_start3A_86 = tpu.memref_slice %arg9[%dma_start3A_85] : memref<1024xi32, #tpu.memory_space<vmem>> -> memref<256xi32, #tpu.memory_space<vmem>>
      %dma_start3A_87 = tpu.memref_slice %arg2[%add3A_6] : memref<32768xi32, #tpu.memory_space<hbm>> -> memref<256xi32, #tpu.memory_space<hbm>>
      tpu.enqueue_dma source(%dma_start3A_87 : memref<256xi32, #tpu.memory_space<hbm>>) target(%dma_start3A_86 : memref<256xi32, #tpu.memory_space<vmem>>) target_semaphore(%run_scoped3A : memref<!tpu.dma_semaphore, #tpu.memory_space<semaphore_mem>>)
      %dma_wait3A_88 = arith.constant 256 : i32
      %dma_wait3A_89 = tpu.memref_slice %arg9[%dma_wait3A_88] : memref<1024xi32, #tpu.memory_space<vmem>> -> memref<256xi32, #tpu.memory_space<vmem>>
      %dma_wait3A_90 = tpu.memref_slice %arg2[%add3A_6] : memref<32768xi32, #tpu.memory_space<hbm>> -> memref<256xi32, #tpu.memory_space<hbm>>
      %dma_wait3A_91 = arith.constant 256 : i32
      %dma_wait3A_92 = tpu.memref_slice %arg9[%dma_wait3A_91] : memref<1024xi32, #tpu.memory_space<vmem>> -> memref<256xi32, #tpu.memory_space<vmem>>
      %dma_wait3A_93 = tpu.memref_slice %arg2[%add3A_6] : memref<32768xi32, #tpu.memory_space<hbm>> -> memref<256xi32, #tpu.memory_space<hbm>>
      tpu.wait_dma2 semaphore(%run_scoped3A : memref<!tpu.dma_semaphore, #tpu.memory_space<semaphore_mem>>) src(%dma_wait3A_93 : memref<256xi32, #tpu.memory_space<hbm>>) dst(%dma_wait3A_92 : memref<256xi32, #tpu.memory_space<vmem>>)
      tpu.yield
    }) : () -> ()
    %add3A_7 = arith.constant 16384 : i32
    %add3A_8 = arith.addi %add3A_7, %mul3A_2 : i32
    "tpu.region"() ({
      %run_scoped3A = tpu.sem_alloc : memref<!tpu.dma_semaphore, #tpu.memory_space<semaphore_mem>>
      %dma_start3A_82 = arith.constant 512 : i32
      %dma_start3A_83 = tpu.memref_slice %arg9[%dma_start3A_82] : memref<1024xi32, #tpu.memory_space<vmem>> -> memref<256xi32, #tpu.memory_space<vmem>>
      %dma_start3A_84 = tpu.memref_slice %arg2[%add3A_8] : memref<32768xi32, #tpu.memory_space<hbm>> -> memref<256xi32, #tpu.memory_space<hbm>>
      %dma_start3A_85 = arith.constant 512 : i32
      %dma_start3A_86 = tpu.memref_slice %arg9[%dma_start3A_85] : memref<1024xi32, #tpu.memory_space<vmem>> -> memref<256xi32, #tpu.memory_space<vmem>>
      %dma_start3A_87 = tpu.memref_slice %arg2[%add3A_8] : memref<32768xi32, #tpu.memory_space<hbm>> -> memref<256xi32, #tpu.memory_space<hbm>>
      tpu.enqueue_dma source(%dma_start3A_87 : memref<256xi32, #tpu.memory_space<hbm>>) target(%dma_start3A_86 : memref<256xi32, #tpu.memory_space<vmem>>) target_semaphore(%run_scoped3A : memref<!tpu.dma_semaphore, #tpu.memory_space<semaphore_mem>>)
      %dma_wait3A_88 = arith.constant 512 : i32
      %dma_wait3A_89 = tpu.memref_slice %arg9[%dma_wait3A_88] : memref<1024xi32, #tpu.memory_space<vmem>> -> memref<256xi32, #tpu.memory_space<vmem>>
      %dma_wait3A_90 = tpu.memref_slice %arg2[%add3A_8] : memref<32768xi32, #tpu.memory_space<hbm>> -> memref<256xi32, #tpu.memory_space<hbm>>
      %dma_wait3A_91 = arith.constant 512 : i32
      %dma_wait3A_92 = tpu.memref_slice %arg9[%dma_wait3A_91] : memref<1024xi32, #tpu.memory_space<vmem>> -> memref<256xi32, #tpu.memory_space<vmem>>
      %dma_wait3A_93 = tpu.memref_slice %arg2[%add3A_8] : memref<32768xi32, #tpu.memory_space<hbm>> -> memref<256xi32, #tpu.memory_space<hbm>>
      tpu.wait_dma2 semaphore(%run_scoped3A : memref<!tpu.dma_semaphore, #tpu.memory_space<semaphore_mem>>) src(%dma_wait3A_93 : memref<256xi32, #tpu.memory_space<hbm>>) dst(%dma_wait3A_92 : memref<256xi32, #tpu.memory_space<vmem>>)
      tpu.yield
    }) : () -> ()
    %add3A_9 = arith.constant 24576 : i32
    %add3A_10 = arith.addi %add3A_9, %mul3A_2 : i32
    "tpu.region"() ({
      %run_scoped3A = tpu.sem_alloc : memref<!tpu.dma_semaphore, #tpu.memory_space<semaphore_mem>>
      %dma_start3A_82 = arith.constant 768 : i32
      %dma_start3A_83 = tpu.memref_slice %arg9[%dma_start3A_82] : memref<1024xi32, #tpu.memory_space<vmem>> -> memref<256xi32, #tpu.memory_space<vmem>>
      %dma_start3A_84 = tpu.memref_slice %arg2[%add3A_10] : memref<32768xi32, #tpu.memory_space<hbm>> -> memref<256xi32, #tpu.memory_space<hbm>>
      %dma_start3A_85 = arith.constant 768 : i32
      %dma_start3A_86 = tpu.memref_slice %arg9[%dma_start3A_85] : memref<1024xi32, #tpu.memory_space<vmem>> -> memref<256xi32, #tpu.memory_space<vmem>>
      %dma_start3A_87 = tpu.memref_slice %arg2[%add3A_10] : memref<32768xi32, #tpu.memory_space<hbm>> -> memref<256xi32, #tpu.memory_space<hbm>>
      tpu.enqueue_dma source(%dma_start3A_87 : memref<256xi32, #tpu.memory_space<hbm>>) target(%dma_start3A_86 : memref<256xi32, #tpu.memory_space<vmem>>) target_semaphore(%run_scoped3A : memref<!tpu.dma_semaphore, #tpu.memory_space<semaphore_mem>>)
      %dma_wait3A_88 = arith.constant 768 : i32
      %dma_wait3A_89 = tpu.memref_slice %arg9[%dma_wait3A_88] : memref<1024xi32, #tpu.memory_space<vmem>> -> memref<256xi32, #tpu.memory_space<vmem>>
      %dma_wait3A_90 = tpu.memref_slice %arg2[%add3A_10] : memref<32768xi32, #tpu.memory_space<hbm>> -> memref<256xi32, #tpu.memory_space<hbm>>
      %dma_wait3A_91 = arith.constant 768 : i32
      %dma_wait3A_92 = tpu.memref_slice %arg9[%dma_wait3A_91] : memref<1024xi32, #tpu.memory_space<vmem>> -> memref<256xi32, #tpu.memory_space<vmem>>
      %dma_wait3A_93 = tpu.memref_slice %arg2[%add3A_10] : memref<32768xi32, #tpu.memory_space<hbm>> -> memref<256xi32, #tpu.memory_space<hbm>>
      tpu.wait_dma2 semaphore(%run_scoped3A : memref<!tpu.dma_semaphore, #tpu.memory_space<semaphore_mem>>) src(%dma_wait3A_93 : memref<256xi32, #tpu.memory_space<hbm>>) dst(%dma_wait3A_92 : memref<256xi32, #tpu.memory_space<vmem>>)
      tpu.yield
    }) : () -> ()
    %dma_start3A = arith.constant 0 : i32
    %dma_start3A_11 = tpu.memref_slice %arg9[%dma_start3A] : memref<1024xi32, #tpu.memory_space<vmem>> -> memref<32xi32, #tpu.memory_space<vmem>>
    %dma_start3A_12 = arith.constant 0 : i32
    %dma_start3A_13 = arith.constant 0 : i32
    %dma_start3A_14 = tpu.memref_slice %arg3[%dma_start3A_12, %dma_start3A_13] : memref<100000x768xf32, #tpu.memory_space<hbm>> -> memref<100000x768xf32, #tpu.memory_space<hbm>>
    tpu.enqueue_indirect_dma source(%dma_start3A_14 : memref<100000x768xf32, #tpu.memory_space<hbm>>) target(%arg10 : memref<32x768xf32, #tpu.memory_space<vmem>>) offsets(%dma_start3A_11 : memref<32xi32, #tpu.memory_space<vmem>>) semaphore(%arg22 : memref<!tpu.dma_semaphore, #tpu.memory_space<semaphore_mem>>)
    %scan3A = arith.constant 0 : i32
    %scan3A_15 = arith.constant 0 : i32
    %scan3A_16 = arith.constant 10 : i32
    %scan3A_17 = arith.addi %scan3A_15, %scan3A_16 : i32
    %scan3A_18 = arith.constant 1 : i32
    scf.for %scan3A_82 = %scan3A_15 to %scan3A_17 step %scan3A_18  : i32 {
      %mul3A_83 = arith.constant 3 : i32
      %mul3A_84 = arith.muli %scan3A_82, %mul3A_83 : i32
      %add3A_85 = arith.constant 0 : i32
      %add3A_86 = arith.addi %mul3A_84, %add3A_85 : i32
      %and3A = arith.constant 3 : i32
      %and3A_87 = arith.andi %add3A_86, %and3A : i32
      %mul3A_88 = arith.constant 256 : i32
      %mul3A_89 = arith.muli %and3A_87, %mul3A_88 : i32
      %shift_right_arithmetic3A = arith.constant 2 : i32
      %shift_right_arithmetic3A_90 = arith.shrsi %add3A_86, %shift_right_arithmetic3A : i32
      %mul3A_91 = arith.constant 32 : i32
      %mul3A_92 = arith.muli %shift_right_arithmetic3A_90, %mul3A_91 : i32
      %add3A_93 = arith.addi %mul3A_89, %mul3A_92 : i32
      %dma_wait3A_94 = tpu.memref_slice %arg9[%add3A_93] : memref<1024xi32, #tpu.memory_space<vmem>> -> memref<32xi32, #tpu.memory_space<vmem>>
      %dma_wait3A_95 = arith.constant 0 : i32
      %dma_wait3A_96 = arith.constant 0 : i32
      %dma_wait3A_97 = tpu.memref_slice %arg3[%dma_wait3A_95, %dma_wait3A_96] : memref<100000x768xf32, #tpu.memory_space<hbm>> -> memref<100000x768xf32, #tpu.memory_space<hbm>>
      tpu.wait_indirect_dma semaphore(%arg22 : memref<!tpu.dma_semaphore, #tpu.memory_space<semaphore_mem>>) src(%dma_wait3A_97 : memref<100000x768xf32, #tpu.memory_space<hbm>>) dst(%arg10 : memref<32x768xf32, #tpu.memory_space<vmem>>)
      %ge3A = arith.constant 2 : i32
      %ge3A_98 = arith.cmpi sge, %add3A_86, %ge3A : i32
      %convert_element_type3A = arith.extui %ge3A_98 : i1 to i32
      %cond3A = arith.constant 0 : i32
      %cond3A_99 = arith.cmpi ne, %convert_element_type3A, %cond3A : i32
      scf.if %cond3A_99 {
        %add3A_222 = arith.constant 1 : i32
        %add3A_223 = arith.addi %add3A_86, %add3A_222 : i32
        %sub3A = arith.constant 3 : i32
        %sub3A_224 = arith.subi %add3A_223, %sub3A : i32
        %and3A_225 = arith.constant 3 : i32
        %and3A_226 = arith.andi %sub3A_224, %and3A_225 : i32
        %mul3A_227 = arith.constant 8192 : i32
        %mul3A_228 = arith.muli %and3A_226, %mul3A_227 : i32
        %add3A_229 = arith.addi %mul3A_228, %mul3A_2 : i32
        %shift_right_arithmetic3A_230 = arith.constant 2 : i32
        %shift_right_arithmetic3A_231 = arith.shrsi %sub3A_224, %shift_right_arithmetic3A_230 : i32
        %mul3A_232 = arith.constant 32 : i32
        %mul3A_233 = arith.muli %shift_right_arithmetic3A_231, %mul3A_232 : i32
        %add3A_234 = arith.addi %add3A_229, %mul3A_233 : i32
        %dma_wait3A_235 = arith.constant 0 : i32
        %dma_wait3A_236 = tpu.memref_slice %arg8[%add3A_234, %dma_wait3A_235] : memref<32768x768xf32, #tpu.memory_space<hbm>> -> memref<32x768xf32, #tpu.memory_space<hbm>>
        %dma_wait3A_237 = arith.constant 0 : i32
        %dma_wait3A_238 = tpu.memref_slice %arg8[%add3A_234, %dma_wait3A_237] : memref<32768x768xf32, #tpu.memory_space<hbm>> -> memref<32x768xf32, #tpu.memory_space<hbm>>
        tpu.wait_dma2 semaphore(%arg26 : memref<!tpu.dma_semaphore, #tpu.memory_space<semaphore_mem>>) src(%arg11 : memref<32x768xf32, #tpu.memory_space<vmem>>) dst(%dma_wait3A_238 : memref<32x768xf32, #tpu.memory_space<hbm>>)
      } else {
      }
      %add3A_100 = arith.constant 1 : i32
      %add3A_101 = arith.addi %add3A_86, %add3A_100 : i32
      %lt3A = arith.constant 32 : i32
      %lt3A_102 = arith.cmpi slt, %add3A_101, %lt3A : i32
      %convert_element_type3A_103 = arith.extui %lt3A_102 : i1 to i32
      %cond3A_104 = arith.constant 0 : i32
      %cond3A_105 = arith.cmpi ne, %convert_element_type3A_103, %cond3A_104 : i32
      scf.if %cond3A_105 {
        %add3A_222 = arith.constant 1 : i32
        %add3A_223 = arith.addi %add3A_86, %add3A_222 : i32
        %and3A_224 = arith.constant 3 : i32
        %and3A_225 = arith.andi %add3A_223, %and3A_224 : i32
        %mul3A_226 = arith.constant 256 : i32
        %mul3A_227 = arith.muli %and3A_225, %mul3A_226 : i32
        %shift_right_arithmetic3A_228 = arith.constant 2 : i32
        %shift_right_arithmetic3A_229 = arith.shrsi %add3A_223, %shift_right_arithmetic3A_228 : i32
        %mul3A_230 = arith.constant 32 : i32
        %mul3A_231 = arith.muli %shift_right_arithmetic3A_229, %mul3A_230 : i32
        %add3A_232 = arith.addi %mul3A_227, %mul3A_231 : i32
        %dma_start3A_233 = tpu.memref_slice %arg9[%add3A_232] : memref<1024xi32, #tpu.memory_space<vmem>> -> memref<32xi32, #tpu.memory_space<vmem>>
        %dma_start3A_234 = arith.constant 0 : i32
        %dma_start3A_235 = arith.constant 0 : i32
        %dma_start3A_236 = tpu.memref_slice %arg3[%dma_start3A_234, %dma_start3A_235] : memref<100000x768xf32, #tpu.memory_space<hbm>> -> memref<100000x768xf32, #tpu.memory_space<hbm>>
        tpu.enqueue_indirect_dma source(%dma_start3A_236 : memref<100000x768xf32, #tpu.memory_space<hbm>>) target(%arg11 : memref<32x768xf32, #tpu.memory_space<vmem>>) offsets(%dma_start3A_233 : memref<32xi32, #tpu.memory_space<vmem>>) semaphore(%arg23 : memref<!tpu.dma_semaphore, #tpu.memory_space<semaphore_mem>>)
      } else {
      }
      %and3A_106 = arith.constant 3 : i32
      %and3A_107 = arith.andi %add3A_86, %and3A_106 : i32
      %eq3A = arith.constant 0 : i32
      %eq3A_108 = arith.cmpi eq, %and3A_107, %eq3A : i32
      %convert_element_type3A_109 = arith.extui %eq3A_108 : i1 to i32
      %cond3A_110 = arith.constant 0 : i32
      %cond3A_111 = arith.cmpi ne, %convert_element_type3A_109, %cond3A_110 : i32
      scf.if %cond3A_111 {
        %shift_right_arithmetic3A_222 = arith.constant 2 : i32
        %shift_right_arithmetic3A_223 = arith.shrsi %add3A_86, %shift_right_arithmetic3A_222 : i32
        %mul3A_224 = arith.constant 32 : i32
        %mul3A_225 = arith.muli %shift_right_arithmetic3A_223, %mul3A_224 : i32
        %add3A_226 = arith.addi %mul3A_2, %mul3A_225 : i32
        "tpu.region"() ({
          %run_scoped3A = tpu.sem_alloc : memref<!tpu.dma_semaphore, #tpu.memory_space<semaphore_mem>>
          %dma_start3A_229 = arith.constant 0 : i32
          %dma_start3A_230 = tpu.memref_slice %arg4[%add3A_226, %dma_start3A_229] : memref<8192x768xf32, #tpu.memory_space<hbm>> -> memref<32x768xf32, #tpu.memory_space<hbm>>
          %dma_start3A_231 = arith.constant 0 : i32
          %dma_start3A_232 = tpu.memref_slice %arg4[%add3A_226, %dma_start3A_231] : memref<8192x768xf32, #tpu.memory_space<hbm>> -> memref<32x768xf32, #tpu.memory_space<hbm>>
          tpu.enqueue_dma source(%dma_start3A_232 : memref<32x768xf32, #tpu.memory_space<hbm>>) target(%arg14 : memref<32x768xf32, #tpu.memory_space<vmem>>) target_semaphore(%run_scoped3A : memref<!tpu.dma_semaphore, #tpu.memory_space<semaphore_mem>>)
          %dma_wait3A_233 = arith.constant 0 : i32
          %dma_wait3A_234 = tpu.memref_slice %arg4[%add3A_226, %dma_wait3A_233] : memref<8192x768xf32, #tpu.memory_space<hbm>> -> memref<32x768xf32, #tpu.memory_space<hbm>>
          %dma_wait3A_235 = arith.constant 0 : i32
          %dma_wait3A_236 = tpu.memref_slice %arg4[%add3A_226, %dma_wait3A_235] : memref<8192x768xf32, #tpu.memory_space<hbm>> -> memref<32x768xf32, #tpu.memory_space<hbm>>
          tpu.wait_dma2 semaphore(%run_scoped3A : memref<!tpu.dma_semaphore, #tpu.memory_space<semaphore_mem>>) src(%dma_wait3A_236 : memref<32x768xf32, #tpu.memory_space<hbm>>) dst(%arg14 : memref<32x768xf32, #tpu.memory_space<vmem>>)
          tpu.yield
        }) : () -> ()
        %parallel_loop3A = arith.constant 0 : i32
        %parallel_loop3A_227 = arith.constant 48 : i32
        %parallel_loop3A_228 = arith.constant 1 : i32
        scf.for %parallel_loop3A_229 = %parallel_loop3A to %parallel_loop3A_227 step %parallel_loop3A_228  : i32 {
          %parallel_loop3A_230 = arith.constant 16 : i32
          %parallel_loop3A_231 = arith.muli %parallel_loop3A_229, %parallel_loop3A_230 : i32
          %parallel_loop3A_232 = arith.index_cast %parallel_loop3A_231 : i32 to index
          %parallel_loop3A_233 = tpu.vector_load %arg15[%parallel_loop3A_232] {strides = array<i32>} : memref<768xf32, #tpu.memory_space<vmem>>, vector<16xf32>,
          %parallel_loop3A_234 = arith.constant 0 : i32
          %parallel_loop3A_235 = arith.index_cast %parallel_loop3A_234 : i32 to index
          %parallel_loop3A_236 = arith.index_cast %parallel_loop3A_231 : i32 to index
          %parallel_loop3A_237 = tpu.vector_load %arg14[%parallel_loop3A_235, %parallel_loop3A_236] {strides = array<i32>} : memref<32x768xf32, #tpu.memory_space<vmem>>, vector<16xf32>,
          %parallel_loop3A_238 = arith.addf %parallel_loop3A_237, %parallel_loop3A_233 : vector<16xf32>
          %parallel_loop3A_239 = arith.constant 0 : i32
          %parallel_loop3A_240 = arith.index_cast %parallel_loop3A_239 : i32 to index
          %parallel_loop3A_241 = arith.index_cast %parallel_loop3A_231 : i32 to index
          %parallel_loop3A_242 = tpu.vector_load %arg14[%parallel_loop3A_240, %parallel_loop3A_241] {strides = array<i32>} : memref<32x768xf32, #tpu.memory_space<vmem>>, vector<16xf32>,
          tpu.vector_store %arg14[%parallel_loop3A_240, %parallel_loop3A_241], %parallel_loop3A_238 {strides = array<i32>} : memref<32x768xf32, #tpu.memory_space<vmem>>, vector<16xf32>,
          %parallel_loop3A_243 = arith.constant 1 : i32
          %parallel_loop3A_244 = arith.index_cast %parallel_loop3A_243 : i32 to index
          %parallel_loop3A_245 = arith.index_cast %parallel_loop3A_231 : i32 to index
          %parallel_loop3A_246 = tpu.vector_load %arg14[%parallel_loop3A_244, %parallel_loop3A_245] {strides = array<i32>} : memref<32x768xf32, #tpu.memory_space<vmem>>, vector<16xf32>,
          %parallel_loop3A_247 = arith.addf %parallel_loop3A_246, %parallel_loop3A_233 : vector<16xf32>
          %parallel_loop3A_248 = arith.constant 1 : i32
          %parallel_loop3A_249 = arith.index_cast %parallel_loop3A_248 : i32 to index
          %parallel_loop3A_250 = arith.index_cast %parallel_loop3A_231 : i32 to index
          %parallel_loop3A_251 = tpu.vector_load %arg14[%parallel_loop3A_249, %parallel_loop3A_250] {strides = array<i32>} : memref<32x768xf32, #tpu.memory_space<vmem>>, vector<16xf32>,
          tpu.vector_store %arg14[%parallel_loop3A_249, %parallel_loop3A_250], %parallel_loop3A_247 {strides = array<i32>} : memref<32x768xf32, #tpu.memory_space<vmem>>, vector<16xf32>,
          %parallel_loop3A_252 = arith.constant 2 : i32
          %parallel_loop3A_253 = arith.index_cast %parallel_loop3A_252 : i32 to index
          %parallel_loop3A_254 = arith.index_cast %parallel_loop3A_231 : i32 to index
          %parallel_loop3A_255 = tpu.vector_load %arg14[%parallel_loop3A_253, %parallel_loop3A_254] {strides = array<i32>} : memref<32x768xf32, #tpu.memory_space<vmem>>, vector<16xf32>,
          %parallel_loop3A_256 = arith.addf %parallel_loop3A_255, %parallel_loop3A_233 : vector<16xf32>
          %parallel_loop3A_257 = arith.constant 2 : i32
          %parallel_loop3A_258 = arith.index_cast %parallel_loop3A_257 : i32 to index
          %parallel_loop3A_259 = arith.index_cast %parallel_loop3A_231 : i32 to index
          %parallel_loop3A_260 = tpu.vector_load %arg14[%parallel_loop3A_258, %parallel_loop3A_259] {strides = array<i32>} : memref<32x768xf32, #tpu.memory_space<vmem>>, vector<16xf32>,
          tpu.vector_store %arg14[%parallel_loop3A_258, %parallel_loop3A_259], %parallel_loop3A_256 {strides = array<i32>} : memref<32x768xf32, #tpu.memory_space<vmem>>, vector<16xf32>,
          %parallel_loop3A_261 = arith.constant 3 : i32
          %parallel_loop3A_262 = arith.index_cast %parallel_loop3A_261 : i32 to index
          %parallel_loop3A_263 = arith.index_cast %parallel_loop3A_231 : i32 to index
          %parallel_loop3A_264 = tpu.vector_load %arg14[%parallel_loop3A_262, %parallel_loop3A_263] {strides = array<i32>} : memref<32x768xf32, #tpu.memory_space<vmem>>, vector<16xf32>,
          %parallel_loop3A_265 = arith.addf %parallel_loop3A_264, %parallel_loop3A_233 : vector<16xf32>
          %parallel_loop3A_266 = arith.constant 3 : i32
          %parallel_loop3A_267 = arith.index_cast %parallel_loop3A_266 : i32 to index
          %parallel_loop3A_268 = arith.index_cast %parallel_loop3A_231 : i32 to index
          %parallel_loop3A_269 = tpu.vector_load %arg14[%parallel_loop3A_267, %parallel_loop3A_268] {strides = array<i32>} : memref<32x768xf32, #tpu.memory_space<vmem>>, vector<16xf32>,
          tpu.vector_store %arg14[%parallel_loop3A_267, %parallel_loop3A_268], %parallel_loop3A_265 {strides = array<i32>} : memref<32x768xf32, #tpu.memory_space<vmem>>, vector<16xf32>,
          %parallel_loop3A_270 = arith.constant 4 : i32
          %parallel_loop3A_271 = arith.index_cast %parallel_loop3A_270 : i32 to index
          %parallel_loop3A_272 = arith.index_cast %parallel_loop3A_231 : i32 to index
          %parallel_loop3A_273 = tpu.vector_load %arg14[%parallel_loop3A_271, %parallel_loop3A_272] {strides = array<i32>} : memref<32x768xf32, #tpu.memory_space<vmem>>, vector<16xf32>,
          %parallel_loop3A_274 = arith.addf %parallel_loop3A_273, %parallel_loop3A_233 : vector<16xf32>
          %parallel_loop3A_275 = arith.constant 4 : i32
          %parallel_loop3A_276 = arith.index_cast %parallel_loop3A_275 : i32 to index
          %parallel_loop3A_277 = arith.index_cast %parallel_loop3A_231 : i32 to index
          %parallel_loop3A_278 = tpu.vector_load %arg14[%parallel_loop3A_276, %parallel_loop3A_277] {strides = array<i32>} : memref<32x768xf32, #tpu.memory_space<vmem>>, vector<16xf32>,
          tpu.vector_store %arg14[%parallel_loop3A_276, %parallel_loop3A_277], %parallel_loop3A_274 {strides = array<i32>} : memref<32x768xf32, #tpu.memory_space<vmem>>, vector<16xf32>,
          %parallel_loop3A_279 = arith.constant 5 : i32
          %parallel_loop3A_280 = arith.index_cast %parallel_loop3A_279 : i32 to index
          %parallel_loop3A_281 = arith.index_cast %parallel_loop3A_231 : i32 to index
          %parallel_loop3A_282 = tpu.vector_load %arg14[%parallel_loop3A_280, %parallel_loop3A_281] {strides = array<i32>} : memref<32x768xf32, #tpu.memory_space<vmem>>, vector<16xf32>,
          %parallel_loop3A_283 = arith.addf %parallel_loop3A_282, %parallel_loop3A_233 : vector<16xf32>
          %parallel_loop3A_284 = arith.constant 5 : i32
          %parallel_loop3A_285 = arith.index_cast %parallel_loop3A_284 : i32 to index
          %parallel_loop3A_286 = arith.index_cast %parallel_loop3A_231 : i32 to index
          %parallel_loop3A_287 = tpu.vector_load %arg14[%parallel_loop3A_285, %parallel_loop3A_286] {strides = array<i32>} : memref<32x768xf32, #tpu.memory_space<vmem>>, vector<16xf32>,
          tpu.vector_store %arg14[%parallel_loop3A_285, %parallel_loop3A_286], %parallel_loop3A_283 {strides = array<i32>} : memref<32x768xf32, #tpu.memory_space<vmem>>, vector<16xf32>,
          %parallel_loop3A_288 = arith.constant 6 : i32
          %parallel_loop3A_289 = arith.index_cast %parallel_loop3A_288 : i32 to index
          %parallel_loop3A_290 = arith.index_cast %parallel_loop3A_231 : i32 to index
          %parallel_loop3A_291 = tpu.vector_load %arg14[%parallel_loop3A_289, %parallel_loop3A_290] {strides = array<i32>} : memref<32x768xf32, #tpu.memory_space<vmem>>, vector<16xf32>,
          %parallel_loop3A_292 = arith.addf %parallel_loop3A_291, %parallel_loop3A_233 : vector<16xf32>
          %parallel_loop3A_293 = arith.constant 6 : i32
          %parallel_loop3A_294 = arith.index_cast %parallel_loop3A_293 : i32 to index
          %parallel_loop3A_295 = arith.index_cast %parallel_loop3A_231 : i32 to index
          %parallel_loop3A_296 = tpu.vector_load %arg14[%parallel_loop3A_294, %parallel_loop3A_295] {strides = array<i32>} : memref<32x768xf32, #tpu.memory_space<vmem>>, vector<16xf32>,
          tpu.vector_store %arg14[%parallel_loop3A_294, %parallel_loop3A_295], %parallel_loop3A_292 {strides = array<i32>} : memref<32x768xf32, #tpu.memory_space<vmem>>, vector<16xf32>,
          %parallel_loop3A_297 = arith.constant 7 : i32
          %parallel_loop3A_298 = arith.index_cast %parallel_loop3A_297 : i32 to index
          %parallel_loop3A_299 = arith.index_cast %parallel_loop3A_231 : i32 to index
          %parallel_loop3A_300 = tpu.vector_load %arg14[%parallel_loop3A_298, %parallel_loop3A_299] {strides = array<i32>} : memref<32x768xf32, #tpu.memory_space<vmem>>, vector<16xf32>,
          %parallel_loop3A_301 = arith.addf %parallel_loop3A_300, %parallel_loop3A_233 : vector<16xf32>
          %parallel_loop3A_302 = arith.constant 7 : i32
          %parallel_loop3A_303 = arith.index_cast %parallel_loop3A_302 : i32 to index
          %parallel_loop3A_304 = arith.index_cast %parallel_loop3A_231 : i32 to index
          %parallel_loop3A_305 = tpu.vector_load %arg14[%parallel_loop3A_303, %parallel_loop3A_304] {strides = array<i32>} : memref<32x768xf32, #tpu.memory_space<vmem>>, vector<16xf32>,
          tpu.vector_store %arg14[%parallel_loop3A_303, %parallel_loop3A_304], %parallel_loop3A_301 {strides = array<i32>} : memref<32x768xf32, #tpu.memory_space<vmem>>, vector<16xf32>,
          %parallel_loop3A_306 = arith.constant 8 : i32
          %parallel_loop3A_307 = arith.index_cast %parallel_loop3A_306 : i32 to index
          %parallel_loop3A_308 = arith.index_cast %parallel_loop3A_231 : i32 to index
          %parallel_loop3A_309 = tpu.vector_load %arg14[%parallel_loop3A_307, %parallel_loop3A_308] {strides = array<i32>} : memref<32x768xf32, #tpu.memory_space<vmem>>, vector<16xf32>,
          %parallel_loop3A_310 = arith.addf %parallel_loop3A_309, %parallel_loop3A_233 : vector<16xf32>
          %parallel_loop3A_311 = arith.constant 8 : i32
          %parallel_loop3A_312 = arith.index_cast %parallel_loop3A_311 : i32 to index
          %parallel_loop3A_313 = arith.index_cast %parallel_loop3A_231 : i32 to index
          %parallel_loop3A_314 = tpu.vector_load %arg14[%parallel_loop3A_312, %parallel_loop3A_313] {strides = array<i32>} : memref<32x768xf32, #tpu.memory_space<vmem>>, vector<16xf32>,
          tpu.vector_store %arg14[%parallel_loop3A_312, %parallel_loop3A_313], %parallel_loop3A_310 {strides = array<i32>} : memref<32x768xf32, #tpu.memory_space<vmem>>, vector<16xf32>,
          %parallel_loop3A_315 = arith.constant 9 : i32
          %parallel_loop3A_316 = arith.index_cast %parallel_loop3A_315 : i32 to index
          %parallel_loop3A_317 = arith.index_cast %parallel_loop3A_231 : i32 to index
          %parallel_loop3A_318 = tpu.vector_load %arg14[%parallel_loop3A_316, %parallel_loop3A_317] {strides = array<i32>} : memref<32x768xf32, #tpu.memory_space<vmem>>, vector<16xf32>,
          %parallel_loop3A_319 = arith.addf %parallel_loop3A_318, %parallel_loop3A_233 : vector<16xf32>
          %parallel_loop3A_320 = arith.constant 9 : i32
          %parallel_loop3A_321 = arith.index_cast %parallel_loop3A_320 : i32 to index
          %parallel_loop3A_322 = arith.index_cast %parallel_loop3A_231 : i32 to index
          %parallel_loop3A_323 = tpu.vector_load %arg14[%parallel_loop3A_321, %parallel_loop3A_322] {strides = array<i32>} : memref<32x768xf32, #tpu.memory_space<vmem>>, vector<16xf32>,
          tpu.vector_store %arg14[%parallel_loop3A_321, %parallel_loop3A_322], %parallel_loop3A_319 {strides = array<i32>} : memref<32x768xf32, #tpu.memory_space<vmem>>, vector<16xf32>,
          %parallel_loop3A_324 = arith.constant 10 : i32
          %parallel_loop3A_325 = arith.index_cast %parallel_loop3A_324 : i32 to index
          %parallel_loop3A_326 = arith.index_cast %parallel_loop3A_231 : i32 to index
          %parallel_loop3A_327 = tpu.vector_load %arg14[%parallel_loop3A_325, %parallel_loop3A_326] {strides = array<i32>} : memref<32x768xf32, #tpu.memory_space<vmem>>, vector<16xf32>,
          %parallel_loop3A_328 = arith.addf %parallel_loop3A_327, %parallel_loop3A_233 : vector<16xf32>
          %parallel_loop3A_329 = arith.constant 10 : i32
          %parallel_loop3A_330 = arith.index_cast %parallel_loop3A_329 : i32 to index
          %parallel_loop3A_331 = arith.index_cast %parallel_loop3A_231 : i32 to index
          %parallel_loop3A_332 = tpu.vector_load %arg14[%parallel_loop3A_330, %parallel_loop3A_331] {strides = array<i32>} : memref<32x768xf32, #tpu.memory_space<vmem>>, vector<16xf32>,
          tpu.vector_store %arg14[%parallel_loop3A_330, %parallel_loop3A_331], %parallel_loop3A_328 {strides = array<i32>} : memref<32x768xf32, #tpu.memory_space<vmem>>, vector<16xf32>,
          %parallel_loop3A_333 = arith.constant 11 : i32
          %parallel_loop3A_334 = arith.index_cast %parallel_loop3A_333 : i32 to index
          %parallel_loop3A_335 = arith.index_cast %parallel_loop3A_231 : i32 to index
          %parallel_loop3A_336 = tpu.vector_load %arg14[%parallel_loop3A_334, %parallel_loop3A_335] {strides = array<i32>} : memref<32x768xf32, #tpu.memory_space<vmem>>, vector<16xf32>,
          %parallel_loop3A_337 = arith.addf %parallel_loop3A_336, %parallel_loop3A_233 : vector<16xf32>
          %parallel_loop3A_338 = arith.constant 11 : i32
          %parallel_loop3A_339 = arith.index_cast %parallel_loop3A_338 : i32 to index
          %parallel_loop3A_340 = arith.index_cast %parallel_loop3A_231 : i32 to index
          %parallel_loop3A_341 = tpu.vector_load %arg14[%parallel_loop3A_339, %parallel_loop3A_340] {strides = array<i32>} : memref<32x768xf32, #tpu.memory_space<vmem>>, vector<16xf32>,
          tpu.vector_store %arg14[%parallel_loop3A_339, %parallel_loop3A_340], %parallel_loop3A_337 {strides = array<i32>} : memref<32x768xf32, #tpu.memory_space<vmem>>, vector<16xf32>,
          %parallel_loop3A_342 = arith.constant 12 : i32
          %parallel_loop3A_343 = arith.index_cast %parallel_loop3A_342 : i32 to index
          %parallel_loop3A_344 = arith.index_cast %parallel_loop3A_231 : i32 to index
          %parallel_loop3A_345 = tpu.vector_load %arg14[%parallel_loop3A_343, %parallel_loop3A_344] {strides = array<i32>} : memref<32x768xf32, #tpu.memory_space<vmem>>, vector<16xf32>,
          %parallel_loop3A_346 = arith.addf %parallel_loop3A_345, %parallel_loop3A_233 : vector<16xf32>
          %parallel_loop3A_347 = arith.constant 12 : i32
          %parallel_loop3A_348 = arith.index_cast %parallel_loop3A_347 : i32 to index
          %parallel_loop3A_349 = arith.index_cast %parallel_loop3A_231 : i32 to index
          %parallel_loop3A_350 = tpu.vector_load %arg14[%parallel_loop3A_348, %parallel_loop3A_349] {strides = array<i32>} : memref<32x768xf32, #tpu.memory_space<vmem>>, vector<16xf32>,
          tpu.vector_store %arg14[%parallel_loop3A_348, %parallel_loop3A_349], %parallel_loop3A_346 {strides = array<i32>} : memref<32x768xf32, #tpu.memory_space<vmem>>, vector<16xf32>,
          %parallel_loop3A_351 = arith.constant 13 : i32
          %parallel_loop3A_352 = arith.index_cast %parallel_loop3A_351 : i32 to index
          %parallel_loop3A_353 = arith.index_cast %parallel_loop3A_231 : i32 to index
          %parallel_loop3A_354 = tpu.vector_load %arg14[%parallel_loop3A_352, %parallel_loop3A_353] {strides = array<i32>} : memref<32x768xf32, #tpu.memory_space<vmem>>, vector<16xf32>,
          %parallel_loop3A_355 = arith.addf %parallel_loop3A_354, %parallel_loop3A_233 : vector<16xf32>
          %parallel_loop3A_356 = arith.constant 13 : i32
          %parallel_loop3A_357 = arith.index_cast %parallel_loop3A_356 : i32 to index
          %parallel_loop3A_358 = arith.index_cast %parallel_loop3A_231 : i32 to index
          %parallel_loop3A_359 = tpu.vector_load %arg14[%parallel_loop3A_357, %parallel_loop3A_358] {strides = array<i32>} : memref<32x768xf32, #tpu.memory_space<vmem>>, vector<16xf32>,
          tpu.vector_store %arg14[%parallel_loop3A_357, %parallel_loop3A_358], %parallel_loop3A_355 {strides = array<i32>} : memref<32x768xf32, #tpu.memory_space<vmem>>, vector<16xf32>,
          %parallel_loop3A_360 = arith.constant 14 : i32
          %parallel_loop3A_361 = arith.index_cast %parallel_loop3A_360 : i32 to index
          %parallel_loop3A_362 = arith.index_cast %parallel_loop3A_231 : i32 to index
          %parallel_loop3A_363 = tpu.vector_load %arg14[%parallel_loop3A_361, %parallel_loop3A_362] {strides = array<i32>} : memref<32x768xf32, #tpu.memory_space<vmem>>, vector<16xf32>,
          %parallel_loop3A_364 = arith.addf %parallel_loop3A_363, %parallel_loop3A_233 : vector<16xf32>
          %parallel_loop3A_365 = arith.constant 14 : i32
          %parallel_loop3A_366 = arith.index_cast %parallel_loop3A_365 : i32 to index
          %parallel_loop3A_367 = arith.index_cast %parallel_loop3A_231 : i32 to index
          %parallel_loop3A_368 = tpu.vector_load %arg14[%parallel_loop3A_366, %parallel_loop3A_367] {strides = array<i32>} : memref<32x768xf32, #tpu.memory_space<vmem>>, vector<16xf32>,
          tpu.vector_store %arg14[%parallel_loop3A_366, %parallel_loop3A_367], %parallel_loop3A_364 {strides = array<i32>} : memref<32x768xf32, #tpu.memory_space<vmem>>, vector<16xf32>,
          %parallel_loop3A_369 = arith.constant 15 : i32
          %parallel_loop3A_370 = arith.index_cast %parallel_loop3A_369 : i32 to index
          %parallel_loop3A_371 = arith.index_cast %parallel_loop3A_231 : i32 to index
          %parallel_loop3A_372 = tpu.vector_load %arg14[%parallel_loop3A_370, %parallel_loop3A_371] {strides = array<i32>} : memref<32x768xf32, #tpu.memory_space<vmem>>, vector<16xf32>,
          %parallel_loop3A_373 = arith.addf %parallel_loop3A_372, %parallel_loop3A_233 : vector<16xf32>
          %parallel_loop3A_374 = arith.constant 15 : i32
          %parallel_loop3A_375 = arith.index_cast %parallel_loop3A_374 : i32 to index
          %parallel_loop3A_376 = arith.index_cast %parallel_loop3A_231 : i32 to index
          %parallel_loop3A_377 = tpu.vector_load %arg14[%parallel_loop3A_375, %parallel_loop3A_376] {strides = array<i32>} : memref<32x768xf32, #tpu.memory_space<vmem>>, vector<16xf32>,
          tpu.vector_store %arg14[%parallel_loop3A_375, %parallel_loop3A_376], %parallel_loop3A_373 {strides = array<i32>} : memref<32x768xf32, #tpu.memory_space<vmem>>, vector<16xf32>,
          %parallel_loop3A_378 = arith.constant 16 : i32
          %parallel_loop3A_379 = arith.index_cast %parallel_loop3A_378 : i32 to index
          %parallel_loop3A_380 = arith.index_cast %parallel_loop3A_231 : i32 to index
          %parallel_loop3A_381 = tpu.vector_load %arg14[%parallel_loop3A_379, %parallel_loop3A_380] {strides = array<i32>} : memref<32x768xf32, #tpu.memory_space<vmem>>, vector<16xf32>,
          %parallel_loop3A_382 = arith.addf %parallel_loop3A_381, %parallel_loop3A_233 : vector<16xf32>
          %parallel_loop3A_383 = arith.constant 16 : i32
          %parallel_loop3A_384 = arith.index_cast %parallel_loop3A_383 : i32 to index
          %parallel_loop3A_385 = arith.index_cast %parallel_loop3A_231 : i32 to index
          %parallel_loop3A_386 = tpu.vector_load %arg14[%parallel_loop3A_384, %parallel_loop3A_385] {strides = array<i32>} : memref<32x768xf32, #tpu.memory_space<vmem>>, vector<16xf32>,
          tpu.vector_store %arg14[%parallel_loop3A_384, %parallel_loop3A_385], %parallel_loop3A_382 {strides = array<i32>} : memref<32x768xf32, #tpu.memory_space<vmem>>, vector<16xf32>,
          %parallel_loop3A_387 = arith.constant 17 : i32
          %parallel_loop3A_388 = arith.index_cast %parallel_loop3A_387 : i32 to index
          %parallel_loop3A_389 = arith.index_cast %parallel_loop3A_231 : i32 to index
          %parallel_loop3A_390 = tpu.vector_load %arg14[%parallel_loop3A_388, %parallel_loop3A_389] {strides = array<i32>} : memref<32x768xf32, #tpu.memory_space<vmem>>, vector<16xf32>,
          %parallel_loop3A_391 = arith.addf %parallel_loop3A_390, %parallel_loop3A_233 : vector<16xf32>
          %parallel_loop3A_392 = arith.constant 17 : i32
          %parallel_loop3A_393 = arith.index_cast %parallel_loop3A_392 : i32 to index
          %parallel_loop3A_394 = arith.index_cast %parallel_loop3A_231 : i32 to index
          %parallel_loop3A_395 = tpu.vector_load %arg14[%parallel_loop3A_393, %parallel_loop3A_394] {strides = array<i32>} : memref<32x768xf32, #tpu.memory_space<vmem>>, vector<16xf32>,
          tpu.vector_store %arg14[%parallel_loop3A_393, %parallel_loop3A_394], %parallel_loop3A_391 {strides = array<i32>} : memref<32x768xf32, #tpu.memory_space<vmem>>, vector<16xf32>,
          %parallel_loop3A_396 = arith.constant 18 : i32
          %parallel_loop3A_397 = arith.index_cast %parallel_loop3A_396 : i32 to index
          %parallel_loop3A_398 = arith.index_cast %parallel_loop3A_231 : i32 to index
          %parallel_loop3A_399 = tpu.vector_load %arg14[%parallel_loop3A_397, %parallel_loop3A_398] {strides = array<i32>} : memref<32x768xf32, #tpu.memory_space<vmem>>, vector<16xf32>,
          %parallel_loop3A_400 = arith.addf %parallel_loop3A_399, %parallel_loop3A_233 : vector<16xf32>
          %parallel_loop3A_401 = arith.constant 18 : i32
          %parallel_loop3A_402 = arith.index_cast %parallel_loop3A_401 : i32 to index
          %parallel_loop3A_403 = arith.index_cast %parallel_loop3A_231 : i32 to index
          %parallel_loop3A_404 = tpu.vector_load %arg14[%parallel_loop3A_402, %parallel_loop3A_403] {strides = array<i32>} : memref<32x768xf32, #tpu.memory_space<vmem>>, vector<16xf32>,
          tpu.vector_store %arg14[%parallel_loop3A_402, %parallel_loop3A_403], %parallel_loop3A_400 {strides = array<i32>} : memref<32x768xf32, #tpu.memory_space<vmem>>, vector<16xf32>,
          %parallel_loop3A_405 = arith.constant 19 : i32
          %parallel_loop3A_406 = arith.index_cast %parallel_loop3A_405 : i32 to index
          %parallel_loop3A_407 = arith.index_cast %parallel_loop3A_231 : i32 to index
          %parallel_loop3A_408 = tpu.vector_load %arg14[%parallel_loop3A_406, %parallel_loop3A_407] {strides = array<i32>} : memref<32x768xf32, #tpu.memory_space<vmem>>, vector<16xf32>,
          %parallel_loop3A_409 = arith.addf %parallel_loop3A_408, %parallel_loop3A_233 : vector<16xf32>
          %parallel_loop3A_410 = arith.constant 19 : i32
          %parallel_loop3A_411 = arith.index_cast %parallel_loop3A_410 : i32 to index
          %parallel_loop3A_412 = arith.index_cast %parallel_loop3A_231 : i32 to index
          %parallel_loop3A_413 = tpu.vector_load %arg14[%parallel_loop3A_411, %parallel_loop3A_412] {strides = array<i32>} : memref<32x768xf32, #tpu.memory_space<vmem>>, vector<16xf32>,
          tpu.vector_store %arg14[%parallel_loop3A_411, %parallel_loop3A_412], %parallel_loop3A_409 {strides = array<i32>} : memref<32x768xf32, #tpu.memory_space<vmem>>, vector<16xf32>,
          %parallel_loop3A_414 = arith.constant 20 : i32
          %parallel_loop3A_415 = arith.index_cast %parallel_loop3A_414 : i32 to index
          %parallel_loop3A_416 = arith.index_cast %parallel_loop3A_231 : i32 to index
          %parallel_loop3A_417 = tpu.vector_load %arg14[%parallel_loop3A_415, %parallel_loop3A_416] {strides = array<i32>} : memref<32x768xf32, #tpu.memory_space<vmem>>, vector<16xf32>,
          %parallel_loop3A_418 = arith.addf %parallel_loop3A_417, %parallel_loop3A_233 : vector<16xf32>
          %parallel_loop3A_419 = arith.constant 20 : i32
          %parallel_loop3A_420 = arith.index_cast %parallel_loop3A_419 : i32 to index
          %parallel_loop3A_421 = arith.index_cast %parallel_loop3A_231 : i32 to index
          %parallel_loop3A_422 = tpu.vector_load %arg14[%parallel_loop3A_420, %parallel_loop3A_421] {strides = array<i32>} : memref<32x768xf32, #tpu.memory_space<vmem>>, vector<16xf32>,
          tpu.vector_store %arg14[%parallel_loop3A_420, %parallel_loop3A_421], %parallel_loop3A_418 {strides = array<i32>} : memref<32x768xf32, #tpu.memory_space<vmem>>, vector<16xf32>,
          %parallel_loop3A_423 = arith.constant 21 : i32
          %parallel_loop3A_424 = arith.index_cast %parallel_loop3A_423 : i32 to index
          %parallel_loop3A_425 = arith.index_cast %parallel_loop3A_231 : i32 to index
          %parallel_loop3A_426 = tpu.vector_load %arg14[%parallel_loop3A_424, %parallel_loop3A_425] {strides = array<i32>} : memref<32x768xf32, #tpu.memory_space<vmem>>, vector<16xf32>,
          %parallel_loop3A_427 = arith.addf %parallel_loop3A_426, %parallel_loop3A_233 : vector<16xf32>
          %parallel_loop3A_428 = arith.constant 21 : i32
          %parallel_loop3A_429 = arith.index_cast %parallel_loop3A_428 : i32 to index
          %parallel_loop3A_430 = arith.index_cast %parallel_loop3A_231 : i32 to index
          %parallel_loop3A_431 = tpu.vector_load %arg14[%parallel_loop3A_429, %parallel_loop3A_430] {strides = array<i32>} : memref<32x768xf32, #tpu.memory_space<vmem>>, vector<16xf32>,
          tpu.vector_store %arg14[%parallel_loop3A_429, %parallel_loop3A_430], %parallel_loop3A_427 {strides = array<i32>} : memref<32x768xf32, #tpu.memory_space<vmem>>, vector<16xf32>,
          %parallel_loop3A_432 = arith.constant 22 : i32
          %parallel_loop3A_433 = arith.index_cast %parallel_loop3A_432 : i32 to index
          %parallel_loop3A_434 = arith.index_cast %parallel_loop3A_231 : i32 to index
          %parallel_loop3A_435 = tpu.vector_load %arg14[%parallel_loop3A_433, %parallel_loop3A_434] {strides = array<i32>} : memref<32x768xf32, #tpu.memory_space<vmem>>, vector<16xf32>,
          %parallel_loop3A_436 = arith.addf %parallel_loop3A_435, %parallel_loop3A_233 : vector<16xf32>
          %parallel_loop3A_437 = arith.constant 22 : i32
          %parallel_loop3A_438 = arith.index_cast %parallel_loop3A_437 : i32 to index
          %parallel_loop3A_439 = arith.index_cast %parallel_loop3A_231 : i32 to index
          %parallel_loop3A_440 = tpu.vector_load %arg14[%parallel_loop3A_438, %parallel_loop3A_439] {strides = array<i32>} : memref<32x768xf32, #tpu.memory_space<vmem>>, vector<16xf32>,
          tpu.vector_store %arg14[%parallel_loop3A_438, %parallel_loop3A_439], %parallel_loop3A_436 {strides = array<i32>} : memref<32x768xf32, #tpu.memory_space<vmem>>, vector<16xf32>,
          %parallel_loop3A_441 = arith.constant 23 : i32
          %parallel_loop3A_442 = arith.index_cast %parallel_loop3A_441 : i32 to index
          %parallel_loop3A_443 = arith.index_cast %parallel_loop3A_231 : i32 to index
          %parallel_loop3A_444 = tpu.vector_load %arg14[%parallel_loop3A_442, %parallel_loop3A_443] {strides = array<i32>} : memref<32x768xf32, #tpu.memory_space<vmem>>, vector<16xf32>,
          %parallel_loop3A_445 = arith.addf %parallel_loop3A_444, %parallel_loop3A_233 : vector<16xf32>
          %parallel_loop3A_446 = arith.constant 23 : i32
          %parallel_loop3A_447 = arith.index_cast %parallel_loop3A_446 : i32 to index
          %parallel_loop3A_448 = arith.index_cast %parallel_loop3A_231 : i32 to index
          %parallel_loop3A_449 = tpu.vector_load %arg14[%parallel_loop3A_447, %parallel_loop3A_448] {strides = array<i32>} : memref<32x768xf32, #tpu.memory_space<vmem>>, vector<16xf32>,
          tpu.vector_store %arg14[%parallel_loop3A_447, %parallel_loop3A_448], %parallel_loop3A_445 {strides = array<i32>} : memref<32x768xf32, #tpu.memory_space<vmem>>, vector<16xf32>,
          %parallel_loop3A_450 = arith.constant 24 : i32
          %parallel_loop3A_451 = arith.index_cast %parallel_loop3A_450 : i32 to index
          %parallel_loop3A_452 = arith.index_cast %parallel_loop3A_231 : i32 to index
          %parallel_loop3A_453 = tpu.vector_load %arg14[%parallel_loop3A_451, %parallel_loop3A_452] {strides = array<i32>} : memref<32x768xf32, #tpu.memory_space<vmem>>, vector<16xf32>,
          %parallel_loop3A_454 = arith.addf %parallel_loop3A_453, %parallel_loop3A_233 : vector<16xf32>
          %parallel_loop3A_455 = arith.constant 24 : i32
          %parallel_loop3A_456 = arith.index_cast %parallel_loop3A_455 : i32 to index
          %parallel_loop3A_457 = arith.index_cast %parallel_loop3A_231 : i32 to index
          %parallel_loop3A_458 = tpu.vector_load %arg14[%parallel_loop3A_456, %parallel_loop3A_457] {strides = array<i32>} : memref<32x768xf32, #tpu.memory_space<vmem>>, vector<16xf32>,
          tpu.vector_store %arg14[%parallel_loop3A_456, %parallel_loop3A_457], %parallel_loop3A_454 {strides = array<i32>} : memref<32x768xf32, #tpu.memory_space<vmem>>, vector<16xf32>,
          %parallel_loop3A_459 = arith.constant 25 : i32
          %parallel_loop3A_460 = arith.index_cast %parallel_loop3A_459 : i32 to index
          %parallel_loop3A_461 = arith.index_cast %parallel_loop3A_231 : i32 to index
          %parallel_loop3A_462 = tpu.vector_load %arg14[%parallel_loop3A_460, %parallel_loop3A_461] {strides = array<i32>} : memref<32x768xf32, #tpu.memory_space<vmem>>, vector<16xf32>,
          %parallel_loop3A_463 = arith.addf %parallel_loop3A_462, %parallel_loop3A_233 : vector<16xf32>
          %parallel_loop3A_464 = arith.constant 25 : i32
          %parallel_loop3A_465 = arith.index_cast %parallel_loop3A_464 : i32 to index
          %parallel_loop3A_466 = arith.index_cast %parallel_loop3A_231 : i32 to index
          %parallel_loop3A_467 = tpu.vector_load %arg14[%parallel_loop3A_465, %parallel_loop3A_466] {strides = array<i32>} : memref<32x768xf32, #tpu.memory_space<vmem>>, vector<16xf32>,
          tpu.vector_store %arg14[%parallel_loop3A_465, %parallel_loop3A_466], %parallel_loop3A_463 {strides = array<i32>} : memref<32x768xf32, #tpu.memory_space<vmem>>, vector<16xf32>,
          %parallel_loop3A_468 = arith.constant 26 : i32
          %parallel_loop3A_469 = arith.index_cast %parallel_loop3A_468 : i32 to index
          %parallel_loop3A_470 = arith.index_cast %parallel_loop3A_231 : i32 to index
          %parallel_loop3A_471 = tpu.vector_load %arg14[%parallel_loop3A_469, %parallel_loop3A_470] {strides = array<i32>} : memref<32x768xf32, #tpu.memory_space<vmem>>, vector<16xf32>,
          %parallel_loop3A_472 = arith.addf %parallel_loop3A_471, %parallel_loop3A_233 : vector<16xf32>
          %parallel_loop3A_473 = arith.constant 26 : i32
          %parallel_loop3A_474 = arith.index_cast %parallel_loop3A_473 : i32 to index
          %parallel_loop3A_475 = arith.index_cast %parallel_loop3A_231 : i32 to index
          %parallel_loop3A_476 = tpu.vector_load %arg14[%parallel_loop3A_474, %parallel_loop3A_475] {strides = array<i32>} : memref<32x768xf32, #tpu.memory_space<vmem>>, vector<16xf32>,
          tpu.vector_store %arg14[%parallel_loop3A_474, %parallel_loop3A_475], %parallel_loop3A_472 {strides = array<i32>} : memref<32x768xf32, #tpu.memory_space<vmem>>, vector<16xf32>,
          %parallel_loop3A_477 = arith.constant 27 : i32
          %parallel_loop3A_478 = arith.index_cast %parallel_loop3A_477 : i32 to index
          %parallel_loop3A_479 = arith.index_cast %parallel_loop3A_231 : i32 to index
          %parallel_loop3A_480 = tpu.vector_load %arg14[%parallel_loop3A_478, %parallel_loop3A_479] {strides = array<i32>} : memref<32x768xf32, #tpu.memory_space<vmem>>, vector<16xf32>,
          %parallel_loop3A_481 = arith.addf %parallel_loop3A_480, %parallel_loop3A_233 : vector<16xf32>
          %parallel_loop3A_482 = arith.constant 27 : i32
          %parallel_loop3A_483 = arith.index_cast %parallel_loop3A_482 : i32 to index
          %parallel_loop3A_484 = arith.index_cast %parallel_loop3A_231 : i32 to index
          %parallel_loop3A_485 = tpu.vector_load %arg14[%parallel_loop3A_483, %parallel_loop3A_484] {strides = array<i32>} : memref<32x768xf32, #tpu.memory_space<vmem>>, vector<16xf32>,
          tpu.vector_store %arg14[%parallel_loop3A_483, %parallel_loop3A_484], %parallel_loop3A_481 {strides = array<i32>} : memref<32x768xf32, #tpu.memory_space<vmem>>, vector<16xf32>,
          %parallel_loop3A_486 = arith.constant 28 : i32
          %parallel_loop3A_487 = arith.index_cast %parallel_loop3A_486 : i32 to index
          %parallel_loop3A_488 = arith.index_cast %parallel_loop3A_231 : i32 to index
          %parallel_loop3A_489 = tpu.vector_load %arg14[%parallel_loop3A_487, %parallel_loop3A_488] {strides = array<i32>} : memref<32x768xf32, #tpu.memory_space<vmem>>, vector<16xf32>,
          %parallel_loop3A_490 = arith.addf %parallel_loop3A_489, %parallel_loop3A_233 : vector<16xf32>
          %parallel_loop3A_491 = arith.constant 28 : i32
          %parallel_loop3A_492 = arith.index_cast %parallel_loop3A_491 : i32 to index
          %parallel_loop3A_493 = arith.index_cast %parallel_loop3A_231 : i32 to index
          %parallel_loop3A_494 = tpu.vector_load %arg14[%parallel_loop3A_492, %parallel_loop3A_493] {strides = array<i32>} : memref<32x768xf32, #tpu.memory_space<vmem>>, vector<16xf32>,
          tpu.vector_store %arg14[%parallel_loop3A_492, %parallel_loop3A_493], %parallel_loop3A_490 {strides = array<i32>} : memref<32x768xf32, #tpu.memory_space<vmem>>, vector<16xf32>,
          %parallel_loop3A_495 = arith.constant 29 : i32
          %parallel_loop3A_496 = arith.index_cast %parallel_loop3A_495 : i32 to index
          %parallel_loop3A_497 = arith.index_cast %parallel_loop3A_231 : i32 to index
          %parallel_loop3A_498 = tpu.vector_load %arg14[%parallel_loop3A_496, %parallel_loop3A_497] {strides = array<i32>} : memref<32x768xf32, #tpu.memory_space<vmem>>, vector<16xf32>,
          %parallel_loop3A_499 = arith.addf %parallel_loop3A_498, %parallel_loop3A_233 : vector<16xf32>
          %parallel_loop3A_500 = arith.constant 29 : i32
          %parallel_loop3A_501 = arith.index_cast %parallel_loop3A_500 : i32 to index
          %parallel_loop3A_502 = arith.index_cast %parallel_loop3A_231 : i32 to index
          %parallel_loop3A_503 = tpu.vector_load %arg14[%parallel_loop3A_501, %parallel_loop3A_502] {strides = array<i32>} : memref<32x768xf32, #tpu.memory_space<vmem>>, vector<16xf32>,
          tpu.vector_store %arg14[%parallel_loop3A_501, %parallel_loop3A_502], %parallel_loop3A_499 {strides = array<i32>} : memref<32x768xf32, #tpu.memory_space<vmem>>, vector<16xf32>,
          %parallel_loop3A_504 = arith.constant 30 : i32
          %parallel_loop3A_505 = arith.index_cast %parallel_loop3A_504 : i32 to index
          %parallel_loop3A_506 = arith.index_cast %parallel_loop3A_231 : i32 to index
          %parallel_loop3A_507 = tpu.vector_load %arg14[%parallel_loop3A_505, %parallel_loop3A_506] {strides = array<i32>} : memref<32x768xf32, #tpu.memory_space<vmem>>, vector<16xf32>,
          %parallel_loop3A_508 = arith.addf %parallel_loop3A_507, %parallel_loop3A_233 : vector<16xf32>
          %parallel_loop3A_509 = arith.constant 30 : i32
          %parallel_loop3A_510 = arith.index_cast %parallel_loop3A_509 : i32 to index
          %parallel_loop3A_511 = arith.index_cast %parallel_loop3A_231 : i32 to index
          %parallel_loop3A_512 = tpu.vector_load %arg14[%parallel_loop3A_510, %parallel_loop3A_511] {strides = array<i32>} : memref<32x768xf32, #tpu.memory_space<vmem>>, vector<16xf32>,
          tpu.vector_store %arg14[%parallel_loop3A_510, %parallel_loop3A_511], %parallel_loop3A_508 {strides = array<i32>} : memref<32x768xf32, #tpu.memory_space<vmem>>, vector<16xf32>,
          %parallel_loop3A_513 = arith.constant 31 : i32
          %parallel_loop3A_514 = arith.index_cast %parallel_loop3A_513 : i32 to index
          %parallel_loop3A_515 = arith.index_cast %parallel_loop3A_231 : i32 to index
          %parallel_loop3A_516 = tpu.vector_load %arg14[%parallel_loop3A_514, %parallel_loop3A_515] {strides = array<i32>} : memref<32x768xf32, #tpu.memory_space<vmem>>, vector<16xf32>,
          %parallel_loop3A_517 = arith.addf %parallel_loop3A_516, %parallel_loop3A_233 : vector<16xf32>
          %parallel_loop3A_518 = arith.constant 31 : i32
          %parallel_loop3A_519 = arith.index_cast %parallel_loop3A_518 : i32 to index
          %parallel_loop3A_520 = arith.index_cast %parallel_loop3A_231 : i32 to index
          %parallel_loop3A_521 = tpu.vector_load %arg14[%parallel_loop3A_519, %parallel_loop3A_520] {strides = array<i32>} : memref<32x768xf32, #tpu.memory_space<vmem>>, vector<16xf32>,
          tpu.vector_store %arg14[%parallel_loop3A_519, %parallel_loop3A_520], %parallel_loop3A_517 {strides = array<i32>} : memref<32x768xf32, #tpu.memory_space<vmem>>, vector<16xf32>,
        } {sc.loop_unroll_factor = 1 : i64, sc.parallel_access}
      } else {
      }
      %and3A_112 = arith.constant 3 : i32
      %and3A_113 = arith.andi %add3A_86, %and3A_112 : i32
      %mul3A_114 = arith.constant 8192 : i32
      %mul3A_115 = arith.muli %and3A_113, %mul3A_114 : i32
      %add3A_116 = arith.addi %mul3A_115, %mul3A_2 : i32
      %shift_right_arithmetic3A_117 = arith.constant 2 : i32
      %shift_right_arithmetic3A_118 = arith.shrsi %add3A_86, %shift_right_arithmetic3A_117 : i32
      %mul3A_119 = arith.constant 32 : i32
      %mul3A_120 = arith.muli %shift_right_arithmetic3A_118, %mul3A_119 : i32
      %add3A_121 = arith.addi %add3A_116, %mul3A_120 : i32
      %dma_start3A_122 = arith.constant 0 : i32
      %dma_start3A_123 = tpu.memref_slice %arg8[%add3A_121, %dma_start3A_122] : memref<32768x768xf32, #tpu.memory_space<hbm>> -> memref<32x768xf32, #tpu.memory_space<hbm>>
      %dma_start3A_124 = arith.constant 0 : i32
      %dma_start3A_125 = tpu.memref_slice %arg8[%add3A_121, %dma_start3A_124] : memref<32768x768xf32, #tpu.memory_space<hbm>> -> memref<32x768xf32, #tpu.memory_space<hbm>>
      tpu.enqueue_dma source(%arg10 : memref<32x768xf32, #tpu.memory_space<vmem>>) target(%dma_start3A_125 : memref<32x768xf32, #tpu.memory_space<hbm>>) target_semaphore(%arg25 : memref<!tpu.dma_semaphore, #tpu.memory_space<semaphore_mem>>)
      %add3A_126 = arith.constant 1 : i32
      %add3A_127 = arith.addi %mul3A_84, %add3A_126 : i32
      %and3A_128 = arith.constant 3 : i32
      %and3A_129 = arith.andi %add3A_127, %and3A_128 : i32
      %mul3A_130 = arith.constant 256 : i32
      %mul3A_131 = arith.muli %and3A_129, %mul3A_130 : i32
      %shift_right_arithmetic3A_132 = arith.constant 2 : i32
      %shift_right_arithmetic3A_133 = arith.shrsi %add3A_127, %shift_right_arithmetic3A_132 : i32
      %mul3A_134 = arith.constant 32 : i32
      %mul3A_135 = arith.muli %shift_right_arithmetic3A_133, %mul3A_134 : i32
      %add3A_136 = arith.addi %mul3A_131, %mul3A_135 : i32
      %dma_wait3A_137 = tpu.memref_slice %arg9[%add3A_136] : memref<1024xi32, #tpu.memory_space<vmem>> -> memref<32xi32, #tpu.memory_space<vmem>>
      %dma_wait3A_138 = arith.constant 0 : i32
      %dma_wait3A_139 = arith.constant 0 : i32
      %dma_wait3A_140 = tpu.memref_slice %arg3[%dma_wait3A_138, %dma_wait3A_139] : memref<100000x768xf32, #tpu.memory_space<hbm>> -> memref<100000x768xf32, #tpu.memory_space<hbm>>
      tpu.wait_indirect_dma semaphore(%arg23 : memref<!tpu.dma_semaphore, #tpu.memory_space<semaphore_mem>>) src(%dma_wait3A_140 : memref<100000x768xf32, #tpu.memory_space<hbm>>) dst(%arg11 : memref<32x768xf32, #tpu.memory_space<vmem>>)
      %ge3A_141 = arith.constant 2 : i32
      %ge3A_142 = arith.cmpi sge, %add3A_127, %ge3A_141 : i32
      %convert_element_type3A_143 = arith.extui %ge3A_142 : i1 to i32
      %cond3A_144 = arith.constant 0 : i32
      %cond3A_145 = arith.cmpi ne, %convert_element_type3A_143, %cond3A_144 : i32
      scf.if %cond3A_145 {
        %add3A_222 = arith.constant 1 : i32
        %add3A_223 = arith.addi %add3A_127, %add3A_222 : i32
        %sub3A = arith.constant 3 : i32
        %sub3A_224 = arith.subi %add3A_223, %sub3A : i32
        %and3A_225 = arith.constant 3 : i32
        %and3A_226 = arith.andi %sub3A_224, %and3A_225 : i32
        %mul3A_227 = arith.constant 8192 : i32
        %mul3A_228 = arith.muli %and3A_226, %mul3A_227 : i32
        %add3A_229 = arith.addi %mul3A_228, %mul3A_2 : i32
        %shift_right_arithmetic3A_230 = arith.constant 2 : i32
        %shift_right_arithmetic3A_231 = arith.shrsi %sub3A_224, %shift_right_arithmetic3A_230 : i32
        %mul3A_232 = arith.constant 32 : i32
        %mul3A_233 = arith.muli %shift_right_arithmetic3A_231, %mul3A_232 : i32
        %add3A_234 = arith.addi %add3A_229, %mul3A_233 : i32
        %dma_wait3A_235 = arith.constant 0 : i32
        %dma_wait3A_236 = tpu.memref_slice %arg8[%add3A_234, %dma_wait3A_235] : memref<32768x768xf32, #tpu.memory_space<hbm>> -> memref<32x768xf32, #tpu.memory_space<hbm>>
        %dma_wait3A_237 = arith.constant 0 : i32
        %dma_wait3A_238 = tpu.memref_slice %arg8[%add3A_234, %dma_wait3A_237] : memref<32768x768xf32, #tpu.memory_space<hbm>> -> memref<32x768xf32, #tpu.memory_space<hbm>>
        tpu.wait_dma2 semaphore(%arg27 : memref<!tpu.dma_semaphore, #tpu.memory_space<semaphore_mem>>) src(%arg12 : memref<32x768xf32, #tpu.memory_space<vmem>>) dst(%dma_wait3A_238 : memref<32x768xf32, #tpu.memory_space<hbm>>)
      } else {
      }
      %add3A_146 = arith.constant 1 : i32
      %add3A_147 = arith.addi %add3A_127, %add3A_146 : i32
      %lt3A_148 = arith.constant 32 : i32
      %lt3A_149 = arith.cmpi slt, %add3A_147, %lt3A_148 : i32
      %convert_element_type3A_150 = arith.extui %lt3A_149 : i1 to i32
      %cond3A_151 = arith.constant 0 : i32
      %cond3A_152 = arith.cmpi ne, %convert_element_type3A_150, %cond3A_151 : i32
      scf.if %cond3A_152 {
        %add3A_222 = arith.constant 1 : i32
        %add3A_223 = arith.addi %add3A_127, %add3A_222 : i32
        %and3A_224 = arith.constant 3 : i32
        %and3A_225 = arith.andi %add3A_223, %and3A_224 : i32
        %mul3A_226 = arith.constant 256 : i32
        %mul3A_227 = arith.muli %and3A_225, %mul3A_226 : i32
        %shift_right_arithmetic3A_228 = arith.constant 2 : i32
        %shift_right_arithmetic3A_229 = arith.shrsi %add3A_223, %shift_right_arithmetic3A_228 : i32
        %mul3A_230 = arith.constant 32 : i32
        %mul3A_231 = arith.muli %shift_right_arithmetic3A_229, %mul3A_230 : i32
        %add3A_232 = arith.addi %mul3A_227, %mul3A_231 : i32
        %dma_start3A_233 = tpu.memref_slice %arg9[%add3A_232] : memref<1024xi32, #tpu.memory_space<vmem>> -> memref<32xi32, #tpu.memory_space<vmem>>
        %dma_start3A_234 = arith.constant 0 : i32
        %dma_start3A_235 = arith.constant 0 : i32
        %dma_start3A_236 = tpu.memref_slice %arg3[%dma_start3A_234, %dma_start3A_235] : memref<100000x768xf32, #tpu.memory_space<hbm>> -> memref<100000x768xf32, #tpu.memory_space<hbm>>
        tpu.enqueue_indirect_dma source(%dma_start3A_236 : memref<100000x768xf32, #tpu.memory_space<hbm>>) target(%arg12 : memref<32x768xf32, #tpu.memory_space<vmem>>) offsets(%dma_start3A_233 : memref<32xi32, #tpu.memory_space<vmem>>) semaphore(%arg24 : memref<!tpu.dma_semaphore, #tpu.memory_space<semaphore_mem>>)
      } else {
      }
      %and3A_153 = arith.constant 3 : i32
      %and3A_154 = arith.andi %add3A_127, %and3A_153 : i32
      %eq3A_155 = arith.constant 0 : i32
      %eq3A_156 = arith.cmpi eq, %and3A_154, %eq3A_155 : i32
      %convert_element_type3A_157 = arith.extui %eq3A_156 : i1 to i32
      %cond3A_158 = arith.constant 0 : i32
      %cond3A_159 = arith.cmpi ne, %convert_element_type3A_157, %cond3A_158 : i32
      scf.if %cond3A_159 {
        %shift_right_arithmetic3A_222 = arith.constant 2 : i32
        %shift_right_arithmetic3A_223 = arith.shrsi %add3A_127, %shift_right_arithmetic3A_222 : i32
        %mul3A_224 = arith.constant 32 : i32
        %mul3A_225 = arith.muli %shift_right_arithmetic3A_223, %mul3A_224 : i32
        %add3A_226 = arith.addi %mul3A_2, %mul3A_225 : i32
        "tpu.region"() ({
          %run_scoped3A = tpu.sem_alloc : memref<!tpu.dma_semaphore, #tpu.memory_space<semaphore_mem>>
          %dma_start3A_229 = arith.constant 0 : i32
          %dma_start3A_230 = tpu.memref_slice %arg4[%add3A_226, %dma_start3A_229] : memref<8192x768xf32, #tpu.memory_space<hbm>> -> memref<32x768xf32, #tpu.memory_space<hbm>>
          %dma_start3A_231 = arith.constant 0 : i32
          %dma_start3A_232 = tpu.memref_slice %arg4[%add3A_226, %dma_start3A_231] : memref<8192x768xf32, #tpu.memory_space<hbm>> -> memref<32x768xf32, #tpu.memory_space<hbm>>
          tpu.enqueue_dma source(%dma_start3A_232 : memref<32x768xf32, #tpu.memory_space<hbm>>) target(%arg14 : memref<32x768xf32, #tpu.memory_space<vmem>>) target_semaphore(%run_scoped3A : memref<!tpu.dma_semaphore, #tpu.memory_space<semaphore_mem>>)
          %dma_wait3A_233 = arith.constant 0 : i32
          %dma_wait3A_234 = tpu.memref_slice %arg4[%add3A_226, %dma_wait3A_233] : memref<8192x768xf32, #tpu.memory_space<hbm>> -> memref<32x768xf32, #tpu.memory_space<hbm>>
          %dma_wait3A_235 = arith.constant 0 : i32
          %dma_wait3A_236 = tpu.memref_slice %arg4[%add3A_226, %dma_wait3A_235] : memref<8192x768xf32, #tpu.memory_space<hbm>> -> memref<32x768xf32, #tpu.memory_space<hbm>>
          tpu.wait_dma2 semaphore(%run_scoped3A : memref<!tpu.dma_semaphore, #tpu.memory_space<semaphore_mem>>) src(%dma_wait3A_236 : memref<32x768xf32, #tpu.memory_space<hbm>>) dst(%arg14 : memref<32x768xf32, #tpu.memory_space<vmem>>)
          tpu.yield
        }) : () -> ()
        %parallel_loop3A = arith.constant 0 : i32
        %parallel_loop3A_227 = arith.constant 48 : i32
        %parallel_loop3A_228 = arith.constant 1 : i32
        scf.for %parallel_loop3A_229 = %parallel_loop3A to %parallel_loop3A_227 step %parallel_loop3A_228  : i32 {
          %parallel_loop3A_230 = arith.constant 16 : i32
          %parallel_loop3A_231 = arith.muli %parallel_loop3A_229, %parallel_loop3A_230 : i32
          %parallel_loop3A_232 = arith.index_cast %parallel_loop3A_231 : i32 to index
          %parallel_loop3A_233 = tpu.vector_load %arg15[%parallel_loop3A_232] {strides = array<i32>} : memref<768xf32, #tpu.memory_space<vmem>>, vector<16xf32>,
          %parallel_loop3A_234 = arith.constant 0 : i32
          %parallel_loop3A_235 = arith.index_cast %parallel_loop3A_234 : i32 to index
          %parallel_loop3A_236 = arith.index_cast %parallel_loop3A_231 : i32 to index
          %parallel_loop3A_237 = tpu.vector_load %arg14[%parallel_loop3A_235, %parallel_loop3A_236] {strides = array<i32>} : memref<32x768xf32, #tpu.memory_space<vmem>>, vector<16xf32>,
          %parallel_loop3A_238 = arith.addf %parallel_loop3A_237, %parallel_loop3A_233 : vector<16xf32>
          %parallel_loop3A_239 = arith.constant 0 : i32
          %parallel_loop3A_240 = arith.index_cast %parallel_loop3A_239 : i32 to index
          %parallel_loop3A_241 = arith.index_cast %parallel_loop3A_231 : i32 to index
          %parallel_loop3A_242 = tpu.vector_load %arg14[%parallel_loop3A_240, %parallel_loop3A_241] {strides = array<i32>} : memref<32x768xf32, #tpu.memory_space<vmem>>, vector<16xf32>,
          tpu.vector_store %arg14[%parallel_loop3A_240, %parallel_loop3A_241], %parallel_loop3A_238 {strides = array<i32>} : memref<32x768xf32, #tpu.memory_space<vmem>>, vector<16xf32>,
          %parallel_loop3A_243 = arith.constant 1 : i32
          %parallel_loop3A_244 = arith.index_cast %parallel_loop3A_243 : i32 to index
          %parallel_loop3A_245 = arith.index_cast %parallel_loop3A_231 : i32 to index
          %parallel_loop3A_246 = tpu.vector_load %arg14[%parallel_loop3A_244, %parallel_loop3A_245] {strides = array<i32>} : memref<32x768xf32, #tpu.memory_space<vmem>>, vector<16xf32>,
          %parallel_loop3A_247 = arith.addf %parallel_loop3A_246, %parallel_loop3A_233 : vector<16xf32>
          %parallel_loop3A_248 = arith.constant 1 : i32
          %parallel_loop3A_249 = arith.index_cast %parallel_loop3A_248 : i32 to index
          %parallel_loop3A_250 = arith.index_cast %parallel_loop3A_231 : i32 to index
          %parallel_loop3A_251 = tpu.vector_load %arg14[%parallel_loop3A_249, %parallel_loop3A_250] {strides = array<i32>} : memref<32x768xf32, #tpu.memory_space<vmem>>, vector<16xf32>,
          tpu.vector_store %arg14[%parallel_loop3A_249, %parallel_loop3A_250], %parallel_loop3A_247 {strides = array<i32>} : memref<32x768xf32, #tpu.memory_space<vmem>>, vector<16xf32>,
          %parallel_loop3A_252 = arith.constant 2 : i32
          %parallel_loop3A_253 = arith.index_cast %parallel_loop3A_252 : i32 to index
          %parallel_loop3A_254 = arith.index_cast %parallel_loop3A_231 : i32 to index
          %parallel_loop3A_255 = tpu.vector_load %arg14[%parallel_loop3A_253, %parallel_loop3A_254] {strides = array<i32>} : memref<32x768xf32, #tpu.memory_space<vmem>>, vector<16xf32>,
          %parallel_loop3A_256 = arith.addf %parallel_loop3A_255, %parallel_loop3A_233 : vector<16xf32>
          %parallel_loop3A_257 = arith.constant 2 : i32
          %parallel_loop3A_258 = arith.index_cast %parallel_loop3A_257 : i32 to index
          %parallel_loop3A_259 = arith.index_cast %parallel_loop3A_231 : i32 to index
          %parallel_loop3A_260 = tpu.vector_load %arg14[%parallel_loop3A_258, %parallel_loop3A_259] {strides = array<i32>} : memref<32x768xf32, #tpu.memory_space<vmem>>, vector<16xf32>,
          tpu.vector_store %arg14[%parallel_loop3A_258, %parallel_loop3A_259], %parallel_loop3A_256 {strides = array<i32>} : memref<32x768xf32, #tpu.memory_space<vmem>>, vector<16xf32>,
          %parallel_loop3A_261 = arith.constant 3 : i32
          %parallel_loop3A_262 = arith.index_cast %parallel_loop3A_261 : i32 to index
          %parallel_loop3A_263 = arith.index_cast %parallel_loop3A_231 : i32 to index
          %parallel_loop3A_264 = tpu.vector_load %arg14[%parallel_loop3A_262, %parallel_loop3A_263] {strides = array<i32>} : memref<32x768xf32, #tpu.memory_space<vmem>>, vector<16xf32>,
          %parallel_loop3A_265 = arith.addf %parallel_loop3A_264, %parallel_loop3A_233 : vector<16xf32>
          %parallel_loop3A_266 = arith.constant 3 : i32
          %parallel_loop3A_267 = arith.index_cast %parallel_loop3A_266 : i32 to index
          %parallel_loop3A_268 = arith.index_cast %parallel_loop3A_231 : i32 to index
          %parallel_loop3A_269 = tpu.vector_load %arg14[%parallel_loop3A_267, %parallel_loop3A_268] {strides = array<i32>} : memref<32x768xf32, #tpu.memory_space<vmem>>, vector<16xf32>,
          tpu.vector_store %arg14[%parallel_loop3A_267, %parallel_loop3A_268], %parallel_loop3A_265 {strides = array<i32>} : memref<32x768xf32, #tpu.memory_space<vmem>>, vector<16xf32>,
          %parallel_loop3A_270 = arith.constant 4 : i32
          %parallel_loop3A_271 = arith.index_cast %parallel_loop3A_270 : i32 to index
          %parallel_loop3A_272 = arith.index_cast %parallel_loop3A_231 : i32 to index
          %parallel_loop3A_273 = tpu.vector_load %arg14[%parallel_loop3A_271, %parallel_loop3A_272] {strides = array<i32>} : memref<32x768xf32, #tpu.memory_space<vmem>>, vector<16xf32>,
          %parallel_loop3A_274 = arith.addf %parallel_loop3A_273, %parallel_loop3A_233 : vector<16xf32>
          %parallel_loop3A_275 = arith.constant 4 : i32
          %parallel_loop3A_276 = arith.index_cast %parallel_loop3A_275 : i32 to index
          %parallel_loop3A_277 = arith.index_cast %parallel_loop3A_231 : i32 to index
          %parallel_loop3A_278 = tpu.vector_load %arg14[%parallel_loop3A_276, %parallel_loop3A_277] {strides = array<i32>} : memref<32x768xf32, #tpu.memory_space<vmem>>, vector<16xf32>,
          tpu.vector_store %arg14[%parallel_loop3A_276, %parallel_loop3A_277], %parallel_loop3A_274 {strides = array<i32>} : memref<32x768xf32, #tpu.memory_space<vmem>>, vector<16xf32>,
          %parallel_loop3A_279 = arith.constant 5 : i32
          %parallel_loop3A_280 = arith.index_cast %parallel_loop3A_279 : i32 to index
          %parallel_loop3A_281 = arith.index_cast %parallel_loop3A_231 : i32 to index
          %parallel_loop3A_282 = tpu.vector_load %arg14[%parallel_loop3A_280, %parallel_loop3A_281] {strides = array<i32>} : memref<32x768xf32, #tpu.memory_space<vmem>>, vector<16xf32>,
          %parallel_loop3A_283 = arith.addf %parallel_loop3A_282, %parallel_loop3A_233 : vector<16xf32>
          %parallel_loop3A_284 = arith.constant 5 : i32
          %parallel_loop3A_285 = arith.index_cast %parallel_loop3A_284 : i32 to index
          %parallel_loop3A_286 = arith.index_cast %parallel_loop3A_231 : i32 to index
          %parallel_loop3A_287 = tpu.vector_load %arg14[%parallel_loop3A_285, %parallel_loop3A_286] {strides = array<i32>} : memref<32x768xf32, #tpu.memory_space<vmem>>, vector<16xf32>,
          tpu.vector_store %arg14[%parallel_loop3A_285, %parallel_loop3A_286], %parallel_loop3A_283 {strides = array<i32>} : memref<32x768xf32, #tpu.memory_space<vmem>>, vector<16xf32>,
          %parallel_loop3A_288 = arith.constant 6 : i32
          %parallel_loop3A_289 = arith.index_cast %parallel_loop3A_288 : i32 to index
          %parallel_loop3A_290 = arith.index_cast %parallel_loop3A_231 : i32 to index
          %parallel_loop3A_291 = tpu.vector_load %arg14[%parallel_loop3A_289, %parallel_loop3A_290] {strides = array<i32>} : memref<32x768xf32, #tpu.memory_space<vmem>>, vector<16xf32>,
          %parallel_loop3A_292 = arith.addf %parallel_loop3A_291, %parallel_loop3A_233 : vector<16xf32>
          %parallel_loop3A_293 = arith.constant 6 : i32
          %parallel_loop3A_294 = arith.index_cast %parallel_loop3A_293 : i32 to index
          %parallel_loop3A_295 = arith.index_cast %parallel_loop3A_231 : i32 to index
          %parallel_loop3A_296 = tpu.vector_load %arg14[%parallel_loop3A_294, %parallel_loop3A_295] {strides = array<i32>} : memref<32x768xf32, #tpu.memory_space<vmem>>, vector<16xf32>,
          tpu.vector_store %arg14[%parallel_loop3A_294, %parallel_loop3A_295], %parallel_loop3A_292 {strides = array<i32>} : memref<32x768xf32, #tpu.memory_space<vmem>>, vector<16xf32>,
          %parallel_loop3A_297 = arith.constant 7 : i32
          %parallel_loop3A_298 = arith.index_cast %parallel_loop3A_297 : i32 to index
          %parallel_loop3A_299 = arith.index_cast %parallel_loop3A_231 : i32 to index
          %parallel_loop3A_300 = tpu.vector_load %arg14[%parallel_loop3A_298, %parallel_loop3A_299] {strides = array<i32>} : memref<32x768xf32, #tpu.memory_space<vmem>>, vector<16xf32>,
          %parallel_loop3A_301 = arith.addf %parallel_loop3A_300, %parallel_loop3A_233 : vector<16xf32>
          %parallel_loop3A_302 = arith.constant 7 : i32
          %parallel_loop3A_303 = arith.index_cast %parallel_loop3A_302 : i32 to index
          %parallel_loop3A_304 = arith.index_cast %parallel_loop3A_231 : i32 to index
          %parallel_loop3A_305 = tpu.vector_load %arg14[%parallel_loop3A_303, %parallel_loop3A_304] {strides = array<i32>} : memref<32x768xf32, #tpu.memory_space<vmem>>, vector<16xf32>,
          tpu.vector_store %arg14[%parallel_loop3A_303, %parallel_loop3A_304], %parallel_loop3A_301 {strides = array<i32>} : memref<32x768xf32, #tpu.memory_space<vmem>>, vector<16xf32>,
          %parallel_loop3A_306 = arith.constant 8 : i32
          %parallel_loop3A_307 = arith.index_cast %parallel_loop3A_306 : i32 to index
          %parallel_loop3A_308 = arith.index_cast %parallel_loop3A_231 : i32 to index
          %parallel_loop3A_309 = tpu.vector_load %arg14[%parallel_loop3A_307, %parallel_loop3A_308] {strides = array<i32>} : memref<32x768xf32, #tpu.memory_space<vmem>>, vector<16xf32>,
          %parallel_loop3A_310 = arith.addf %parallel_loop3A_309, %parallel_loop3A_233 : vector<16xf32>
          %parallel_loop3A_311 = arith.constant 8 : i32
          %parallel_loop3A_312 = arith.index_cast %parallel_loop3A_311 : i32 to index
          %parallel_loop3A_313 = arith.index_cast %parallel_loop3A_231 : i32 to index
          %parallel_loop3A_314 = tpu.vector_load %arg14[%parallel_loop3A_312, %parallel_loop3A_313] {strides = array<i32>} : memref<32x768xf32, #tpu.memory_space<vmem>>, vector<16xf32>,
          tpu.vector_store %arg14[%parallel_loop3A_312, %parallel_loop3A_313], %parallel_loop3A_310 {strides = array<i32>} : memref<32x768xf32, #tpu.memory_space<vmem>>, vector<16xf32>,
          %parallel_loop3A_315 = arith.constant 9 : i32
          %parallel_loop3A_316 = arith.index_cast %parallel_loop3A_315 : i32 to index
          %parallel_loop3A_317 = arith.index_cast %parallel_loop3A_231 : i32 to index
          %parallel_loop3A_318 = tpu.vector_load %arg14[%parallel_loop3A_316, %parallel_loop3A_317] {strides = array<i32>} : memref<32x768xf32, #tpu.memory_space<vmem>>, vector<16xf32>,
          %parallel_loop3A_319 = arith.addf %parallel_loop3A_318, %parallel_loop3A_233 : vector<16xf32>
          %parallel_loop3A_320 = arith.constant 9 : i32
          %parallel_loop3A_321 = arith.index_cast %parallel_loop3A_320 : i32 to index
          %parallel_loop3A_322 = arith.index_cast %parallel_loop3A_231 : i32 to index
          %parallel_loop3A_323 = tpu.vector_load %arg14[%parallel_loop3A_321, %parallel_loop3A_322] {strides = array<i32>} : memref<32x768xf32, #tpu.memory_space<vmem>>, vector<16xf32>,
          tpu.vector_store %arg14[%parallel_loop3A_321, %parallel_loop3A_322], %parallel_loop3A_319 {strides = array<i32>} : memref<32x768xf32, #tpu.memory_space<vmem>>, vector<16xf32>,
          %parallel_loop3A_324 = arith.constant 10 : i32
          %parallel_loop3A_325 = arith.index_cast %parallel_loop3A_324 : i32 to index
          %parallel_loop3A_326 = arith.index_cast %parallel_loop3A_231 : i32 to index
          %parallel_loop3A_327 = tpu.vector_load %arg14[%parallel_loop3A_325, %parallel_loop3A_326] {strides = array<i32>} : memref<32x768xf32, #tpu.memory_space<vmem>>, vector<16xf32>,
          %parallel_loop3A_328 = arith.addf %parallel_loop3A_327, %parallel_loop3A_233 : vector<16xf32>
          %parallel_loop3A_329 = arith.constant 10 : i32
          %parallel_loop3A_330 = arith.index_cast %parallel_loop3A_329 : i32 to index
          %parallel_loop3A_331 = arith.index_cast %parallel_loop3A_231 : i32 to index
          %parallel_loop3A_332 = tpu.vector_load %arg14[%parallel_loop3A_330, %parallel_loop3A_331] {strides = array<i32>} : memref<32x768xf32, #tpu.memory_space<vmem>>, vector<16xf32>,
          tpu.vector_store %arg14[%parallel_loop3A_330, %parallel_loop3A_331], %parallel_loop3A_328 {strides = array<i32>} : memref<32x768xf32, #tpu.memory_space<vmem>>, vector<16xf32>,
          %parallel_loop3A_333 = arith.constant 11 : i32
          %parallel_loop3A_334 = arith.index_cast %parallel_loop3A_333 : i32 to index
          %parallel_loop3A_335 = arith.index_cast %parallel_loop3A_231 : i32 to index
          %parallel_loop3A_336 = tpu.vector_load %arg14[%parallel_loop3A_334, %parallel_loop3A_335] {strides = array<i32>} : memref<32x768xf32, #tpu.memory_space<vmem>>, vector<16xf32>,
          %parallel_loop3A_337 = arith.addf %parallel_loop3A_336, %parallel_loop3A_233 : vector<16xf32>
          %parallel_loop3A_338 = arith.constant 11 : i32
          %parallel_loop3A_339 = arith.index_cast %parallel_loop3A_338 : i32 to index
          %parallel_loop3A_340 = arith.index_cast %parallel_loop3A_231 : i32 to index
          %parallel_loop3A_341 = tpu.vector_load %arg14[%parallel_loop3A_339, %parallel_loop3A_340] {strides = array<i32>} : memref<32x768xf32, #tpu.memory_space<vmem>>, vector<16xf32>,
          tpu.vector_store %arg14[%parallel_loop3A_339, %parallel_loop3A_340], %parallel_loop3A_337 {strides = array<i32>} : memref<32x768xf32, #tpu.memory_space<vmem>>, vector<16xf32>,
          %parallel_loop3A_342 = arith.constant 12 : i32
          %parallel_loop3A_343 = arith.index_cast %parallel_loop3A_342 : i32 to index
          %parallel_loop3A_344 = arith.index_cast %parallel_loop3A_231 : i32 to index
          %parallel_loop3A_345 = tpu.vector_load %arg14[%parallel_loop3A_343, %parallel_loop3A_344] {strides = array<i32>} : memref<32x768xf32, #tpu.memory_space<vmem>>, vector<16xf32>,
          %parallel_loop3A_346 = arith.addf %parallel_loop3A_345, %parallel_loop3A_233 : vector<16xf32>
          %parallel_loop3A_347 = arith.constant 12 : i32
          %parallel_loop3A_348 = arith.index_cast %parallel_loop3A_347 : i32 to index
          %parallel_loop3A_349 = arith.index_cast %parallel_loop3A_231 : i32 to index
          %parallel_loop3A_350 = tpu.vector_load %arg14[%parallel_loop3A_348, %parallel_loop3A_349] {strides = array<i32>} : memref<32x768xf32, #tpu.memory_space<vmem>>, vector<16xf32>,
          tpu.vector_store %arg14[%parallel_loop3A_348, %parallel_loop3A_349], %parallel_loop3A_346 {strides = array<i32>} : memref<32x768xf32, #tpu.memory_space<vmem>>, vector<16xf32>,
          %parallel_loop3A_351 = arith.constant 13 : i32
          %parallel_loop3A_352 = arith.index_cast %parallel_loop3A_351 : i32 to index
          %parallel_loop3A_353 = arith.index_cast %parallel_loop3A_231 : i32 to index
          %parallel_loop3A_354 = tpu.vector_load %arg14[%parallel_loop3A_352, %parallel_loop3A_353] {strides = array<i32>} : memref<32x768xf32, #tpu.memory_space<vmem>>, vector<16xf32>,
          %parallel_loop3A_355 = arith.addf %parallel_loop3A_354, %parallel_loop3A_233 : vector<16xf32>
          %parallel_loop3A_356 = arith.constant 13 : i32
          %parallel_loop3A_357 = arith.index_cast %parallel_loop3A_356 : i32 to index
          %parallel_loop3A_358 = arith.index_cast %parallel_loop3A_231 : i32 to index
          %parallel_loop3A_359 = tpu.vector_load %arg14[%parallel_loop3A_357, %parallel_loop3A_358] {strides = array<i32>} : memref<32x768xf32, #tpu.memory_space<vmem>>, vector<16xf32>,
          tpu.vector_store %arg14[%parallel_loop3A_357, %parallel_loop3A_358], %parallel_loop3A_355 {strides = array<i32>} : memref<32x768xf32, #tpu.memory_space<vmem>>, vector<16xf32>,
          %parallel_loop3A_360 = arith.constant 14 : i32
          %parallel_loop3A_361 = arith.index_cast %parallel_loop3A_360 : i32 to index
          %parallel_loop3A_362 = arith.index_cast %parallel_loop3A_231 : i32 to index
          %parallel_loop3A_363 = tpu.vector_load %arg14[%parallel_loop3A_361, %parallel_loop3A_362] {strides = array<i32>} : memref<32x768xf32, #tpu.memory_space<vmem>>, vector<16xf32>,
          %parallel_loop3A_364 = arith.addf %parallel_loop3A_363, %parallel_loop3A_233 : vector<16xf32>
          %parallel_loop3A_365 = arith.constant 14 : i32
          %parallel_loop3A_366 = arith.index_cast %parallel_loop3A_365 : i32 to index
          %parallel_loop3A_367 = arith.index_cast %parallel_loop3A_231 : i32 to index
          %parallel_loop3A_368 = tpu.vector_load %arg14[%parallel_loop3A_366, %parallel_loop3A_367] {strides = array<i32>} : memref<32x768xf32, #tpu.memory_space<vmem>>, vector<16xf32>,
          tpu.vector_store %arg14[%parallel_loop3A_366, %parallel_loop3A_367], %parallel_loop3A_364 {strides = array<i32>} : memref<32x768xf32, #tpu.memory_space<vmem>>, vector<16xf32>,
          %parallel_loop3A_369 = arith.constant 15 : i32
          %parallel_loop3A_370 = arith.index_cast %parallel_loop3A_369 : i32 to index
          %parallel_loop3A_371 = arith.index_cast %parallel_loop3A_231 : i32 to index
          %parallel_loop3A_372 = tpu.vector_load %arg14[%parallel_loop3A_370, %parallel_loop3A_371] {strides = array<i32>} : memref<32x768xf32, #tpu.memory_space<vmem>>, vector<16xf32>,
          %parallel_loop3A_373 = arith.addf %parallel_loop3A_372, %parallel_loop3A_233 : vector<16xf32>
          %parallel_loop3A_374 = arith.constant 15 : i32
          %parallel_loop3A_375 = arith.index_cast %parallel_loop3A_374 : i32 to index
          %parallel_loop3A_376 = arith.index_cast %parallel_loop3A_231 : i32 to index
          %parallel_loop3A_377 = tpu.vector_load %arg14[%parallel_loop3A_375, %parallel_loop3A_376] {strides = array<i32>} : memref<32x768xf32, #tpu.memory_space<vmem>>, vector<16xf32>,
          tpu.vector_store %arg14[%parallel_loop3A_375, %parallel_loop3A_376], %parallel_loop3A_373 {strides = array<i32>} : memref<32x768xf32, #tpu.memory_space<vmem>>, vector<16xf32>,
          %parallel_loop3A_378 = arith.constant 16 : i32
          %parallel_loop3A_379 = arith.index_cast %parallel_loop3A_378 : i32 to index
          %parallel_loop3A_380 = arith.index_cast %parallel_loop3A_231 : i32 to index
          %parallel_loop3A_381 = tpu.vector_load %arg14[%parallel_loop3A_379, %parallel_loop3A_380] {strides = array<i32>} : memref<32x768xf32, #tpu.memory_space<vmem>>, vector<16xf32>,
          %parallel_loop3A_382 = arith.addf %parallel_loop3A_381, %parallel_loop3A_233 : vector<16xf32>
          %parallel_loop3A_383 = arith.constant 16 : i32
          %parallel_loop3A_384 = arith.index_cast %parallel_loop3A_383 : i32 to index
          %parallel_loop3A_385 = arith.index_cast %parallel_loop3A_231 : i32 to index
          %parallel_loop3A_386 = tpu.vector_load %arg14[%parallel_loop3A_384, %parallel_loop3A_385] {strides = array<i32>} : memref<32x768xf32, #tpu.memory_space<vmem>>, vector<16xf32>,
          tpu.vector_store %arg14[%parallel_loop3A_384, %parallel_loop3A_385], %parallel_loop3A_382 {strides = array<i32>} : memref<32x768xf32, #tpu.memory_space<vmem>>, vector<16xf32>,
          %parallel_loop3A_387 = arith.constant 17 : i32
          %parallel_loop3A_388 = arith.index_cast %parallel_loop3A_387 : i32 to index
          %parallel_loop3A_389 = arith.index_cast %parallel_loop3A_231 : i32 to index
          %parallel_loop3A_390 = tpu.vector_load %arg14[%parallel_loop3A_388, %parallel_loop3A_389] {strides = array<i32>} : memref<32x768xf32, #tpu.memory_space<vmem>>, vector<16xf32>,
          %parallel_loop3A_391 = arith.addf %parallel_loop3A_390, %parallel_loop3A_233 : vector<16xf32>
          %parallel_loop3A_392 = arith.constant 17 : i32
          %parallel_loop3A_393 = arith.index_cast %parallel_loop3A_392 : i32 to index
          %parallel_loop3A_394 = arith.index_cast %parallel_loop3A_231 : i32 to index
          %parallel_loop3A_395 = tpu.vector_load %arg14[%parallel_loop3A_393, %parallel_loop3A_394] {strides = array<i32>} : memref<32x768xf32, #tpu.memory_space<vmem>>, vector<16xf32>,
          tpu.vector_store %arg14[%parallel_loop3A_393, %parallel_loop3A_394], %parallel_loop3A_391 {strides = array<i32>} : memref<32x768xf32, #tpu.memory_space<vmem>>, vector<16xf32>,
          %parallel_loop3A_396 = arith.constant 18 : i32
          %parallel_loop3A_397 = arith.index_cast %parallel_loop3A_396 : i32 to index
          %parallel_loop3A_398 = arith.index_cast %parallel_loop3A_231 : i32 to index
          %parallel_loop3A_399 = tpu.vector_load %arg14[%parallel_loop3A_397, %parallel_loop3A_398] {strides = array<i32>} : memref<32x768xf32, #tpu.memory_space<vmem>>, vector<16xf32>,
          %parallel_loop3A_400 = arith.addf %parallel_loop3A_399, %parallel_loop3A_233 : vector<16xf32>
          %parallel_loop3A_401 = arith.constant 18 : i32
          %parallel_loop3A_402 = arith.index_cast %parallel_loop3A_401 : i32 to index
          %parallel_loop3A_403 = arith.index_cast %parallel_loop3A_231 : i32 to index
          %parallel_loop3A_404 = tpu.vector_load %arg14[%parallel_loop3A_402, %parallel_loop3A_403] {strides = array<i32>} : memref<32x768xf32, #tpu.memory_space<vmem>>, vector<16xf32>,
          tpu.vector_store %arg14[%parallel_loop3A_402, %parallel_loop3A_403], %parallel_loop3A_400 {strides = array<i32>} : memref<32x768xf32, #tpu.memory_space<vmem>>, vector<16xf32>,
          %parallel_loop3A_405 = arith.constant 19 : i32
          %parallel_loop3A_406 = arith.index_cast %parallel_loop3A_405 : i32 to index
          %parallel_loop3A_407 = arith.index_cast %parallel_loop3A_231 : i32 to index
          %parallel_loop3A_408 = tpu.vector_load %arg14[%parallel_loop3A_406, %parallel_loop3A_407] {strides = array<i32>} : memref<32x768xf32, #tpu.memory_space<vmem>>, vector<16xf32>,
          %parallel_loop3A_409 = arith.addf %parallel_loop3A_408, %parallel_loop3A_233 : vector<16xf32>
          %parallel_loop3A_410 = arith.constant 19 : i32
          %parallel_loop3A_411 = arith.index_cast %parallel_loop3A_410 : i32 to index
          %parallel_loop3A_412 = arith.index_cast %parallel_loop3A_231 : i32 to index
          %parallel_loop3A_413 = tpu.vector_load %arg14[%parallel_loop3A_411, %parallel_loop3A_412] {strides = array<i32>} : memref<32x768xf32, #tpu.memory_space<vmem>>, vector<16xf32>,
          tpu.vector_store %arg14[%parallel_loop3A_411, %parallel_loop3A_412], %parallel_loop3A_409 {strides = array<i32>} : memref<32x768xf32, #tpu.memory_space<vmem>>, vector<16xf32>,
          %parallel_loop3A_414 = arith.constant 20 : i32
          %parallel_loop3A_415 = arith.index_cast %parallel_loop3A_414 : i32 to index
          %parallel_loop3A_416 = arith.index_cast %parallel_loop3A_231 : i32 to index
          %parallel_loop3A_417 = tpu.vector_load %arg14[%parallel_loop3A_415, %parallel_loop3A_416] {strides = array<i32>} : memref<32x768xf32, #tpu.memory_space<vmem>>, vector<16xf32>,
          %parallel_loop3A_418 = arith.addf %parallel_loop3A_417, %parallel_loop3A_233 : vector<16xf32>
          %parallel_loop3A_419 = arith.constant 20 : i32
          %parallel_loop3A_420 = arith.index_cast %parallel_loop3A_419 : i32 to index
          %parallel_loop3A_421 = arith.index_cast %parallel_loop3A_231 : i32 to index
          %parallel_loop3A_422 = tpu.vector_load %arg14[%parallel_loop3A_420, %parallel_loop3A_421] {strides = array<i32>} : memref<32x768xf32, #tpu.memory_space<vmem>>, vector<16xf32>,
          tpu.vector_store %arg14[%parallel_loop3A_420, %parallel_loop3A_421], %parallel_loop3A_418 {strides = array<i32>} : memref<32x768xf32, #tpu.memory_space<vmem>>, vector<16xf32>,
          %parallel_loop3A_423 = arith.constant 21 : i32
          %parallel_loop3A_424 = arith.index_cast %parallel_loop3A_423 : i32 to index
          %parallel_loop3A_425 = arith.index_cast %parallel_loop3A_231 : i32 to index
          %parallel_loop3A_426 = tpu.vector_load %arg14[%parallel_loop3A_424, %parallel_loop3A_425] {strides = array<i32>} : memref<32x768xf32, #tpu.memory_space<vmem>>, vector<16xf32>,
          %parallel_loop3A_427 = arith.addf %parallel_loop3A_426, %parallel_loop3A_233 : vector<16xf32>
          %parallel_loop3A_428 = arith.constant 21 : i32
          %parallel_loop3A_429 = arith.index_cast %parallel_loop3A_428 : i32 to index
          %parallel_loop3A_430 = arith.index_cast %parallel_loop3A_231 : i32 to index
          %parallel_loop3A_431 = tpu.vector_load %arg14[%parallel_loop3A_429, %parallel_loop3A_430] {strides = array<i32>} : memref<32x768xf32, #tpu.memory_space<vmem>>, vector<16xf32>,
          tpu.vector_store %arg14[%parallel_loop3A_429, %parallel_loop3A_430], %parallel_loop3A_427 {strides = array<i32>} : memref<32x768xf32, #tpu.memory_space<vmem>>, vector<16xf32>,
          %parallel_loop3A_432 = arith.constant 22 : i32
          %parallel_loop3A_433 = arith.index_cast %parallel_loop3A_432 : i32 to index
          %parallel_loop3A_434 = arith.index_cast %parallel_loop3A_231 : i32 to index
          %parallel_loop3A_435 = tpu.vector_load %arg14[%parallel_loop3A_433, %parallel_loop3A_434] {strides = array<i32>} : memref<32x768xf32, #tpu.memory_space<vmem>>, vector<16xf32>,
          %parallel_loop3A_436 = arith.addf %parallel_loop3A_435, %parallel_loop3A_233 : vector<16xf32>
          %parallel_loop3A_437 = arith.constant 22 : i32
          %parallel_loop3A_438 = arith.index_cast %parallel_loop3A_437 : i32 to index
          %parallel_loop3A_439 = arith.index_cast %parallel_loop3A_231 : i32 to index
          %parallel_loop3A_440 = tpu.vector_load %arg14[%parallel_loop3A_438, %parallel_loop3A_439] {strides = array<i32>} : memref<32x768xf32, #tpu.memory_space<vmem>>, vector<16xf32>,
          tpu.vector_store %arg14[%parallel_loop3A_438, %parallel_loop3A_439], %parallel_loop3A_436 {strides = array<i32>} : memref<32x768xf32, #tpu.memory_space<vmem>>, vector<16xf32>,
          %parallel_loop3A_441 = arith.constant 23 : i32
          %parallel_loop3A_442 = arith.index_cast %parallel_loop3A_441 : i32 to index
          %parallel_loop3A_443 = arith.index_cast %parallel_loop3A_231 : i32 to index
          %parallel_loop3A_444 = tpu.vector_load %arg14[%parallel_loop3A_442, %parallel_loop3A_443] {strides = array<i32>} : memref<32x768xf32, #tpu.memory_space<vmem>>, vector<16xf32>,
          %parallel_loop3A_445 = arith.addf %parallel_loop3A_444, %parallel_loop3A_233 : vector<16xf32>
          %parallel_loop3A_446 = arith.constant 23 : i32
          %parallel_loop3A_447 = arith.index_cast %parallel_loop3A_446 : i32 to index
          %parallel_loop3A_448 = arith.index_cast %parallel_loop3A_231 : i32 to index
          %parallel_loop3A_449 = tpu.vector_load %arg14[%parallel_loop3A_447, %parallel_loop3A_448] {strides = array<i32>} : memref<32x768xf32, #tpu.memory_space<vmem>>, vector<16xf32>,
          tpu.vector_store %arg14[%parallel_loop3A_447, %parallel_loop3A_448], %parallel_loop3A_445 {strides = array<i32>} : memref<32x768xf32, #tpu.memory_space<vmem>>, vector<16xf32>,
          %parallel_loop3A_450 = arith.constant 24 : i32
          %parallel_loop3A_451 = arith.index_cast %parallel_loop3A_450 : i32 to index
          %parallel_loop3A_452 = arith.index_cast %parallel_loop3A_231 : i32 to index
          %parallel_loop3A_453 = tpu.vector_load %arg14[%parallel_loop3A_451, %parallel_loop3A_452] {strides = array<i32>} : memref<32x768xf32, #tpu.memory_space<vmem>>, vector<16xf32>,
          %parallel_loop3A_454 = arith.addf %parallel_loop3A_453, %parallel_loop3A_233 : vector<16xf32>
          %parallel_loop3A_455 = arith.constant 24 : i32
          %parallel_loop3A_456 = arith.index_cast %parallel_loop3A_455 : i32 to index
          %parallel_loop3A_457 = arith.index_cast %parallel_loop3A_231 : i32 to index
          %parallel_loop3A_458 = tpu.vector_load %arg14[%parallel_loop3A_456, %parallel_loop3A_457] {strides = array<i32>} : memref<32x768xf32, #tpu.memory_space<vmem>>, vector<16xf32>,
          tpu.vector_store %arg14[%parallel_loop3A_456, %parallel_loop3A_457], %parallel_loop3A_454 {strides = array<i32>} : memref<32x768xf32, #tpu.memory_space<vmem>>, vector<16xf32>,
          %parallel_loop3A_459 = arith.constant 25 : i32
          %parallel_loop3A_460 = arith.index_cast %parallel_loop3A_459 : i32 to index
          %parallel_loop3A_461 = arith.index_cast %parallel_loop3A_231 : i32 to index
          %parallel_loop3A_462 = tpu.vector_load %arg14[%parallel_loop3A_460, %parallel_loop3A_461] {strides = array<i32>} : memref<32x768xf32, #tpu.memory_space<vmem>>, vector<16xf32>,
          %parallel_loop3A_463 = arith.addf %parallel_loop3A_462, %parallel_loop3A_233 : vector<16xf32>
          %parallel_loop3A_464 = arith.constant 25 : i32
          %parallel_loop3A_465 = arith.index_cast %parallel_loop3A_464 : i32 to index
          %parallel_loop3A_466 = arith.index_cast %parallel_loop3A_231 : i32 to index
          %parallel_loop3A_467 = tpu.vector_load %arg14[%parallel_loop3A_465, %parallel_loop3A_466] {strides = array<i32>} : memref<32x768xf32, #tpu.memory_space<vmem>>, vector<16xf32>,
          tpu.vector_store %arg14[%parallel_loop3A_465, %parallel_loop3A_466], %parallel_loop3A_463 {strides = array<i32>} : memref<32x768xf32, #tpu.memory_space<vmem>>, vector<16xf32>,
          %parallel_loop3A_468 = arith.constant 26 : i32
          %parallel_loop3A_469 = arith.index_cast %parallel_loop3A_468 : i32 to index
          %parallel_loop3A_470 = arith.index_cast %parallel_loop3A_231 : i32 to index
          %parallel_loop3A_471 = tpu.vector_load %arg14[%parallel_loop3A_469, %parallel_loop3A_470] {strides = array<i32>} : memref<32x768xf32, #tpu.memory_space<vmem>>, vector<16xf32>,
          %parallel_loop3A_472 = arith.addf %parallel_loop3A_471, %parallel_loop3A_233 : vector<16xf32>
          %parallel_loop3A_473 = arith.constant 26 : i32
          %parallel_loop3A_474 = arith.index_cast %parallel_loop3A_473 : i32 to index
          %parallel_loop3A_475 = arith.index_cast %parallel_loop3A_231 : i32 to index
          %parallel_loop3A_476 = tpu.vector_load %arg14[%parallel_loop3A_474, %parallel_loop3A_475] {strides = array<i32>} : memref<32x768xf32, #tpu.memory_space<vmem>>, vector<16xf32>,
          tpu.vector_store %arg14[%parallel_loop3A_474, %parallel_loop3A_475], %parallel_loop3A_472 {strides = array<i32>} : memref<32x768xf32, #tpu.memory_space<vmem>>, vector<16xf32>,
          %parallel_loop3A_477 = arith.constant 27 : i32
          %parallel_loop3A_478 = arith.index_cast %parallel_loop3A_477 : i32 to index
          %parallel_loop3A_479 = arith.index_cast %parallel_loop3A_231 : i32 to index
          %parallel_loop3A_480 = tpu.vector_load %arg14[%parallel_loop3A_478, %parallel_loop3A_479] {strides = array<i32>} : memref<32x768xf32, #tpu.memory_space<vmem>>, vector<16xf32>,
          %parallel_loop3A_481 = arith.addf %parallel_loop3A_480, %parallel_loop3A_233 : vector<16xf32>
          %parallel_loop3A_482 = arith.constant 27 : i32
          %parallel_loop3A_483 = arith.index_cast %parallel_loop3A_482 : i32 to index
          %parallel_loop3A_484 = arith.index_cast %parallel_loop3A_231 : i32 to index
          %parallel_loop3A_485 = tpu.vector_load %arg14[%parallel_loop3A_483, %parallel_loop3A_484] {strides = array<i32>} : memref<32x768xf32, #tpu.memory_space<vmem>>, vector<16xf32>,
          tpu.vector_store %arg14[%parallel_loop3A_483, %parallel_loop3A_484], %parallel_loop3A_481 {strides = array<i32>} : memref<32x768xf32, #tpu.memory_space<vmem>>, vector<16xf32>,
          %parallel_loop3A_486 = arith.constant 28 : i32
          %parallel_loop3A_487 = arith.index_cast %parallel_loop3A_486 : i32 to index
          %parallel_loop3A_488 = arith.index_cast %parallel_loop3A_231 : i32 to index
          %parallel_loop3A_489 = tpu.vector_load %arg14[%parallel_loop3A_487, %parallel_loop3A_488] {strides = array<i32>} : memref<32x768xf32, #tpu.memory_space<vmem>>, vector<16xf32>,
          %parallel_loop3A_490 = arith.addf %parallel_loop3A_489, %parallel_loop3A_233 : vector<16xf32>
          %parallel_loop3A_491 = arith.constant 28 : i32
          %parallel_loop3A_492 = arith.index_cast %parallel_loop3A_491 : i32 to index
          %parallel_loop3A_493 = arith.index_cast %parallel_loop3A_231 : i32 to index
          %parallel_loop3A_494 = tpu.vector_load %arg14[%parallel_loop3A_492, %parallel_loop3A_493] {strides = array<i32>} : memref<32x768xf32, #tpu.memory_space<vmem>>, vector<16xf32>,
          tpu.vector_store %arg14[%parallel_loop3A_492, %parallel_loop3A_493], %parallel_loop3A_490 {strides = array<i32>} : memref<32x768xf32, #tpu.memory_space<vmem>>, vector<16xf32>,
          %parallel_loop3A_495 = arith.constant 29 : i32
          %parallel_loop3A_496 = arith.index_cast %parallel_loop3A_495 : i32 to index
          %parallel_loop3A_497 = arith.index_cast %parallel_loop3A_231 : i32 to index
          %parallel_loop3A_498 = tpu.vector_load %arg14[%parallel_loop3A_496, %parallel_loop3A_497] {strides = array<i32>} : memref<32x768xf32, #tpu.memory_space<vmem>>, vector<16xf32>,
          %parallel_loop3A_499 = arith.addf %parallel_loop3A_498, %parallel_loop3A_233 : vector<16xf32>
          %parallel_loop3A_500 = arith.constant 29 : i32
          %parallel_loop3A_501 = arith.index_cast %parallel_loop3A_500 : i32 to index
          %parallel_loop3A_502 = arith.index_cast %parallel_loop3A_231 : i32 to index
          %parallel_loop3A_503 = tpu.vector_load %arg14[%parallel_loop3A_501, %parallel_loop3A_502] {strides = array<i32>} : memref<32x768xf32, #tpu.memory_space<vmem>>, vector<16xf32>,
          tpu.vector_store %arg14[%parallel_loop3A_501, %parallel_loop3A_502], %parallel_loop3A_499 {strides = array<i32>} : memref<32x768xf32, #tpu.memory_space<vmem>>, vector<16xf32>,
          %parallel_loop3A_504 = arith.constant 30 : i32
          %parallel_loop3A_505 = arith.index_cast %parallel_loop3A_504 : i32 to index
          %parallel_loop3A_506 = arith.index_cast %parallel_loop3A_231 : i32 to index
          %parallel_loop3A_507 = tpu.vector_load %arg14[%parallel_loop3A_505, %parallel_loop3A_506] {strides = array<i32>} : memref<32x768xf32, #tpu.memory_space<vmem>>, vector<16xf32>,
          %parallel_loop3A_508 = arith.addf %parallel_loop3A_507, %parallel_loop3A_233 : vector<16xf32>
          %parallel_loop3A_509 = arith.constant 30 : i32
          %parallel_loop3A_510 = arith.index_cast %parallel_loop3A_509 : i32 to index
          %parallel_loop3A_511 = arith.index_cast %parallel_loop3A_231 : i32 to index
          %parallel_loop3A_512 = tpu.vector_load %arg14[%parallel_loop3A_510, %parallel_loop3A_511] {strides = array<i32>} : memref<32x768xf32, #tpu.memory_space<vmem>>, vector<16xf32>,
          tpu.vector_store %arg14[%parallel_loop3A_510, %parallel_loop3A_511], %parallel_loop3A_508 {strides = array<i32>} : memref<32x768xf32, #tpu.memory_space<vmem>>, vector<16xf32>,
          %parallel_loop3A_513 = arith.constant 31 : i32
          %parallel_loop3A_514 = arith.index_cast %parallel_loop3A_513 : i32 to index
          %parallel_loop3A_515 = arith.index_cast %parallel_loop3A_231 : i32 to index
          %parallel_loop3A_516 = tpu.vector_load %arg14[%parallel_loop3A_514, %parallel_loop3A_515] {strides = array<i32>} : memref<32x768xf32, #tpu.memory_space<vmem>>, vector<16xf32>,
          %parallel_loop3A_517 = arith.addf %parallel_loop3A_516, %parallel_loop3A_233 : vector<16xf32>
          %parallel_loop3A_518 = arith.constant 31 : i32
          %parallel_loop3A_519 = arith.index_cast %parallel_loop3A_518 : i32 to index
          %parallel_loop3A_520 = arith.index_cast %parallel_loop3A_231 : i32 to index
          %parallel_loop3A_521 = tpu.vector_load %arg14[%parallel_loop3A_519, %parallel_loop3A_520] {strides = array<i32>} : memref<32x768xf32, #tpu.memory_space<vmem>>, vector<16xf32>,
          tpu.vector_store %arg14[%parallel_loop3A_519, %parallel_loop3A_520], %parallel_loop3A_517 {strides = array<i32>} : memref<32x768xf32, #tpu.memory_space<vmem>>, vector<16xf32>,
        } {sc.loop_unroll_factor = 1 : i64, sc.parallel_access}
      } else {
      }
      %and3A_160 = arith.constant 3 : i32
      %and3A_161 = arith.andi %add3A_127, %and3A_160 : i32
      %mul3A_162 = arith.constant 8192 : i32
      %mul3A_163 = arith.muli %and3A_161, %mul3A_162 : i32
      %add3A_164 = arith.addi %mul3A_163, %mul3A_2 : i32
      %shift_right_arithmetic3A_165 = arith.constant 2 : i32
      %shift_right_arithmetic3A_166 = arith.shrsi %add3A_127, %shift_right_arithmetic3A_165 : i32
      %mul3A_167 = arith.constant 32 : i32
      %mul3A_168 = arith.muli %shift_right_arithmetic3A_166, %mul3A_167 : i32
      %add3A_169 = arith.addi %add3A_164, %mul3A_168 : i32
      %dma_start3A_170 = arith.constant 0 : i32
      %dma_start3A_171 = tpu.memref_slice %arg8[%add3A_169, %dma_start3A_170] : memref<32768x768xf32, #tpu.memory_space<hbm>> -> memref<32x768xf32, #tpu.memory_space<hbm>>
      %dma_start3A_172 = arith.constant 0 : i32
      %dma_start3A_173 = tpu.memref_slice %arg8[%add3A_169, %dma_start3A_172] : memref<32768x768xf32, #tpu.memory_space<hbm>> -> memref<32x768xf32, #tpu.memory_space<hbm>>
      tpu.enqueue_dma source(%arg11 : memref<32x768xf32, #tpu.memory_space<vmem>>) target(%dma_start3A_173 : memref<32x768xf32, #tpu.memory_space<hbm>>) target_semaphore(%arg26 : memref<!tpu.dma_semaphore, #tpu.memory_space<semaphore_mem>>)
      %add3A_174 = arith.constant 2 : i32
      %add3A_175 = arith.addi %mul3A_84, %add3A_174 : i32
      %and3A_176 = arith.constant 3 : i32
      %and3A_177 = arith.andi %add3A_175, %and3A_176 : i32
      %mul3A_178 = arith.constant 256 : i32
      %mul3A_179 = arith.muli %and3A_177, %mul3A_178 : i32
      %shift_right_arithmetic3A_180 = arith.constant 2 : i32
      %shift_right_arithmetic3A_181 = arith.shrsi %add3A_175, %shift_right_arithmetic3A_180 : i32
      %mul3A_182 = arith.constant 32 : i32
      %mul3A_183 = arith.muli %shift_right_arithmetic3A_181, %mul3A_182 : i32
      %add3A_184 = arith.addi %mul3A_179, %mul3A_183 : i32
      %dma_wait3A_185 = tpu.memref_slice %arg9[%add3A_184] : memref<1024xi32, #tpu.memory_space<vmem>> -> memref<32xi32, #tpu.memory_space<vmem>>
      %dma_wait3A_186 = arith.constant 0 : i32
      %dma_wait3A_187 = arith.constant 0 : i32
      %dma_wait3A_188 = tpu.memref_slice %arg3[%dma_wait3A_186, %dma_wait3A_187] : memref<100000x768xf32, #tpu.memory_space<hbm>> -> memref<100000x768xf32, #tpu.memory_space<hbm>>
      tpu.wait_indirect_dma semaphore(%arg24 : memref<!tpu.dma_semaphore, #tpu.memory_space<semaphore_mem>>) src(%dma_wait3A_188 : memref<100000x768xf32, #tpu.memory_space<hbm>>) dst(%arg12 : memref<32x768xf32, #tpu.memory_space<vmem>>)
      %ge3A_189 = arith.constant 2 : i32
      %ge3A_190 = arith.cmpi sge, %add3A_175, %ge3A_189 : i32
      %convert_element_type3A_191 = arith.extui %ge3A_190 : i1 to i32
      %cond3A_192 = arith.constant 0 : i32
      %cond3A_193 = arith.cmpi ne, %convert_element_type3A_191, %cond3A_192 : i32
      scf.if %cond3A_193 {
        %add3A_222 = arith.constant 1 : i32
        %add3A_223 = arith.addi %add3A_175, %add3A_222 : i32
        %sub3A = arith.constant 3 : i32
        %sub3A_224 = arith.subi %add3A_223, %sub3A : i32
        %and3A_225 = arith.constant 3 : i32
        %and3A_226 = arith.andi %sub3A_224, %and3A_225 : i32
        %mul3A_227 = arith.constant 8192 : i32
        %mul3A_228 = arith.muli %and3A_226, %mul3A_227 : i32
        %add3A_229 = arith.addi %mul3A_228, %mul3A_2 : i32
        %shift_right_arithmetic3A_230 = arith.constant 2 : i32
        %shift_right_arithmetic3A_231 = arith.shrsi %sub3A_224, %shift_right_arithmetic3A_230 : i32
        %mul3A_232 = arith.constant 32 : i32
        %mul3A_233 = arith.muli %shift_right_arithmetic3A_231, %mul3A_232 : i32
        %add3A_234 = arith.addi %add3A_229, %mul3A_233 : i32
        %dma_wait3A_235 = arith.constant 0 : i32
        %dma_wait3A_236 = tpu.memref_slice %arg8[%add3A_234, %dma_wait3A_235] : memref<32768x768xf32, #tpu.memory_space<hbm>> -> memref<32x768xf32, #tpu.memory_space<hbm>>
        %dma_wait3A_237 = arith.constant 0 : i32
        %dma_wait3A_238 = tpu.memref_slice %arg8[%add3A_234, %dma_wait3A_237] : memref<32768x768xf32, #tpu.memory_space<hbm>> -> memref<32x768xf32, #tpu.memory_space<hbm>>
        tpu.wait_dma2 semaphore(%arg25 : memref<!tpu.dma_semaphore, #tpu.memory_space<semaphore_mem>>) src(%arg10 : memref<32x768xf32, #tpu.memory_space<vmem>>) dst(%dma_wait3A_238 : memref<32x768xf32, #tpu.memory_space<hbm>>)
      } else {
      }
      %add3A_194 = arith.constant 1 : i32
      %add3A_195 = arith.addi %add3A_175, %add3A_194 : i32
      %lt3A_196 = arith.constant 32 : i32
      %lt3A_197 = arith.cmpi slt, %add3A_195, %lt3A_196 : i32
      %convert_element_type3A_198 = arith.extui %lt3A_197 : i1 to i32
      %cond3A_199 = arith.constant 0 : i32
      %cond3A_200 = arith.cmpi ne, %convert_element_type3A_198, %cond3A_199 : i32
      scf.if %cond3A_200 {
        %add3A_222 = arith.constant 1 : i32
        %add3A_223 = arith.addi %add3A_175, %add3A_222 : i32
        %and3A_224 = arith.constant 3 : i32
        %and3A_225 = arith.andi %add3A_223, %and3A_224 : i32
        %mul3A_226 = arith.constant 256 : i32
        %mul3A_227 = arith.muli %and3A_225, %mul3A_226 : i32
        %shift_right_arithmetic3A_228 = arith.constant 2 : i32
        %shift_right_arithmetic3A_229 = arith.shrsi %add3A_223, %shift_right_arithmetic3A_228 : i32
        %mul3A_230 = arith.constant 32 : i32
        %mul3A_231 = arith.muli %shift_right_arithmetic3A_229, %mul3A_230 : i32
        %add3A_232 = arith.addi %mul3A_227, %mul3A_231 : i32
        %dma_start3A_233 = tpu.memref_slice %arg9[%add3A_232] : memref<1024xi32, #tpu.memory_space<vmem>> -> memref<32xi32, #tpu.memory_space<vmem>>
        %dma_start3A_234 = arith.constant 0 : i32
        %dma_start3A_235 = arith.constant 0 : i32
        %dma_start3A_236 = tpu.memref_slice %arg3[%dma_start3A_234, %dma_start3A_235] : memref<100000x768xf32, #tpu.memory_space<hbm>> -> memref<100000x768xf32, #tpu.memory_space<hbm>>
        tpu.enqueue_indirect_dma source(%dma_start3A_236 : memref<100000x768xf32, #tpu.memory_space<hbm>>) target(%arg10 : memref<32x768xf32, #tpu.memory_space<vmem>>) offsets(%dma_start3A_233 : memref<32xi32, #tpu.memory_space<vmem>>) semaphore(%arg22 : memref<!tpu.dma_semaphore, #tpu.memory_space<semaphore_mem>>)
      } else {
      }
      %and3A_201 = arith.constant 3 : i32
      %and3A_202 = arith.andi %add3A_175, %and3A_201 : i32
      %eq3A_203 = arith.constant 0 : i32
      %eq3A_204 = arith.cmpi eq, %and3A_202, %eq3A_203 : i32
      %convert_element_type3A_205 = arith.extui %eq3A_204 : i1 to i32
      %cond3A_206 = arith.constant 0 : i32
      %cond3A_207 = arith.cmpi ne, %convert_element_type3A_205, %cond3A_206 : i32
      scf.if %cond3A_207 {
        %shift_right_arithmetic3A_222 = arith.constant 2 : i32
        %shift_right_arithmetic3A_223 = arith.shrsi %add3A_175, %shift_right_arithmetic3A_222 : i32
        %mul3A_224 = arith.constant 32 : i32
        %mul3A_225 = arith.muli %shift_right_arithmetic3A_223, %mul3A_224 : i32
        %add3A_226 = arith.addi %mul3A_2, %mul3A_225 : i32
        "tpu.region"() ({
          %run_scoped3A = tpu.sem_alloc : memref<!tpu.dma_semaphore, #tpu.memory_space<semaphore_mem>>
          %dma_start3A_229 = arith.constant 0 : i32
          %dma_start3A_230 = tpu.memref_slice %arg4[%add3A_226, %dma_start3A_229] : memref<8192x768xf32, #tpu.memory_space<hbm>> -> memref<32x768xf32, #tpu.memory_space<hbm>>
          %dma_start3A_231 = arith.constant 0 : i32
          %dma_start3A_232 = tpu.memref_slice %arg4[%add3A_226, %dma_start3A_231] : memref<8192x768xf32, #tpu.memory_space<hbm>> -> memref<32x768xf32, #tpu.memory_space<hbm>>
          tpu.enqueue_dma source(%dma_start3A_232 : memref<32x768xf32, #tpu.memory_space<hbm>>) target(%arg14 : memref<32x768xf32, #tpu.memory_space<vmem>>) target_semaphore(%run_scoped3A : memref<!tpu.dma_semaphore, #tpu.memory_space<semaphore_mem>>)
          %dma_wait3A_233 = arith.constant 0 : i32
          %dma_wait3A_234 = tpu.memref_slice %arg4[%add3A_226, %dma_wait3A_233] : memref<8192x768xf32, #tpu.memory_space<hbm>> -> memref<32x768xf32, #tpu.memory_space<hbm>>
          %dma_wait3A_235 = arith.constant 0 : i32
          %dma_wait3A_236 = tpu.memref_slice %arg4[%add3A_226, %dma_wait3A_235] : memref<8192x768xf32, #tpu.memory_space<hbm>> -> memref<32x768xf32, #tpu.memory_space<hbm>>
          tpu.wait_dma2 semaphore(%run_scoped3A : memref<!tpu.dma_semaphore, #tpu.memory_space<semaphore_mem>>) src(%dma_wait3A_236 : memref<32x768xf32, #tpu.memory_space<hbm>>) dst(%arg14 : memref<32x768xf32, #tpu.memory_space<vmem>>)
          tpu.yield
        }) : () -> ()
        %parallel_loop3A = arith.constant 0 : i32
        %parallel_loop3A_227 = arith.constant 48 : i32
        %parallel_loop3A_228 = arith.constant 1 : i32
        scf.for %parallel_loop3A_229 = %parallel_loop3A to %parallel_loop3A_227 step %parallel_loop3A_228  : i32 {
          %parallel_loop3A_230 = arith.constant 16 : i32
          %parallel_loop3A_231 = arith.muli %parallel_loop3A_229, %parallel_loop3A_230 : i32
          %parallel_loop3A_232 = arith.index_cast %parallel_loop3A_231 : i32 to index
          %parallel_loop3A_233 = tpu.vector_load %arg15[%parallel_loop3A_232] {strides = array<i32>} : memref<768xf32, #tpu.memory_space<vmem>>, vector<16xf32>,
          %parallel_loop3A_234 = arith.constant 0 : i32
          %parallel_loop3A_235 = arith.index_cast %parallel_loop3A_234 : i32 to index
          %parallel_loop3A_236 = arith.index_cast %parallel_loop3A_231 : i32 to index
          %parallel_loop3A_237 = tpu.vector_load %arg14[%parallel_loop3A_235, %parallel_loop3A_236] {strides = array<i32>} : memref<32x768xf32, #tpu.memory_space<vmem>>, vector<16xf32>,
          %parallel_loop3A_238 = arith.addf %parallel_loop3A_237, %parallel_loop3A_233 : vector<16xf32>
          %parallel_loop3A_239 = arith.constant 0 : i32
          %parallel_loop3A_240 = arith.index_cast %parallel_loop3A_239 : i32 to index
          %parallel_loop3A_241 = arith.index_cast %parallel_loop3A_231 : i32 to index
          %parallel_loop3A_242 = tpu.vector_load %arg14[%parallel_loop3A_240, %parallel_loop3A_241] {strides = array<i32>} : memref<32x768xf32, #tpu.memory_space<vmem>>, vector<16xf32>,
          tpu.vector_store %arg14[%parallel_loop3A_240, %parallel_loop3A_241], %parallel_loop3A_238 {strides = array<i32>} : memref<32x768xf32, #tpu.memory_space<vmem>>, vector<16xf32>,
          %parallel_loop3A_243 = arith.constant 1 : i32
          %parallel_loop3A_244 = arith.index_cast %parallel_loop3A_243 : i32 to index
          %parallel_loop3A_245 = arith.index_cast %parallel_loop3A_231 : i32 to index
          %parallel_loop3A_246 = tpu.vector_load %arg14[%parallel_loop3A_244, %parallel_loop3A_245] {strides = array<i32>} : memref<32x768xf32, #tpu.memory_space<vmem>>, vector<16xf32>,
          %parallel_loop3A_247 = arith.addf %parallel_loop3A_246, %parallel_loop3A_233 : vector<16xf32>
          %parallel_loop3A_248 = arith.constant 1 : i32
          %parallel_loop3A_249 = arith.index_cast %parallel_loop3A_248 : i32 to index
          %parallel_loop3A_250 = arith.index_cast %parallel_loop3A_231 : i32 to index
          %parallel_loop3A_251 = tpu.vector_load %arg14[%parallel_loop3A_249, %parallel_loop3A_250] {strides = array<i32>} : memref<32x768xf32, #tpu.memory_space<vmem>>, vector<16xf32>,
          tpu.vector_store %arg14[%parallel_loop3A_249, %parallel_loop3A_250], %parallel_loop3A_247 {strides = array<i32>} : memref<32x768xf32, #tpu.memory_space<vmem>>, vector<16xf32>,
          %parallel_loop3A_252 = arith.constant 2 : i32
          %parallel_loop3A_253 = arith.index_cast %parallel_loop3A_252 : i32 to index
          %parallel_loop3A_254 = arith.index_cast %parallel_loop3A_231 : i32 to index
          %parallel_loop3A_255 = tpu.vector_load %arg14[%parallel_loop3A_253, %parallel_loop3A_254] {strides = array<i32>} : memref<32x768xf32, #tpu.memory_space<vmem>>, vector<16xf32>,
          %parallel_loop3A_256 = arith.addf %parallel_loop3A_255, %parallel_loop3A_233 : vector<16xf32>
          %parallel_loop3A_257 = arith.constant 2 : i32
          %parallel_loop3A_258 = arith.index_cast %parallel_loop3A_257 : i32 to index
          %parallel_loop3A_259 = arith.index_cast %parallel_loop3A_231 : i32 to index
          %parallel_loop3A_260 = tpu.vector_load %arg14[%parallel_loop3A_258, %parallel_loop3A_259] {strides = array<i32>} : memref<32x768xf32, #tpu.memory_space<vmem>>, vector<16xf32>,
          tpu.vector_store %arg14[%parallel_loop3A_258, %parallel_loop3A_259], %parallel_loop3A_256 {strides = array<i32>} : memref<32x768xf32, #tpu.memory_space<vmem>>, vector<16xf32>,
          %parallel_loop3A_261 = arith.constant 3 : i32
          %parallel_loop3A_262 = arith.index_cast %parallel_loop3A_261 : i32 to index
          %parallel_loop3A_263 = arith.index_cast %parallel_loop3A_231 : i32 to index
          %parallel_loop3A_264 = tpu.vector_load %arg14[%parallel_loop3A_262, %parallel_loop3A_263] {strides = array<i32>} : memref<32x768xf32, #tpu.memory_space<vmem>>, vector<16xf32>,
          %parallel_loop3A_265 = arith.addf %parallel_loop3A_264, %parallel_loop3A_233 : vector<16xf32>
          %parallel_loop3A_266 = arith.constant 3 : i32
          %parallel_loop3A_267 = arith.index_cast %parallel_loop3A_266 : i32 to index
          %parallel_loop3A_268 = arith.index_cast %parallel_loop3A_231 : i32 to index
          %parallel_loop3A_269 = tpu.vector_load %arg14[%parallel_loop3A_267, %parallel_loop3A_268] {strides = array<i32>} : memref<32x768xf32, #tpu.memory_space<vmem>>, vector<16xf32>,
          tpu.vector_store %arg14[%parallel_loop3A_267, %parallel_loop3A_268], %parallel_loop3A_265 {strides = array<i32>} : memref<32x768xf32, #tpu.memory_space<vmem>>, vector<16xf32>,
          %parallel_loop3A_270 = arith.constant 4 : i32
          %parallel_loop3A_271 = arith.index_cast %parallel_loop3A_270 : i32 to index
          %parallel_loop3A_272 = arith.index_cast %parallel_loop3A_231 : i32 to index
          %parallel_loop3A_273 = tpu.vector_load %arg14[%parallel_loop3A_271, %parallel_loop3A_272] {strides = array<i32>} : memref<32x768xf32, #tpu.memory_space<vmem>>, vector<16xf32>,
          %parallel_loop3A_274 = arith.addf %parallel_loop3A_273, %parallel_loop3A_233 : vector<16xf32>
          %parallel_loop3A_275 = arith.constant 4 : i32
          %parallel_loop3A_276 = arith.index_cast %parallel_loop3A_275 : i32 to index
          %parallel_loop3A_277 = arith.index_cast %parallel_loop3A_231 : i32 to index
          %parallel_loop3A_278 = tpu.vector_load %arg14[%parallel_loop3A_276, %parallel_loop3A_277] {strides = array<i32>} : memref<32x768xf32, #tpu.memory_space<vmem>>, vector<16xf32>,
          tpu.vector_store %arg14[%parallel_loop3A_276, %parallel_loop3A_277], %parallel_loop3A_274 {strides = array<i32>} : memref<32x768xf32, #tpu.memory_space<vmem>>, vector<16xf32>,
          %parallel_loop3A_279 = arith.constant 5 : i32
          %parallel_loop3A_280 = arith.index_cast %parallel_loop3A_279 : i32 to index
          %parallel_loop3A_281 = arith.index_cast %parallel_loop3A_231 : i32 to index
          %parallel_loop3A_282 = tpu.vector_load %arg14[%parallel_loop3A_280, %parallel_loop3A_281] {strides = array<i32>} : memref<32x768xf32, #tpu.memory_space<vmem>>, vector<16xf32>,
          %parallel_loop3A_283 = arith.addf %parallel_loop3A_282, %parallel_loop3A_233 : vector<16xf32>
          %parallel_loop3A_284 = arith.constant 5 : i32
          %parallel_loop3A_285 = arith.index_cast %parallel_loop3A_284 : i32 to index
          %parallel_loop3A_286 = arith.index_cast %parallel_loop3A_231 : i32 to index
          %parallel_loop3A_287 = tpu.vector_load %arg14[%parallel_loop3A_285, %parallel_loop3A_286] {strides = array<i32>} : memref<32x768xf32, #tpu.memory_space<vmem>>, vector<16xf32>,
          tpu.vector_store %arg14[%parallel_loop3A_285, %parallel_loop3A_286], %parallel_loop3A_283 {strides = array<i32>} : memref<32x768xf32, #tpu.memory_space<vmem>>, vector<16xf32>,
          %parallel_loop3A_288 = arith.constant 6 : i32
          %parallel_loop3A_289 = arith.index_cast %parallel_loop3A_288 : i32 to index
          %parallel_loop3A_290 = arith.index_cast %parallel_loop3A_231 : i32 to index
          %parallel_loop3A_291 = tpu.vector_load %arg14[%parallel_loop3A_289, %parallel_loop3A_290] {strides = array<i32>} : memref<32x768xf32, #tpu.memory_space<vmem>>, vector<16xf32>,
          %parallel_loop3A_292 = arith.addf %parallel_loop3A_291, %parallel_loop3A_233 : vector<16xf32>
          %parallel_loop3A_293 = arith.constant 6 : i32
          %parallel_loop3A_294 = arith.index_cast %parallel_loop3A_293 : i32 to index
          %parallel_loop3A_295 = arith.index_cast %parallel_loop3A_231 : i32 to index
          %parallel_loop3A_296 = tpu.vector_load %arg14[%parallel_loop3A_294, %parallel_loop3A_295] {strides = array<i32>} : memref<32x768xf32, #tpu.memory_space<vmem>>, vector<16xf32>,
          tpu.vector_store %arg14[%parallel_loop3A_294, %parallel_loop3A_295], %parallel_loop3A_292 {strides = array<i32>} : memref<32x768xf32, #tpu.memory_space<vmem>>, vector<16xf32>,
          %parallel_loop3A_297 = arith.constant 7 : i32
          %parallel_loop3A_298 = arith.index_cast %parallel_loop3A_297 : i32 to index
          %parallel_loop3A_299 = arith.index_cast %parallel_loop3A_231 : i32 to index
          %parallel_loop3A_300 = tpu.vector_load %arg14[%parallel_loop3A_298, %parallel_loop3A_299] {strides = array<i32>} : memref<32x768xf32, #tpu.memory_space<vmem>>, vector<16xf32>,
          %parallel_loop3A_301 = arith.addf %parallel_loop3A_300, %parallel_loop3A_233 : vector<16xf32>
          %parallel_loop3A_302 = arith.constant 7 : i32
          %parallel_loop3A_303 = arith.index_cast %parallel_loop3A_302 : i32 to index
          %parallel_loop3A_304 = arith.index_cast %parallel_loop3A_231 : i32 to index
          %parallel_loop3A_305 = tpu.vector_load %arg14[%parallel_loop3A_303, %parallel_loop3A_304] {strides = array<i32>} : memref<32x768xf32, #tpu.memory_space<vmem>>, vector<16xf32>,
          tpu.vector_store %arg14[%parallel_loop3A_303, %parallel_loop3A_304], %parallel_loop3A_301 {strides = array<i32>} : memref<32x768xf32, #tpu.memory_space<vmem>>, vector<16xf32>,
          %parallel_loop3A_306 = arith.constant 8 : i32
          %parallel_loop3A_307 = arith.index_cast %parallel_loop3A_306 : i32 to index
          %parallel_loop3A_308 = arith.index_cast %parallel_loop3A_231 : i32 to index
          %parallel_loop3A_309 = tpu.vector_load %arg14[%parallel_loop3A_307, %parallel_loop3A_308] {strides = array<i32>} : memref<32x768xf32, #tpu.memory_space<vmem>>, vector<16xf32>,
          %parallel_loop3A_310 = arith.addf %parallel_loop3A_309, %parallel_loop3A_233 : vector<16xf32>
          %parallel_loop3A_311 = arith.constant 8 : i32
          %parallel_loop3A_312 = arith.index_cast %parallel_loop3A_311 : i32 to index
          %parallel_loop3A_313 = arith.index_cast %parallel_loop3A_231 : i32 to index
          %parallel_loop3A_314 = tpu.vector_load %arg14[%parallel_loop3A_312, %parallel_loop3A_313] {strides = array<i32>} : memref<32x768xf32, #tpu.memory_space<vmem>>, vector<16xf32>,
          tpu.vector_store %arg14[%parallel_loop3A_312, %parallel_loop3A_313], %parallel_loop3A_310 {strides = array<i32>} : memref<32x768xf32, #tpu.memory_space<vmem>>, vector<16xf32>,
          %parallel_loop3A_315 = arith.constant 9 : i32
          %parallel_loop3A_316 = arith.index_cast %parallel_loop3A_315 : i32 to index
          %parallel_loop3A_317 = arith.index_cast %parallel_loop3A_231 : i32 to index
          %parallel_loop3A_318 = tpu.vector_load %arg14[%parallel_loop3A_316, %parallel_loop3A_317] {strides = array<i32>} : memref<32x768xf32, #tpu.memory_space<vmem>>, vector<16xf32>,
          %parallel_loop3A_319 = arith.addf %parallel_loop3A_318, %parallel_loop3A_233 : vector<16xf32>
          %parallel_loop3A_320 = arith.constant 9 : i32
          %parallel_loop3A_321 = arith.index_cast %parallel_loop3A_320 : i32 to index
          %parallel_loop3A_322 = arith.index_cast %parallel_loop3A_231 : i32 to index
          %parallel_loop3A_323 = tpu.vector_load %arg14[%parallel_loop3A_321, %parallel_loop3A_322] {strides = array<i32>} : memref<32x768xf32, #tpu.memory_space<vmem>>, vector<16xf32>,
          tpu.vector_store %arg14[%parallel_loop3A_321, %parallel_loop3A_322], %parallel_loop3A_319 {strides = array<i32>} : memref<32x768xf32, #tpu.memory_space<vmem>>, vector<16xf32>,
          %parallel_loop3A_324 = arith.constant 10 : i32
          %parallel_loop3A_325 = arith.index_cast %parallel_loop3A_324 : i32 to index
          %parallel_loop3A_326 = arith.index_cast %parallel_loop3A_231 : i32 to index
          %parallel_loop3A_327 = tpu.vector_load %arg14[%parallel_loop3A_325, %parallel_loop3A_326] {strides = array<i32>} : memref<32x768xf32, #tpu.memory_space<vmem>>, vector<16xf32>,
          %parallel_loop3A_328 = arith.addf %parallel_loop3A_327, %parallel_loop3A_233 : vector<16xf32>
          %parallel_loop3A_329 = arith.constant 10 : i32
          %parallel_loop3A_330 = arith.index_cast %parallel_loop3A_329 : i32 to index
          %parallel_loop3A_331 = arith.index_cast %parallel_loop3A_231 : i32 to index
          %parallel_loop3A_332 = tpu.vector_load %arg14[%parallel_loop3A_330, %parallel_loop3A_331] {strides = array<i32>} : memref<32x768xf32, #tpu.memory_space<vmem>>, vector<16xf32>,
          tpu.vector_store %arg14[%parallel_loop3A_330, %parallel_loop3A_331], %parallel_loop3A_328 {strides = array<i32>} : memref<32x768xf32, #tpu.memory_space<vmem>>, vector<16xf32>,
          %parallel_loop3A_333 = arith.constant 11 : i32
          %parallel_loop3A_334 = arith.index_cast %parallel_loop3A_333 : i32 to index
          %parallel_loop3A_335 = arith.index_cast %parallel_loop3A_231 : i32 to index
          %parallel_loop3A_336 = tpu.vector_load %arg14[%parallel_loop3A_334, %parallel_loop3A_335] {strides = array<i32>} : memref<32x768xf32, #tpu.memory_space<vmem>>, vector<16xf32>,
          %parallel_loop3A_337 = arith.addf %parallel_loop3A_336, %parallel_loop3A_233 : vector<16xf32>
          %parallel_loop3A_338 = arith.constant 11 : i32
          %parallel_loop3A_339 = arith.index_cast %parallel_loop3A_338 : i32 to index
          %parallel_loop3A_340 = arith.index_cast %parallel_loop3A_231 : i32 to index
          %parallel_loop3A_341 = tpu.vector_load %arg14[%parallel_loop3A_339, %parallel_loop3A_340] {strides = array<i32>} : memref<32x768xf32, #tpu.memory_space<vmem>>, vector<16xf32>,
          tpu.vector_store %arg14[%parallel_loop3A_339, %parallel_loop3A_340], %parallel_loop3A_337 {strides = array<i32>} : memref<32x768xf32, #tpu.memory_space<vmem>>, vector<16xf32>,
          %parallel_loop3A_342 = arith.constant 12 : i32
          %parallel_loop3A_343 = arith.index_cast %parallel_loop3A_342 : i32 to index
          %parallel_loop3A_344 = arith.index_cast %parallel_loop3A_231 : i32 to index
          %parallel_loop3A_345 = tpu.vector_load %arg14[%parallel_loop3A_343, %parallel_loop3A_344] {strides = array<i32>} : memref<32x768xf32, #tpu.memory_space<vmem>>, vector<16xf32>,
          %parallel_loop3A_346 = arith.addf %parallel_loop3A_345, %parallel_loop3A_233 : vector<16xf32>
          %parallel_loop3A_347 = arith.constant 12 : i32
          %parallel_loop3A_348 = arith.index_cast %parallel_loop3A_347 : i32 to index
          %parallel_loop3A_349 = arith.index_cast %parallel_loop3A_231 : i32 to index
          %parallel_loop3A_350 = tpu.vector_load %arg14[%parallel_loop3A_348, %parallel_loop3A_349] {strides = array<i32>} : memref<32x768xf32, #tpu.memory_space<vmem>>, vector<16xf32>,
          tpu.vector_store %arg14[%parallel_loop3A_348, %parallel_loop3A_349], %parallel_loop3A_346 {strides = array<i32>} : memref<32x768xf32, #tpu.memory_space<vmem>>, vector<16xf32>,
          %parallel_loop3A_351 = arith.constant 13 : i32
          %parallel_loop3A_352 = arith.index_cast %parallel_loop3A_351 : i32 to index
          %parallel_loop3A_353 = arith.index_cast %parallel_loop3A_231 : i32 to index
          %parallel_loop3A_354 = tpu.vector_load %arg14[%parallel_loop3A_352, %parallel_loop3A_353] {strides = array<i32>} : memref<32x768xf32, #tpu.memory_space<vmem>>, vector<16xf32>,
          %parallel_loop3A_355 = arith.addf %parallel_loop3A_354, %parallel_loop3A_233 : vector<16xf32>
          %parallel_loop3A_356 = arith.constant 13 : i32
          %parallel_loop3A_357 = arith.index_cast %parallel_loop3A_356 : i32 to index
          %parallel_loop3A_358 = arith.index_cast %parallel_loop3A_231 : i32 to index
          %parallel_loop3A_359 = tpu.vector_load %arg14[%parallel_loop3A_357, %parallel_loop3A_358] {strides = array<i32>} : memref<32x768xf32, #tpu.memory_space<vmem>>, vector<16xf32>,
          tpu.vector_store %arg14[%parallel_loop3A_357, %parallel_loop3A_358], %parallel_loop3A_355 {strides = array<i32>} : memref<32x768xf32, #tpu.memory_space<vmem>>, vector<16xf32>,
          %parallel_loop3A_360 = arith.constant 14 : i32
          %parallel_loop3A_361 = arith.index_cast %parallel_loop3A_360 : i32 to index
          %parallel_loop3A_362 = arith.index_cast %parallel_loop3A_231 : i32 to index
          %parallel_loop3A_363 = tpu.vector_load %arg14[%parallel_loop3A_361, %parallel_loop3A_362] {strides = array<i32>} : memref<32x768xf32, #tpu.memory_space<vmem>>, vector<16xf32>,
          %parallel_loop3A_364 = arith.addf %parallel_loop3A_363, %parallel_loop3A_233 : vector<16xf32>
          %parallel_loop3A_365 = arith.constant 14 : i32
          %parallel_loop3A_366 = arith.index_cast %parallel_loop3A_365 : i32 to index
          %parallel_loop3A_367 = arith.index_cast %parallel_loop3A_231 : i32 to index
          %parallel_loop3A_368 = tpu.vector_load %arg14[%parallel_loop3A_366, %parallel_loop3A_367] {strides = array<i32>} : memref<32x768xf32, #tpu.memory_space<vmem>>, vector<16xf32>,
          tpu.vector_store %arg14[%parallel_loop3A_366, %parallel_loop3A_367], %parallel_loop3A_364 {strides = array<i32>} : memref<32x768xf32, #tpu.memory_space<vmem>>, vector<16xf32>,
          %parallel_loop3A_369 = arith.constant 15 : i32
          %parallel_loop3A_370 = arith.index_cast %parallel_loop3A_369 : i32 to index
          %parallel_loop3A_371 = arith.index_cast %parallel_loop3A_231 : i32 to index
          %parallel_loop3A_372 = tpu.vector_load %arg14[%parallel_loop3A_370, %parallel_loop3A_371] {strides = array<i32>} : memref<32x768xf32, #tpu.memory_space<vmem>>, vector<16xf32>,
          %parallel_loop3A_373 = arith.addf %parallel_loop3A_372, %parallel_loop3A_233 : vector<16xf32>
          %parallel_loop3A_374 = arith.constant 15 : i32
          %parallel_loop3A_375 = arith.index_cast %parallel_loop3A_374 : i32 to index
          %parallel_loop3A_376 = arith.index_cast %parallel_loop3A_231 : i32 to index
          %parallel_loop3A_377 = tpu.vector_load %arg14[%parallel_loop3A_375, %parallel_loop3A_376] {strides = array<i32>} : memref<32x768xf32, #tpu.memory_space<vmem>>, vector<16xf32>,
          tpu.vector_store %arg14[%parallel_loop3A_375, %parallel_loop3A_376], %parallel_loop3A_373 {strides = array<i32>} : memref<32x768xf32, #tpu.memory_space<vmem>>, vector<16xf32>,
          %parallel_loop3A_378 = arith.constant 16 : i32
          %parallel_loop3A_379 = arith.index_cast %parallel_loop3A_378 : i32 to index
          %parallel_loop3A_380 = arith.index_cast %parallel_loop3A_231 : i32 to index
          %parallel_loop3A_381 = tpu.vector_load %arg14[%parallel_loop3A_379, %parallel_loop3A_380] {strides = array<i32>} : memref<32x768xf32, #tpu.memory_space<vmem>>, vector<16xf32>,
          %parallel_loop3A_382 = arith.addf %parallel_loop3A_381, %parallel_loop3A_233 : vector<16xf32>
          %parallel_loop3A_383 = arith.constant 16 : i32
          %parallel_loop3A_384 = arith.index_cast %parallel_loop3A_383 : i32 to index
          %parallel_loop3A_385 = arith.index_cast %parallel_loop3A_231 : i32 to index
          %parallel_loop3A_386 = tpu.vector_load %arg14[%parallel_loop3A_384, %parallel_loop3A_385] {strides = array<i32>} : memref<32x768xf32, #tpu.memory_space<vmem>>, vector<16xf32>,
          tpu.vector_store %arg14[%parallel_loop3A_384, %parallel_loop3A_385], %parallel_loop3A_382 {strides = array<i32>} : memref<32x768xf32, #tpu.memory_space<vmem>>, vector<16xf32>,
          %parallel_loop3A_387 = arith.constant 17 : i32
          %parallel_loop3A_388 = arith.index_cast %parallel_loop3A_387 : i32 to index
          %parallel_loop3A_389 = arith.index_cast %parallel_loop3A_231 : i32 to index
          %parallel_loop3A_390 = tpu.vector_load %arg14[%parallel_loop3A_388, %parallel_loop3A_389] {strides = array<i32>} : memref<32x768xf32, #tpu.memory_space<vmem>>, vector<16xf32>,
          %parallel_loop3A_391 = arith.addf %parallel_loop3A_390, %parallel_loop3A_233 : vector<16xf32>
          %parallel_loop3A_392 = arith.constant 17 : i32
          %parallel_loop3A_393 = arith.index_cast %parallel_loop3A_392 : i32 to index
          %parallel_loop3A_394 = arith.index_cast %parallel_loop3A_231 : i32 to index
          %parallel_loop3A_395 = tpu.vector_load %arg14[%parallel_loop3A_393, %parallel_loop3A_394] {strides = array<i32>} : memref<32x768xf32, #tpu.memory_space<vmem>>, vector<16xf32>,
          tpu.vector_store %arg14[%parallel_loop3A_393, %parallel_loop3A_394], %parallel_loop3A_391 {strides = array<i32>} : memref<32x768xf32, #tpu.memory_space<vmem>>, vector<16xf32>,
          %parallel_loop3A_396 = arith.constant 18 : i32
          %parallel_loop3A_397 = arith.index_cast %parallel_loop3A_396 : i32 to index
          %parallel_loop3A_398 = arith.index_cast %parallel_loop3A_231 : i32 to index
          %parallel_loop3A_399 = tpu.vector_load %arg14[%parallel_loop3A_397, %parallel_loop3A_398] {strides = array<i32>} : memref<32x768xf32, #tpu.memory_space<vmem>>, vector<16xf32>,
          %parallel_loop3A_400 = arith.addf %parallel_loop3A_399, %parallel_loop3A_233 : vector<16xf32>
          %parallel_loop3A_401 = arith.constant 18 : i32
          %parallel_loop3A_402 = arith.index_cast %parallel_loop3A_401 : i32 to index
          %parallel_loop3A_403 = arith.index_cast %parallel_loop3A_231 : i32 to index
          %parallel_loop3A_404 = tpu.vector_load %arg14[%parallel_loop3A_402, %parallel_loop3A_403] {strides = array<i32>} : memref<32x768xf32, #tpu.memory_space<vmem>>, vector<16xf32>,
          tpu.vector_store %arg14[%parallel_loop3A_402, %parallel_loop3A_403], %parallel_loop3A_400 {strides = array<i32>} : memref<32x768xf32, #tpu.memory_space<vmem>>, vector<16xf32>,
          %parallel_loop3A_405 = arith.constant 19 : i32
          %parallel_loop3A_406 = arith.index_cast %parallel_loop3A_405 : i32 to index
          %parallel_loop3A_407 = arith.index_cast %parallel_loop3A_231 : i32 to index
          %parallel_loop3A_408 = tpu.vector_load %arg14[%parallel_loop3A_406, %parallel_loop3A_407] {strides = array<i32>} : memref<32x768xf32, #tpu.memory_space<vmem>>, vector<16xf32>,
          %parallel_loop3A_409 = arith.addf %parallel_loop3A_408, %parallel_loop3A_233 : vector<16xf32>
          %parallel_loop3A_410 = arith.constant 19 : i32
          %parallel_loop3A_411 = arith.index_cast %parallel_loop3A_410 : i32 to index
          %parallel_loop3A_412 = arith.index_cast %parallel_loop3A_231 : i32 to index
          %parallel_loop3A_413 = tpu.vector_load %arg14[%parallel_loop3A_411, %parallel_loop3A_412] {strides = array<i32>} : memref<32x768xf32, #tpu.memory_space<vmem>>, vector<16xf32>,
          tpu.vector_store %arg14[%parallel_loop3A_411, %parallel_loop3A_412], %parallel_loop3A_409 {strides = array<i32>} : memref<32x768xf32, #tpu.memory_space<vmem>>, vector<16xf32>,
          %parallel_loop3A_414 = arith.constant 20 : i32
          %parallel_loop3A_415 = arith.index_cast %parallel_loop3A_414 : i32 to index
          %parallel_loop3A_416 = arith.index_cast %parallel_loop3A_231 : i32 to index
          %parallel_loop3A_417 = tpu.vector_load %arg14[%parallel_loop3A_415, %parallel_loop3A_416] {strides = array<i32>} : memref<32x768xf32, #tpu.memory_space<vmem>>, vector<16xf32>,
          %parallel_loop3A_418 = arith.addf %parallel_loop3A_417, %parallel_loop3A_233 : vector<16xf32>
          %parallel_loop3A_419 = arith.constant 20 : i32
          %parallel_loop3A_420 = arith.index_cast %parallel_loop3A_419 : i32 to index
          %parallel_loop3A_421 = arith.index_cast %parallel_loop3A_231 : i32 to index
          %parallel_loop3A_422 = tpu.vector_load %arg14[%parallel_loop3A_420, %parallel_loop3A_421] {strides = array<i32>} : memref<32x768xf32, #tpu.memory_space<vmem>>, vector<16xf32>,
          tpu.vector_store %arg14[%parallel_loop3A_420, %parallel_loop3A_421], %parallel_loop3A_418 {strides = array<i32>} : memref<32x768xf32, #tpu.memory_space<vmem>>, vector<16xf32>,
          %parallel_loop3A_423 = arith.constant 21 : i32
          %parallel_loop3A_424 = arith.index_cast %parallel_loop3A_423 : i32 to index
          %parallel_loop3A_425 = arith.index_cast %parallel_loop3A_231 : i32 to index
          %parallel_loop3A_426 = tpu.vector_load %arg14[%parallel_loop3A_424, %parallel_loop3A_425] {strides = array<i32>} : memref<32x768xf32, #tpu.memory_space<vmem>>, vector<16xf32>,
          %parallel_loop3A_427 = arith.addf %parallel_loop3A_426, %parallel_loop3A_233 : vector<16xf32>
          %parallel_loop3A_428 = arith.constant 21 : i32
          %parallel_loop3A_429 = arith.index_cast %parallel_loop3A_428 : i32 to index
          %parallel_loop3A_430 = arith.index_cast %parallel_loop3A_231 : i32 to index
          %parallel_loop3A_431 = tpu.vector_load %arg14[%parallel_loop3A_429, %parallel_loop3A_430] {strides = array<i32>} : memref<32x768xf32, #tpu.memory_space<vmem>>, vector<16xf32>,
          tpu.vector_store %arg14[%parallel_loop3A_429, %parallel_loop3A_430], %parallel_loop3A_427 {strides = array<i32>} : memref<32x768xf32, #tpu.memory_space<vmem>>, vector<16xf32>,
          %parallel_loop3A_432 = arith.constant 22 : i32
          %parallel_loop3A_433 = arith.index_cast %parallel_loop3A_432 : i32 to index
          %parallel_loop3A_434 = arith.index_cast %parallel_loop3A_231 : i32 to index
          %parallel_loop3A_435 = tpu.vector_load %arg14[%parallel_loop3A_433, %parallel_loop3A_434] {strides = array<i32>} : memref<32x768xf32, #tpu.memory_space<vmem>>, vector<16xf32>,
          %parallel_loop3A_436 = arith.addf %parallel_loop3A_435, %parallel_loop3A_233 : vector<16xf32>
          %parallel_loop3A_437 = arith.constant 22 : i32
          %parallel_loop3A_438 = arith.index_cast %parallel_loop3A_437 : i32 to index
          %parallel_loop3A_439 = arith.index_cast %parallel_loop3A_231 : i32 to index
          %parallel_loop3A_440 = tpu.vector_load %arg14[%parallel_loop3A_438, %parallel_loop3A_439] {strides = array<i32>} : memref<32x768xf32, #tpu.memory_space<vmem>>, vector<16xf32>,
          tpu.vector_store %arg14[%parallel_loop3A_438, %parallel_loop3A_439], %parallel_loop3A_436 {strides = array<i32>} : memref<32x768xf32, #tpu.memory_space<vmem>>, vector<16xf32>,
          %parallel_loop3A_441 = arith.constant 23 : i32
          %parallel_loop3A_442 = arith.index_cast %parallel_loop3A_441 : i32 to index
          %parallel_loop3A_443 = arith.index_cast %parallel_loop3A_231 : i32 to index
          %parallel_loop3A_444 = tpu.vector_load %arg14[%parallel_loop3A_442, %parallel_loop3A_443] {strides = array<i32>} : memref<32x768xf32, #tpu.memory_space<vmem>>, vector<16xf32>,
          %parallel_loop3A_445 = arith.addf %parallel_loop3A_444, %parallel_loop3A_233 : vector<16xf32>
          %parallel_loop3A_446 = arith.constant 23 : i32
          %parallel_loop3A_447 = arith.index_cast %parallel_loop3A_446 : i32 to index
          %parallel_loop3A_448 = arith.index_cast %parallel_loop3A_231 : i32 to index
          %parallel_loop3A_449 = tpu.vector_load %arg14[%parallel_loop3A_447, %parallel_loop3A_448] {strides = array<i32>} : memref<32x768xf32, #tpu.memory_space<vmem>>, vector<16xf32>,
          tpu.vector_store %arg14[%parallel_loop3A_447, %parallel_loop3A_448], %parallel_loop3A_445 {strides = array<i32>} : memref<32x768xf32, #tpu.memory_space<vmem>>, vector<16xf32>,
          %parallel_loop3A_450 = arith.constant 24 : i32
          %parallel_loop3A_451 = arith.index_cast %parallel_loop3A_450 : i32 to index
          %parallel_loop3A_452 = arith.index_cast %parallel_loop3A_231 : i32 to index
          %parallel_loop3A_453 = tpu.vector_load %arg14[%parallel_loop3A_451, %parallel_loop3A_452] {strides = array<i32>} : memref<32x768xf32, #tpu.memory_space<vmem>>, vector<16xf32>,
          %parallel_loop3A_454 = arith.addf %parallel_loop3A_453, %parallel_loop3A_233 : vector<16xf32>
          %parallel_loop3A_455 = arith.constant 24 : i32
          %parallel_loop3A_456 = arith.index_cast %parallel_loop3A_455 : i32 to index
          %parallel_loop3A_457 = arith.index_cast %parallel_loop3A_231 : i32 to index
          %parallel_loop3A_458 = tpu.vector_load %arg14[%parallel_loop3A_456, %parallel_loop3A_457] {strides = array<i32>} : memref<32x768xf32, #tpu.memory_space<vmem>>, vector<16xf32>,
          tpu.vector_store %arg14[%parallel_loop3A_456, %parallel_loop3A_457], %parallel_loop3A_454 {strides = array<i32>} : memref<32x768xf32, #tpu.memory_space<vmem>>, vector<16xf32>,
          %parallel_loop3A_459 = arith.constant 25 : i32
          %parallel_loop3A_460 = arith.index_cast %parallel_loop3A_459 : i32 to index
          %parallel_loop3A_461 = arith.index_cast %parallel_loop3A_231 : i32 to index
          %parallel_loop3A_462 = tpu.vector_load %arg14[%parallel_loop3A_460, %parallel_loop3A_461] {strides = array<i32>} : memref<32x768xf32, #tpu.memory_space<vmem>>, vector<16xf32>,
          %parallel_loop3A_463 = arith.addf %parallel_loop3A_462, %parallel_loop3A_233 : vector<16xf32>
          %parallel_loop3A_464 = arith.constant 25 : i32
          %parallel_loop3A_465 = arith.index_cast %parallel_loop3A_464 : i32 to index
          %parallel_loop3A_466 = arith.index_cast %parallel_loop3A_231 : i32 to index
          %parallel_loop3A_467 = tpu.vector_load %arg14[%parallel_loop3A_465, %parallel_loop3A_466] {strides = array<i32>} : memref<32x768xf32, #tpu.memory_space<vmem>>, vector<16xf32>,
          tpu.vector_store %arg14[%parallel_loop3A_465, %parallel_loop3A_466], %parallel_loop3A_463 {strides = array<i32>} : memref<32x768xf32, #tpu.memory_space<vmem>>, vector<16xf32>,
          %parallel_loop3A_468 = arith.constant 26 : i32
          %parallel_loop3A_469 = arith.index_cast %parallel_loop3A_468 : i32 to index
          %parallel_loop3A_470 = arith.index_cast %parallel_loop3A_231 : i32 to index
          %parallel_loop3A_471 = tpu.vector_load %arg14[%parallel_loop3A_469, %parallel_loop3A_470] {strides = array<i32>} : memref<32x768xf32, #tpu.memory_space<vmem>>, vector<16xf32>,
          %parallel_loop3A_472 = arith.addf %parallel_loop3A_471, %parallel_loop3A_233 : vector<16xf32>
          %parallel_loop3A_473 = arith.constant 26 : i32
          %parallel_loop3A_474 = arith.index_cast %parallel_loop3A_473 : i32 to index
          %parallel_loop3A_475 = arith.index_cast %parallel_loop3A_231 : i32 to index
          %parallel_loop3A_476 = tpu.vector_load %arg14[%parallel_loop3A_474, %parallel_loop3A_475] {strides = array<i32>} : memref<32x768xf32, #tpu.memory_space<vmem>>, vector<16xf32>,
          tpu.vector_store %arg14[%parallel_loop3A_474, %parallel_loop3A_475], %parallel_loop3A_472 {strides = array<i32>} : memref<32x768xf32, #tpu.memory_space<vmem>>, vector<16xf32>,
          %parallel_loop3A_477 = arith.constant 27 : i32
          %parallel_loop3A_478 = arith.index_cast %parallel_loop3A_477 : i32 to index
          %parallel_loop3A_479 = arith.index_cast %parallel_loop3A_231 : i32 to index
          %parallel_loop3A_480 = tpu.vector_load %arg14[%parallel_loop3A_478, %parallel_loop3A_479] {strides = array<i32>} : memref<32x768xf32, #tpu.memory_space<vmem>>, vector<16xf32>,
          %parallel_loop3A_481 = arith.addf %parallel_loop3A_480, %parallel_loop3A_233 : vector<16xf32>
          %parallel_loop3A_482 = arith.constant 27 : i32
          %parallel_loop3A_483 = arith.index_cast %parallel_loop3A_482 : i32 to index
          %parallel_loop3A_484 = arith.index_cast %parallel_loop3A_231 : i32 to index
          %parallel_loop3A_485 = tpu.vector_load %arg14[%parallel_loop3A_483, %parallel_loop3A_484] {strides = array<i32>} : memref<32x768xf32, #tpu.memory_space<vmem>>, vector<16xf32>,
          tpu.vector_store %arg14[%parallel_loop3A_483, %parallel_loop3A_484], %parallel_loop3A_481 {strides = array<i32>} : memref<32x768xf32, #tpu.memory_space<vmem>>, vector<16xf32>,
          %parallel_loop3A_486 = arith.constant 28 : i32
          %parallel_loop3A_487 = arith.index_cast %parallel_loop3A_486 : i32 to index
          %parallel_loop3A_488 = arith.index_cast %parallel_loop3A_231 : i32 to index
          %parallel_loop3A_489 = tpu.vector_load %arg14[%parallel_loop3A_487, %parallel_loop3A_488] {strides = array<i32>} : memref<32x768xf32, #tpu.memory_space<vmem>>, vector<16xf32>,
          %parallel_loop3A_490 = arith.addf %parallel_loop3A_489, %parallel_loop3A_233 : vector<16xf32>
          %parallel_loop3A_491 = arith.constant 28 : i32
          %parallel_loop3A_492 = arith.index_cast %parallel_loop3A_491 : i32 to index
          %parallel_loop3A_493 = arith.index_cast %parallel_loop3A_231 : i32 to index
          %parallel_loop3A_494 = tpu.vector_load %arg14[%parallel_loop3A_492, %parallel_loop3A_493] {strides = array<i32>} : memref<32x768xf32, #tpu.memory_space<vmem>>, vector<16xf32>,
          tpu.vector_store %arg14[%parallel_loop3A_492, %parallel_loop3A_493], %parallel_loop3A_490 {strides = array<i32>} : memref<32x768xf32, #tpu.memory_space<vmem>>, vector<16xf32>,
          %parallel_loop3A_495 = arith.constant 29 : i32
          %parallel_loop3A_496 = arith.index_cast %parallel_loop3A_495 : i32 to index
          %parallel_loop3A_497 = arith.index_cast %parallel_loop3A_231 : i32 to index
          %parallel_loop3A_498 = tpu.vector_load %arg14[%parallel_loop3A_496, %parallel_loop3A_497] {strides = array<i32>} : memref<32x768xf32, #tpu.memory_space<vmem>>, vector<16xf32>,
          %parallel_loop3A_499 = arith.addf %parallel_loop3A_498, %parallel_loop3A_233 : vector<16xf32>
          %parallel_loop3A_500 = arith.constant 29 : i32
          %parallel_loop3A_501 = arith.index_cast %parallel_loop3A_500 : i32 to index
          %parallel_loop3A_502 = arith.index_cast %parallel_loop3A_231 : i32 to index
          %parallel_loop3A_503 = tpu.vector_load %arg14[%parallel_loop3A_501, %parallel_loop3A_502] {strides = array<i32>} : memref<32x768xf32, #tpu.memory_space<vmem>>, vector<16xf32>,
          tpu.vector_store %arg14[%parallel_loop3A_501, %parallel_loop3A_502], %parallel_loop3A_499 {strides = array<i32>} : memref<32x768xf32, #tpu.memory_space<vmem>>, vector<16xf32>,
          %parallel_loop3A_504 = arith.constant 30 : i32
          %parallel_loop3A_505 = arith.index_cast %parallel_loop3A_504 : i32 to index
          %parallel_loop3A_506 = arith.index_cast %parallel_loop3A_231 : i32 to index
          %parallel_loop3A_507 = tpu.vector_load %arg14[%parallel_loop3A_505, %parallel_loop3A_506] {strides = array<i32>} : memref<32x768xf32, #tpu.memory_space<vmem>>, vector<16xf32>,
          %parallel_loop3A_508 = arith.addf %parallel_loop3A_507, %parallel_loop3A_233 : vector<16xf32>
          %parallel_loop3A_509 = arith.constant 30 : i32
          %parallel_loop3A_510 = arith.index_cast %parallel_loop3A_509 : i32 to index
          %parallel_loop3A_511 = arith.index_cast %parallel_loop3A_231 : i32 to index
          %parallel_loop3A_512 = tpu.vector_load %arg14[%parallel_loop3A_510, %parallel_loop3A_511] {strides = array<i32>} : memref<32x768xf32, #tpu.memory_space<vmem>>, vector<16xf32>,
          tpu.vector_store %arg14[%parallel_loop3A_510, %parallel_loop3A_511], %parallel_loop3A_508 {strides = array<i32>} : memref<32x768xf32, #tpu.memory_space<vmem>>, vector<16xf32>,
          %parallel_loop3A_513 = arith.constant 31 : i32
          %parallel_loop3A_514 = arith.index_cast %parallel_loop3A_513 : i32 to index
          %parallel_loop3A_515 = arith.index_cast %parallel_loop3A_231 : i32 to index
          %parallel_loop3A_516 = tpu.vector_load %arg14[%parallel_loop3A_514, %parallel_loop3A_515] {strides = array<i32>} : memref<32x768xf32, #tpu.memory_space<vmem>>, vector<16xf32>,
          %parallel_loop3A_517 = arith.addf %parallel_loop3A_516, %parallel_loop3A_233 : vector<16xf32>
          %parallel_loop3A_518 = arith.constant 31 : i32
          %parallel_loop3A_519 = arith.index_cast %parallel_loop3A_518 : i32 to index
          %parallel_loop3A_520 = arith.index_cast %parallel_loop3A_231 : i32 to index
          %parallel_loop3A_521 = tpu.vector_load %arg14[%parallel_loop3A_519, %parallel_loop3A_520] {strides = array<i32>} : memref<32x768xf32, #tpu.memory_space<vmem>>, vector<16xf32>,
          tpu.vector_store %arg14[%parallel_loop3A_519, %parallel_loop3A_520], %parallel_loop3A_517 {strides = array<i32>} : memref<32x768xf32, #tpu.memory_space<vmem>>, vector<16xf32>,
        } {sc.loop_unroll_factor = 1 : i64, sc.parallel_access}
      } else {
      }
      %and3A_208 = arith.constant 3 : i32
      %and3A_209 = arith.andi %add3A_175, %and3A_208 : i32
      %mul3A_210 = arith.constant 8192 : i32
      %mul3A_211 = arith.muli %and3A_209, %mul3A_210 : i32
      %add3A_212 = arith.addi %mul3A_211, %mul3A_2 : i32
      %shift_right_arithmetic3A_213 = arith.constant 2 : i32
      %shift_right_arithmetic3A_214 = arith.shrsi %add3A_175, %shift_right_arithmetic3A_213 : i32
      %mul3A_215 = arith.constant 32 : i32
      %mul3A_216 = arith.muli %shift_right_arithmetic3A_214, %mul3A_215 : i32
      %add3A_217 = arith.addi %add3A_212, %mul3A_216 : i32
      %dma_start3A_218 = arith.constant 0 : i32
      %dma_start3A_219 = tpu.memref_slice %arg8[%add3A_217, %dma_start3A_218] : memref<32768x768xf32, #tpu.memory_space<hbm>> -> memref<32x768xf32, #tpu.memory_space<hbm>>
      %dma_start3A_220 = arith.constant 0 : i32
      %dma_start3A_221 = tpu.memref_slice %arg8[%add3A_217, %dma_start3A_220] : memref<32768x768xf32, #tpu.memory_space<hbm>> -> memref<32x768xf32, #tpu.memory_space<hbm>>
      tpu.enqueue_dma source(%arg12 : memref<32x768xf32, #tpu.memory_space<vmem>>) target(%dma_start3A_221 : memref<32x768xf32, #tpu.memory_space<hbm>>) target_semaphore(%arg27 : memref<!tpu.dma_semaphore, #tpu.memory_space<semaphore_mem>>)
    }
    %scan3A_19 = arith.constant 10 : i32
    %dma_wait3A = arith.constant 736 : i32
    %dma_wait3A_20 = tpu.memref_slice %arg9[%dma_wait3A] : memref<1024xi32, #tpu.memory_space<vmem>> -> memref<32xi32, #tpu.memory_space<vmem>>
    %dma_wait3A_21 = arith.constant 0 : i32
    %dma_wait3A_22 = arith.constant 0 : i32
    %dma_wait3A_23 = tpu.memref_slice %arg3[%dma_wait3A_21, %dma_wait3A_22] : memref<100000x768xf32, #tpu.memory_space<hbm>> -> memref<100000x768xf32, #tpu.memory_space<hbm>>
    tpu.wait_indirect_dma semaphore(%arg22 : memref<!tpu.dma_semaphore, #tpu.memory_space<semaphore_mem>>) src(%dma_wait3A_23 : memref<100000x768xf32, #tpu.memory_space<hbm>>) dst(%arg10 : memref<32x768xf32, #tpu.memory_space<vmem>>)
    %add3A_24 = arith.constant 0 : i32
    %add3A_25 = arith.addi %add3A_24, %mul3A_2 : i32
    %add3A_26 = arith.constant 224 : i32
    %add3A_27 = arith.addi %add3A_25, %add3A_26 : i32
    %dma_wait3A_28 = arith.constant 0 : i32
    %dma_wait3A_29 = tpu.memref_slice %arg8[%add3A_27, %dma_wait3A_28] : memref<32768x768xf32, #tpu.memory_space<hbm>> -> memref<32x768xf32, #tpu.memory_space<hbm>>
    %dma_wait3A_30 = arith.constant 0 : i32
    %dma_wait3A_31 = tpu.memref_slice %arg8[%add3A_27, %dma_wait3A_30] : memref<32768x768xf32, #tpu.memory_space<hbm>> -> memref<32x768xf32, #tpu.memory_space<hbm>>
    tpu.wait_dma2 semaphore(%arg26 : memref<!tpu.dma_semaphore, #tpu.memory_space<semaphore_mem>>) src(%arg11 : memref<32x768xf32, #tpu.memory_space<vmem>>) dst(%dma_wait3A_31 : memref<32x768xf32, #tpu.memory_space<hbm>>)
    %dma_start3A_32 = arith.constant 992 : i32
    %dma_start3A_33 = tpu.memref_slice %arg9[%dma_start3A_32] : memref<1024xi32, #tpu.memory_space<vmem>> -> memref<32xi32, #tpu.memory_space<vmem>>
    %dma_start3A_34 = arith.constant 0 : i32
    %dma_start3A_35 = arith.constant 0 : i32
    %dma_start3A_36 = tpu.memref_slice %arg3[%dma_start3A_34, %dma_start3A_35] : memref<100000x768xf32, #tpu.memory_space<hbm>> -> memref<100000x768xf32, #tpu.memory_space<hbm>>
    tpu.enqueue_indirect_dma source(%dma_start3A_36 : memref<100000x768xf32, #tpu.memory_space<hbm>>) target(%arg11 : memref<32x768xf32, #tpu.memory_space<vmem>>) offsets(%dma_start3A_33 : memref<32xi32, #tpu.memory_space<vmem>>) semaphore(%arg23 : memref<!tpu.dma_semaphore, #tpu.memory_space<semaphore_mem>>)
    %add3A_37 = arith.constant 16384 : i32
    %add3A_38 = arith.addi %add3A_37, %mul3A_2 : i32
    %add3A_39 = arith.constant 224 : i32
    %add3A_40 = arith.addi %add3A_38, %add3A_39 : i32
    %dma_start3A_41 = arith.constant 0 : i32
    %dma_start3A_42 = tpu.memref_slice %arg8[%add3A_40, %dma_start3A_41] : memref<32768x768xf32, #tpu.memory_space<hbm>> -> memref<32x768xf32, #tpu.memory_space<hbm>>
    %dma_start3A_43 = arith.constant 0 : i32
    %dma_start3A_44 = tpu.memref_slice %arg8[%add3A_40, %dma_start3A_43] : memref<32768x768xf32, #tpu.memory_space<hbm>> -> memref<32x768xf32, #tpu.memory_space<hbm>>
    tpu.enqueue_dma source(%arg10 : memref<32x768xf32, #tpu.memory_space<vmem>>) target(%dma_start3A_44 : memref<32x768xf32, #tpu.memory_space<hbm>>) target_semaphore(%arg25 : memref<!tpu.dma_semaphore, #tpu.memory_space<semaphore_mem>>)
    %dma_wait3A_45 = arith.constant 992 : i32
    %dma_wait3A_46 = tpu.memref_slice %arg9[%dma_wait3A_45] : memref<1024xi32, #tpu.memory_space<vmem>> -> memref<32xi32, #tpu.memory_space<vmem>>
    %dma_wait3A_47 = arith.constant 0 : i32
    %dma_wait3A_48 = arith.constant 0 : i32
    %dma_wait3A_49 = tpu.memref_slice %arg3[%dma_wait3A_47, %dma_wait3A_48] : memref<100000x768xf32, #tpu.memory_space<hbm>> -> memref<100000x768xf32, #tpu.memory_space<hbm>>
    tpu.wait_indirect_dma semaphore(%arg23 : memref<!tpu.dma_semaphore, #tpu.memory_space<semaphore_mem>>) src(%dma_wait3A_49 : memref<100000x768xf32, #tpu.memory_space<hbm>>) dst(%arg11 : memref<32x768xf32, #tpu.memory_space<vmem>>)
    %add3A_50 = arith.constant 8192 : i32
    %add3A_51 = arith.addi %add3A_50, %mul3A_2 : i32
    %add3A_52 = arith.constant 224 : i32
    %add3A_53 = arith.addi %add3A_51, %add3A_52 : i32
    %dma_wait3A_54 = arith.constant 0 : i32
    %dma_wait3A_55 = tpu.memref_slice %arg8[%add3A_53, %dma_wait3A_54] : memref<32768x768xf32, #tpu.memory_space<hbm>> -> memref<32x768xf32, #tpu.memory_space<hbm>>
    %dma_wait3A_56 = arith.constant 0 : i32
    %dma_wait3A_57 = tpu.memref_slice %arg8[%add3A_53, %dma_wait3A_56] : memref<32768x768xf32, #tpu.memory_space<hbm>> -> memref<32x768xf32, #tpu.memory_space<hbm>>
    tpu.wait_dma2 semaphore(%arg27 : memref<!tpu.dma_semaphore, #tpu.memory_space<semaphore_mem>>) src(%arg12 : memref<32x768xf32, #tpu.memory_space<vmem>>) dst(%dma_wait3A_57 : memref<32x768xf32, #tpu.memory_space<hbm>>)
    %add3A_58 = arith.constant 24576 : i32
    %add3A_59 = arith.addi %add3A_58, %mul3A_2 : i32
    %add3A_60 = arith.constant 224 : i32
    %add3A_61 = arith.addi %add3A_59, %add3A_60 : i32
    %dma_start3A_62 = arith.constant 0 : i32
    %dma_start3A_63 = tpu.memref_slice %arg8[%add3A_61, %dma_start3A_62] : memref<32768x768xf32, #tpu.memory_space<hbm>> -> memref<32x768xf32, #tpu.memory_space<hbm>>
    %dma_start3A_64 = arith.constant 0 : i32
    %dma_start3A_65 = tpu.memref_slice %arg8[%add3A_61, %dma_start3A_64] : memref<32768x768xf32, #tpu.memory_space<hbm>> -> memref<32x768xf32, #tpu.memory_space<hbm>>
    tpu.enqueue_dma source(%arg11 : memref<32x768xf32, #tpu.memory_space<vmem>>) target(%dma_start3A_65 : memref<32x768xf32, #tpu.memory_space<hbm>>) target_semaphore(%arg26 : memref<!tpu.dma_semaphore, #tpu.memory_space<semaphore_mem>>)
    %add3A_66 = arith.constant 16384 : i32
    %add3A_67 = arith.addi %add3A_66, %mul3A_2 : i32
    %add3A_68 = arith.constant 224 : i32
    %add3A_69 = arith.addi %add3A_67, %add3A_68 : i32
    %dma_wait3A_70 = arith.constant 0 : i32
    %dma_wait3A_71 = tpu.memref_slice %arg8[%add3A_69, %dma_wait3A_70] : memref<32768x768xf32, #tpu.memory_space<hbm>> -> memref<32x768xf32, #tpu.memory_space<hbm>>
    %dma_wait3A_72 = arith.constant 0 : i32
    %dma_wait3A_73 = tpu.memref_slice %arg8[%add3A_69, %dma_wait3A_72] : memref<32768x768xf32, #tpu.memory_space<hbm>> -> memref<32x768xf32, #tpu.memory_space<hbm>>
    tpu.wait_dma2 semaphore(%arg25 : memref<!tpu.dma_semaphore, #tpu.memory_space<semaphore_mem>>) src(%arg10 : memref<32x768xf32, #tpu.memory_space<vmem>>) dst(%dma_wait3A_73 : memref<32x768xf32, #tpu.memory_space<hbm>>)
    %add3A_74 = arith.constant 24576 : i32
    %add3A_75 = arith.addi %add3A_74, %mul3A_2 : i32
    %add3A_76 = arith.constant 224 : i32
    %add3A_77 = arith.addi %add3A_75, %add3A_76 : i32
    %dma_wait3A_78 = arith.constant 0 : i32
    %dma_wait3A_79 = tpu.memref_slice %arg8[%add3A_77, %dma_wait3A_78] : memref<32768x768xf32, #tpu.memory_space<hbm>> -> memref<32x768xf32, #tpu.memory_space<hbm>>
    %dma_wait3A_80 = arith.constant 0 : i32
    %dma_wait3A_81 = tpu.memref_slice %arg8[%add3A_77, %dma_wait3A_80] : memref<32768x768xf32, #tpu.memory_space<hbm>> -> memref<32x768xf32, #tpu.memory_space<hbm>>
    tpu.wait_dma2 semaphore(%arg26 : memref<!tpu.dma_semaphore, #tpu.memory_space<semaphore_mem>>) src(%arg11 : memref<32x768xf32, #tpu.memory_space<vmem>>) dst(%dma_wait3A_81 : memref<32x768xf32, #tpu.memory_space<hbm>>)
    return
  }
}

</mosaic_0001>

<sc_bundles>
// kernel: kernel.3.cloned.1.call-start
scs
__scs_entry_jumppad:
0x0: {  	(pc) =	sbr.rel $0x88, $3  }
0x1: {  	(tag) =	ssettag $0x0;
	lr =	simm.s32 $0x1  }
0x2: {  	[smem:$0x3F9B] =	sst lr;
	_ =	strace $0xD0000000  }
0x3: {  	_ = 	snop  }
0x4: {  	_ = 	snop  }
0x5: {  	_ = 	snop  }
0x6: {  	_ = 	snop  }
0x7: {  	_ = 	snop  }
__scs_overlays_trampoline_lowered:
0x8: {  	[smem:$0x3FAA] =	sst s0  }
0x9: {  	[smem:$0x3FAB] =	sst s1  }
0xa: {  	[smem:$0x3FAC] =	sst s2  }
0xb: {  	[smem:$0x3FAD] =	sst s3  }
0xc: {  	[smem:$0x3FAE] =	sst s4  }
0xd: {  	[smem:$0x3FAF] =	sst s5  }
0xe: {  	[smem:$0x3FB0] =	sst s6  }
0xf: {  	[smem:$0x3FB1] =	sst s7  }
0x10: {  	[smem:$0x3FB2] =	sst s8  }
0x11: {  	[smem:$0x3FB3] =	sst s9;
	s0 =	simm.s32 @!p0 $0x0  }
0x12: {  	s1 =	sld [smem:$0x3F99];
	s0 =	simm.s32 @p0 $0x1  }
0x13: {  	[smem:$0x3FB4] =	sst s0;
	s0 =	simm.s32 @!p1 $0x0  }
0x14: {  	s2 =	sld [smem:$0x3F98];
	s0 =	simm.s32 @p1 $0x1  }
0x15: {  	[smem:$0x3FB5] =	sst s0;
	s0 =	simm.s32 @!p2 $0x0  }
0x16: {  	s3 =	sld [smem:$0x3FDB];
	s0 =	simm.s32 @p2 $0x1  }
0x17: {  	s4 =	simm.s32 $0x1BF5;
	[smem:$0x3FB7] =	sst s0  }
0x18: {  	s0 =	sld [smem:$0x3F9A];
	_ =	swait.ge [sflag:s4], $0x0  }
0x19: {  	s7 =	sld [smem:$0x3F9B]  }
0x1a: {  	s8 =	sadd.s32 $0xFFFFE003, lr  }
0x1b: {  	s9 =	sadd.s32 $0xFFFFFEF7, lr;
	s5 =	simm.s32 $0xFFFFFFFF;
	p2 =	slt.u32 s8, $0xFFFFF086  }
0x1c: {  	p1 =	slt.u32 s9, $0xF7A;
	s5 =	simm.s32 @!p2 $0x0  }
0x1d: {  	s5 =	simm.s32 @p1 $0x1;
	p0 =	seq.s32 s7, s2  }
0x1e: {  	s7 =	smul.u32 @!p0 $0xF7A, s2;
	p2 =	seq.s32 @!p0 s5, $0x0  }
0x1f: {  	s9 =	smul.u32 $0xF7A, s1;
	s8 =	simm.s32 @!p0 $0x1BF5;
	p2 =	por !p2, p0  }
0x20: {  	[sflag:s8] =	ssyncset.s32 @!p0 $0xFFFFF086;
	s6 =	sadd.s32 @!p0 s3, s7;
	s7 =	simm.s32 @!p0 $0x108  }
0x21: {  	s3 =	sadd.s32 s3, s9;
	s6 =	sadd.s32 @!p0 $0x88, s6;
	s7 =	simm.s32 @p2 $0x1082  }
0x22: {  	[simem:s7], [sflag:s8] =	dma.local @!p0 [hbm:s6], $0xF7A  }
0x23: {  	s9 =	sor.u32 $0xD0000000, s2;
	s6 =	simm.s32 $0x108;
	_ =	swait.ge @!p0 [sflag:s8], $0x0  }
0x24: {  	s3 =	sadd.s32 $0x88, s3;
	s6 =	simm.s32 @!p1 $0x1082;
	[sflag:s4] =	ssyncset.s32 $0xFFFFF086  }
0x25: {  	[simem:s6], [sflag:s4] =	dma.local [hbm:s3], $0xF7A  }
0x26: {  	[smem:$0x3F9B] =	sst s1;
	(tag) =	ssettag s2;
	_ =	strace s9  }
0x27: {  	s1 =	sld [smem:$0x3FAB]  }
0x28: {  	s2 =	sld [smem:$0x3FAC]  }
0x29: {  	s4 =	sld [smem:$0x3FAE]  }
0x2a: {  	p0 =	seq.s32 s5, $0x0;
	s5 =	sld [smem:$0x3FAF]  }
0x2b: {  	s6 =	sld [smem:$0x3FB0]  }
0x2c: {  	s7 =	sld [smem:$0x3FB1]  }
0x2d: {  	s3 =	simm.s32 $0x108;
	s8 =	sld [smem:$0x3FB2]  }
0x2e: {  	s3 =	simm.s32 @!p0 $0x1082;
	s9 =	sld [smem:$0x3FB3]  }
0x2f: {  	lr =	sadd.s32 s0, s3;
	s0 =	sld [smem:$0x3FAA]  }
0x30: {  	s3 =	sld [smem:$0x3FAD]  }
0x31: {  	[smem:$0x3FB6] =	sst s10  }
0x32: {  	s10 =	sld [smem:$0x3FB4];
	_ =	sdelay $0x3  }
0x33: {  	p0 =	seq.s32 s10, $0x1;
	s10 =	sld [smem:$0x3FB6];
	_ =	sdelay $0x3  }
0x34: {  	[smem:$0x3FB6] =	sst s10  }
0x35: {  	s10 =	sld [smem:$0x3FB5];
	_ =	sdelay $0x3  }
0x36: {  	p1 =	seq.s32 s10, $0x1;
	s10 =	sld [smem:$0x3FB6];
	_ =	sdelay $0x3  }
0x37: {  	[smem:$0x3FB6] =	sst s10  }
0x38: {  	s10 =	sld [smem:$0x3FB7]  }
0x39: {  	_ = 	snop;
	(pc) =	sbr.ind lr, $3  }
0x3a: {  	_ = 	snop  }
0x3b: {  	_ = 	snop  }
0x3c: {  	p2 =	seq.s32 s10, $0x1;
	s10 =	sld [smem:$0x3FB6]  }
0x3d: {  	_ =	shalt  }
0x3e: {  	_ =	shalt  }
0x3f: {  	_ =	shalt  }
0x40: {  	_ =	shalt  }
0x41: {  	_ =	shalt  }
0x42: {  	_ =	shalt  }
0x43: {  	_ =	shalt  }
0x44: {  	_ =	shalt  }
0x45: {  	_ =	shalt  }
0x46: {  	_ =	shalt  }
0x47: {  	_ =	shalt  }
0x48: {  	_ =	shalt  }
0x49: {  	_ =	shalt  }
0x4a: {  	_ =	shalt  }
0x4b: {  	_ =	shalt  }
0x4c: {  	_ =	shalt  }
0x4d: {  	_ =	shalt  }
0x4e: {  	_ =	shalt  }
0x4f: {  	_ =	shalt  }
0x50: {  	_ =	shalt  }
0x51: {  	_ =	shalt  }
0x52: {  	_ =	shalt  }
0x53: {  	_ =	shalt  }
0x54: {  	_ =	shalt  }
0x55: {  	_ =	shalt  }
0x56: {  	_ =	shalt  }
0x57: {  	_ =	shalt  }
0x58: {  	_ =	shalt  }
0x59: {  	_ =	shalt  }
0x5a: {  	_ =	shalt  }
0x5b: {  	_ =	shalt  }
0x5c: {  	_ =	shalt  }
0x5d: {  	_ =	shalt  }
0x5e: {  	_ =	shalt  }
0x5f: {  	_ =	shalt  }
0x60: {  	_ =	shalt  }
0x61: {  	_ =	shalt  }
0x62: {  	_ =	shalt  }
0x63: {  	_ =	shalt  }
0x64: {  	_ =	shalt  }
0x65: {  	_ =	shalt  }
0x66: {  	_ =	shalt  }
0x67: {  	_ =	shalt  }
0x68: {  	_ =	shalt  }
0x69: {  	_ =	shalt  }
0x6a: {  	_ =	shalt  }
0x6b: {  	_ =	shalt  }
0x6c: {  	_ =	shalt  }
0x6d: {  	_ =	shalt  }
0x6e: {  	_ =	shalt  }
0x6f: {  	_ =	shalt  }
0x70: {  	_ =	shalt  }
0x71: {  	_ =	shalt  }
0x72: {  	_ =	shalt  }
0x73: {  	_ =	shalt  }
0x74: {  	_ =	shalt  }
0x75: {  	_ =	shalt  }
0x76: {  	_ =	shalt  }
0x77: {  	_ =	shalt  }
0x78: {  	_ =	shalt  }
0x79: {  	_ =	shalt  }
0x7a: {  	_ =	shalt  }
0x7b: {  	_ =	shalt  }
0x7c: {  	_ =	shalt  }
0x7d: {  	_ =	shalt  }
0x7e: {  	_ =	shalt  }
0x7f: {  	_ =	shalt  }
0x80: {  	_ =	shalt  }
0x81: {  	_ =	shalt  }
0x82: {  	_ =	shalt  }
0x83: {  	_ =	shalt  }
0x84: {  	_ =	shalt  }
0x85: {  	_ =	shalt  }
0x86: {  	_ =	shalt  }
0x87: {  	_ =	shalt  }
.Lfunc_end0:
.L_simem_size_0:
called_computation_lowered:
.L_overlay_start_0:
0x88: {  	s2 =	sld [smem:$0x3FD9]  }
0x89: {  	s3 =	sld [smem:$0x3FFE];
	_ =	sdelay $0x1  }
0x8a: {  	s1 =	srdreg.scid  }
0x8b: {  	s0 =	sand.u32 $0x1, s1  }
0x8c: {  	s17 =	sshll.u32 s0, $0xA;
	s2 =	sadd.s32 s3, s2  }
0x8d: {  	s2 =	sadd.s32 s2, s17  }
0x8e: {  	[smem:$0x3FC2] =	sst s2  }
0x8f: {  	_ = 	snop  }
0x90: {  	s2 =	sld [smem:$0x3FC8]  }
0x91: {  	s18 =	sld [smem:$0x3FC6]  }
0x92: {  	s4 =	sld [smem:$0x3FC5]  }
0x93: {  	s5 =	sld [smem:$0x3FC4]  }
0x94: {  	s6 =	sld [smem:$0x3FD0];
	(tm) =	ssettm $0x1  }
0x95: {  	s7 =	sld [smem:$0x3FFB];
	_ =	sdelay $0x3  }
0x96: {  	_ =	strace s7  }
0x97: {  	s7 =	sld [smem:$0x3FFC];
	_ =	sdelay $0x3  }
0x98: {  	_ =	strace s7  }
0x99: {  	s7 =	sld [smem:$0x3FFD];
	_ =	sdelay $0x3  }
0x9a: {  	_ =	strace s7  }
0x9b: {  	_ =	strace $0x8FFFFFFF  }
0x9c: {  	s19 =	sld [smem:$0x3FDB];
	_ =	sdelay $0x1  }
0x9d: {  	s8 =	simm.s32 $_scs_section_size  }
0x9e: {  	s9 =	simm.s32 $_size__tile_overlayer_lowered;
	s10 =	simm.s32 $_tile_overlayer_lowered  }
0x9f: {  	s22 =	simm.s32 $0x1BFF;
	s21 =	sshll.u32 s10, $0x1;
	s7 =	sadd.s32 s8, s19  }
0xa0: {  	s11 =	simm.s32 $0x0;
	s20 =	sshll.u32 s9, $0x1;
	s9 =	sadd.s32 s21, s7  }
0xa1: {  	[timem:s11], [sflag:s22] =	dma.local [hbm:s9], s20  }
0xa2: {  	_ =	swait.ge [sflag:s22], s20  }
0xa3: {  	s8 =	ssub.s32 $0x0, s20;
	[sflag:s22] =	ssyncset.done $0x0  }
0xa4: {  	[sflag:s22] =	ssyncadd.s32 s8;
	_ =	sdelay $0x1  }
0xa5: {  	s23 =	simm.s32 $0x1B8B  }
0xa6: {  	_ =	swait.ge [sflag:s23], $0x1  }
0xa7: {  	[sflag:s23] =	ssyncset.done $0x0  }
0xa8: {  	s25 =	simm.s32 $0x1B8E;
	s24 =	sld [smem:$0x3FFE];
	[sflag:s23] =	ssyncadd.s32 $0xFFFFFFFF  }
0xa9: {  	s26 =	simm.s32 $execute0_lowered;
	[smem:$0x3FD2] =	sst s25  }
0xaa: {  	s9 =	sshll.u32 s26, $0x1;
	_ =	strace $0x80000046;
	[dreg:$0x1] =	wrdreg $0xFFFFFFFF  }
0xab: {  	s28 =	simm.s32 $_size_execute0_lowered;
	s7 =	sadd.s32 s7, s9;
	[dreg:$0x0] =	wrdreg $0x0  }
0xac: {  	s9 =	sshll.u32 s28, $0x1;
	[dreg:$0x2] =	wrdreg s7  }
0xad: {  	[dreg:$0x3] =	wrdreg s9  }
0xae: {  	[dreg:$0x4] =	wrdreg $0xC0  }
0xaf: {  	_ =	task [dreg:s11], $0x5FFFF  }
0xb0: {  	[dreg:$0x1] =	wrdreg $0xFFFFFFFF  }
0xb1: {  	[dreg:$0x0] =	wrdreg $0x60  }
0xb2: {  	[dreg:$0x2] =	wrdreg s24  }
0xb3: {  	[dreg:$0x3] =	wrdreg s2  }
0xb4: {  	[dreg:$0x4] =	wrdreg s18  }
0xb5: {  	[dreg:$0x5] =	wrdreg s4  }
0xb6: {  	[dreg:$0x6] =	wrdreg s5  }
0xb7: {  	[dreg:$0x7] =	wrdreg s6  }
0xb8: {  	[dreg:$0x8] =	wrdreg $0x9  }
0xb9: {  	_ =	task.clear_ibuf [dreg:s11], $0x9FFFF;
	_ =	strace $0x90000046  }
0xba: {  	s29 =	simm.s32 $0x9;
	_ =	strace $0x80000048  }
0xbb: {  	_ =	swait.ge [sflag:s29], $0x1  }
0xbc: {  	[sflag:s29] =	ssyncadd.s32 $0xFFFFFFFF  }
0xbd: {  	_ =	strace $0x90000048  }
0xbe: {  	_ =	sfence  }
0xbf: {  	s30 =	sld [smem:$0x0];
	_ =	sdelay $0x2  }
0xc0: {  	s31 =	sshll.u32 s1, $0xD;
	s1 =	sshrl.u32 s1, $0x2  }
0xc1: {  	s3 =	sand.u32 $0x4000, s31;
	s1 =	sadd.s32 s1, s30  }
0xc2: {  	s0 =	sor.u32 s3, s0;
	s1 =	sshll.u32 s1, $0x11  }
0xc3: {  	s0 =	sor.u32 s1, s0  }
0xc4: {  	s0 =	sadd.s32 $0x8F2B, s0  }
0xc5: {  	[sflag:s0] =	ssyncadd.remote.s32 $0x1  }
0xc6: {  	_ =	sfence.sel $0xFFFF  }
0xc7: {  	[dreg:$0x0] =	wrdreg $0xFFFFFFFF;
	(pc) =	sbr.abs _section_cstart, $3  }
0xc8: {  	[dreg:$0x1] =	wrdreg $0xFFFFFFFF  }
0xc9: {  	_ =	task.clear_ibuf [dreg:s11], $0x2FFFF;
	_ =	strace $0x9FFFFFFF  }
0xca: {  	(tm) =	ssettm $0x7FFFFFFF  }
0xcb: {  	_ =	shalt  }
tec
execute0_lowered:
.L_overlay_start_1:
0x0: {  	(tag) =	ssettag $0x1  }
0x1: {  	s5 =	rddreg [dreg:$0x0]  }
0x2: {  	s1 =	rddreg [dreg:$0x1]  }
0x3: {  	s3 =	rddreg [dreg:$0x2]  }
0x4: {  	s0 =	srdreg.scid;
	s2 =	stileid.u32  }
0x5: {  	s7 =	rddreg [dreg:$0x5];
	s8 =	simm.s32 $0x0;
	s21 =	simm.s32 $0x7  }
0x6: {  	s28 =	simm.s32 $0x400;
	s6 =	simm.s32 $0x3;
	s20 =	simm.s32 $0x4  }
0x7: {  	s12 =	simm.s32 $0x0;
	s0 =	sand.u32 $0x1, s0;
	s2 =	sshll.u32 s2, $0x9  }
0x8: {  	[smem:$0x7FF] =	sst s8;
	s4 =	sshll.u32 s0, $0x8;
	s0 =	ssub.s32 $0x2, s0  }
0x9: {  	s15 =	sadd.s32 $0x100, s1;
	s9 =	sor.u32 s4, s2;
	s25 =	sshrl.u32 s0, $0x1  }
0xa: {  	s16 =	sadd.s32 $0x200, s1;
	s10 =	sshrl.u32 s9, $0x3;
	s0 =	ssub.s32 s0, s25  }
0xb: {  	_ =	strace $0x80000047;
	s24 =	sadd.s32 s10, s5;
	s0 =	smax.u32 s0, $0x1  }
0xc: {  	s25 =	simm.s32 $0x1;
	s26 =	sadd.s32 $0x200, s24;
	[dreg:$0xd] =	wrdreg s0  }
0xd: {  	s29 =	smul.u32 $0x300, s10;
	s5 =	sadd.s32 $0x600, s24;
	[dreg:$0x7] =	wrdreg s26  }
.Ltmp0:
0xe: {  	s30 =	sadd.s32 $0xA00, s24;
	[dreg:$0x8] =	wrdreg s5;
	(pc) =	sbr.rel .LBB2_1-.Ltmp0, $4  }
0xf: {  	s2 =	sadd.s32 $0xE00, s24;
	[dreg:$0x9] =	wrdreg s30;
	s31 =	sadd.s32 s29, s7  }
0x10: {  	v2 =	vlaneseq.u32;
	[dreg:$0xa] =	wrdreg s2;
	s26 =	simm.s32 $0x6400;
	s4 =	sadd.s32 $0x185400, s31  }
0x11: {  	vm0 =	vmmov $0xffff;
	v1 =	vshrl.u32 v2, $0x3;
	s5 =	simm.s32 $0x12400;
	s2 =	sadd.s32 $0x245400, s31;
	[dreg:$0xb] =	wrdreg s4  }
0x12: {  	v0 =	vand.u32 $0x7, v2;
	v2 =	vor.u32 $0x8, v2;
	v1 =	vmul.u32 $0x8, v1;
	[dreg:$0xc] =	wrdreg s2;
	s2 =	simm.s32 $0x2;
	s4 =	simm.s32 $0xC400  }
.LBB2_15:
0x13: {  	_ =	swait.ge [sflag:s25], $0x6000  }
0x14: {  	[sflag:s25] =	ssyncset.done $0x0  }
0x15: {  	s11 =	simm.s32 $0x5;
	[sflag:s25] =	ssyncadd.s32 $0xFFFFA000  }
0x16: {  	_ =	swait.ge [sflag:s11], $0x6000  }
0x17: {  	[sflag:s11] =	ssyncset.done $0x0  }
0x18: {  	[sflag:s11] =	ssyncadd.s32 $0xFFFFA000  }
0x19: {  	v3 =	vld [tilespmem:$0x3E0];
	_ =	sdelay $0x4  }
0x1a: {  	v4 =	vshrl.u32 v3, $0x3  }
0x1b: {  	v4 =	vmul.u32 $0x30, v4  }
0x1c: {  	v3 =	vand.u32 $0x7, v3  }
0x1d: {  	v3 =	vor.u32 v3, v4  }
0x1e: {  	v4 =	vperm.xlane v3, v0;
	_ =	sdelay $0x1  }
0x1f: {  	v4 =	vadd.s32 v1, v4;
	_ =	sdelay $0x3  }
0x20: {  	v3 =	vperm.xlane v3, v2  }
0x21: {  	[tilespmem:s26], [sflag:$0x2] =	stream.indirect_vreg.gather [hbm4b:s1+s8], $0x80, v4, vm0, $0xb8;
	[tilespmem:$0x18D00] =	vst v63  }
0x22: {  	s0 =	simm.s32 $0x6C00;
	v3 =	vadd.s32 v1, v3  }
0x23: {  	[tilespmem:s0], [sflag:$0x2] =	stream.indirect_vreg.gather [hbm4b:s15+s8], $0x80, v4, vm0, $0xb8;
	[tilespmem:$0x18D00] =	vst v63  }
0x24: {  	s30 =	simm.s32 $0x7400  }
0x25: {  	[tilespmem:s30], [sflag:$0x2] =	stream.indirect_vreg.gather [hbm4b:s16+s8], $0x80, v4, vm0, $0xb8;
	[tilespmem:$0x18D00] =	vst v63  }
0x26: {  	s31 =	simm.s32 $0x7C00  }
0x27: {  	[tilespmem:s31], [sflag:$0x2] =	stream.indirect_vreg.gather [hbm4b:s1+s8], $0x80, v3, vm0, $0xb8;
	[tilespmem:$0x18D00] =	vst v63  }
0x28: {  	s12 =	simm.s32 $0x8400  }
0x29: {  	[tilespmem:s12], [sflag:$0x2] =	stream.indirect_vreg.gather [hbm4b:s15+s8], $0x80, v3, vm0, $0xb8;
	[tilespmem:$0x18D00] =	vst v63  }
0x2a: {  	s13 =	simm.s32 $0x8C00  }
0x2b: {  	[tilespmem:s13], [sflag:$0x2] =	stream.indirect_vreg.gather [hbm4b:s16+s8], $0x80, v3, vm0, $0xb8;
	[tilespmem:$0x18D00] =	vst v63  }
0x2c: {  	v3 =	vld [tilespmem:$0x3F0];
	_ =	sdelay $0x4  }
0x2d: {  	v63 =	vshrl.u32 v3, $0x3  }
0x2e: {  	v4 =	vmul.u32 $0x30, v63  }
0x2f: {  	v3 =	vand.u32 $0x7, v3  }
0x30: {  	v3 =	vor.u32 v3, v4  }
0x31: {  	v4 =	vperm.xlane v3, v0;
	_ =	sdelay $0x1  }
0x32: {  	v4 =	vadd.s32 v1, v4;
	_ =	sdelay $0x3  }
0x33: {  	s14 =	simm.s32 $0x9400;
	v3 =	vperm.xlane v3, v2  }
0x34: {  	[tilespmem:s14], [sflag:$0x2] =	stream.indirect_vreg.gather [hbm4b:s1+s8], $0x80, v4, vm0, $0xb8;
	[tilespmem:$0x18D00] =	vst v63  }
0x35: {  	s17 =	simm.s32 $0x9C00;
	v3 =	vadd.s32 v1, v3  }
0x36: {  	[tilespmem:s17], [sflag:$0x2] =	stream.indirect_vreg.gather [hbm4b:s15+s8], $0x80, v4, vm0, $0xb8;
	[tilespmem:$0x18D00] =	vst v63  }
0x37: {  	s18 =	simm.s32 $0xA400  }
0x38: {  	[tilespmem:s18], [sflag:$0x2] =	stream.indirect_vreg.gather [hbm4b:s16+s8], $0x80, v4, vm0, $0xb8;
	[tilespmem:$0x18D00] =	vst v63  }
0x39: {  	s19 =	simm.s32 $0xAC00  }
0x3a: {  	[tilespmem:s19], [sflag:$0x2] =	stream.indirect_vreg.gather [hbm4b:s1+s8], $0x80, v3, vm0, $0xb8;
	[tilespmem:$0x18D00] =	vst v63  }
0x3b: {  	s22 =	simm.s32 $0xB400  }
0x3c: {  	[tilespmem:s22], [sflag:$0x2] =	stream.indirect_vreg.gather [hbm4b:s15+s8], $0x80, v3, vm0, $0xb8;
	[tilespmem:$0x18D00] =	vst v63  }
0x3d: {  	s23 =	simm.s32 $0xBC00  }
0x3e: {  	[tilespmem:s23], [sflag:$0x2] =	stream.indirect_vreg.gather [hbm4b:s16+s8], $0x80, v3, vm0, $0xb8;
	[tilespmem:$0x18D00] =	vst v63  }
0x3f: {  	s24 =	rddreg [dreg:$0xb]  }
0x40: {  	[hbm4b:s24+s8] =	stream.linear.scatter [tilespmem:s28], [sflag:$0x4], $0x6000, $0x38;
	[tilespmem:$0x18D00] =	vst v63  }
0x41: {  	_ =	swait.ge [sflag:s2], $0x6000  }
0x42: {  	[sflag:s2] =	ssyncset.done $0x0  }
0x43: {  	s29 =	simm.s32 $0x6;
	[sflag:s2] =	ssyncadd.s32 $0xFFFFA000  }
0x44: {  	_ =	swait.ge [sflag:s29], $0x6000  }
0x45: {  	[sflag:s29] =	ssyncset.done $0x0  }
0x46: {  	s30 =	rddreg [dreg:$0xc];
	[sflag:s29] =	ssyncadd.s32 $0xFFFFA000  }
0x47: {  	[hbm4b:s30+s8] =	stream.linear.scatter [tilespmem:s26], [sflag:$0x5], $0x6000, $0x38;
	[tilespmem:$0x18D00] =	vst v63  }
0x48: {  	_ =	swait.ge [sflag:s20], $0x6000  }
0x49: {  	[sflag:s20] =	ssyncset.done $0x0  }
0x4a: {  	[sflag:s20] =	ssyncadd.s32 $0xFFFFA000  }
0x4b: {  	_ =	swait.ge [sflag:s11], $0x6000  }
0x4c: {  	s12 =	rddreg [dreg:$0xe]  }
0x4d: {  	s31 =	rddreg [dreg:$0xd];
	s12 =	sadd.s32 $0x1, s12  }
0x4e: {  	p0 =	sne.s32 s12, s31  }
.Ltmp1:
0x4f: {  	_ = 	snop;
	(pc) =	sbr.rel @!p0 .LBB2_16-.Ltmp1, $3  }
0x50: {  	_ =	sdelay $0x1  }
0x51: {  	[sflag:s11] =	ssyncset.done $0x0  }
0x52: {  	[sflag:s11] =	ssyncadd.s32 $0xFFFFA000  }
.LBB2_1:
0x53: {  	[dreg:$0xe] =	wrdreg s12  }
0x54: {  	s0 =	rddreg [dreg:$0x0];
	s11 =	simm.s32 $0x18400  }
0x55: {  	[tilespmem:s11], [sflag:$0x7] =	stream.linear.gather [hbm4b:s0+s8], $0x300, $0x38;
	[tilespmem:$0x18D00] =	vst v63  }
0x56: {  	_ =	swait.ge [sflag:s21], $0x300  }
0x57: {  	[sflag:s21] =	ssyncset.done $0x0  }
0x58: {  	[sflag:s21] =	ssyncadd.s32 $0xFFFFFD00  }
0x59: {  	s18 =	simm.s32 $0x18700;
	s17 =	rddreg [dreg:$0x3]  }
0x5a: {  	[tilespmem:s18], [sflag:$0x7] =	stream.linear.gather [hbm4b:s17+s8], $0x300, $0x38;
	[tilespmem:$0x18D00] =	vst v63  }
0x5b: {  	_ =	swait.ge [sflag:s21], $0x300  }
0x5c: {  	[sflag:s21] =	ssyncset.done $0x0  }
0x5d: {  	[sflag:s21] =	ssyncadd.s32 $0xFFFFFD00  }
0x5e: {  	s22 =	simm.s32 $0x18A00;
	s19 =	rddreg [dreg:$0x4]  }
0x5f: {  	[tilespmem:s22], [sflag:$0x7] =	stream.linear.gather [hbm4b:s19+s8], $0x300, $0x38;
	[tilespmem:$0x18D00] =	vst v63  }
0x60: {  	_ =	swait.ge [sflag:s21], $0x300  }
0x61: {  	[sflag:s21] =	ssyncset.done $0x0  }
0x62: {  	s23 =	rddreg [dreg:$0x7];
	[sflag:s21] =	ssyncadd.s32 $0xFFFFFD00  }
0x63: {  	[tilespmem:s8], [sflag:$0x7] =	stream.linear.gather [hbm4b:s23+s8], $0x100, $0x38;
	[tilespmem:$0x18D00] =	vst v63  }
0x64: {  	_ =	swait.ge [sflag:s21], $0x100  }
0x65: {  	[sflag:s21] =	ssyncset.done $0x0  }
0x66: {  	s29 =	simm.s32 $0x100;
	s24 =	rddreg [dreg:$0x8];
	[sflag:s21] =	ssyncadd.s32 $0xFFFFFF00  }
0x67: {  	[tilespmem:s29], [sflag:$0x7] =	stream.linear.gather [hbm4b:s24+s8], $0x100, $0x38;
	[tilespmem:$0x18D00] =	vst v63  }
0x68: {  	_ =	swait.ge [sflag:s21], $0x100  }
0x69: {  	[sflag:s21] =	ssyncset.done $0x0  }
0x6a: {  	s31 =	simm.s32 $0x200;
	s30 =	rddreg [dreg:$0x9];
	[sflag:s21] =	ssyncadd.s32 $0xFFFFFF00  }
0x6b: {  	[tilespmem:s31], [sflag:$0x7] =	stream.linear.gather [hbm4b:s30+s8], $0x100, $0x38;
	[tilespmem:$0x18D00] =	vst v63  }
0x6c: {  	_ =	swait.ge [sflag:s21], $0x100  }
0x6d: {  	[sflag:s21] =	ssyncset.done $0x0  }
0x6e: {  	s12 =	simm.s32 $0x300;
	s11 =	rddreg [dreg:$0xa];
	[sflag:s21] =	ssyncadd.s32 $0xFFFFFF00  }
0x6f: {  	[tilespmem:s12], [sflag:$0x7] =	stream.linear.gather [hbm4b:s11+s8], $0x100, $0x38;
	[tilespmem:$0x18D00] =	vst v63  }
0x70: {  	_ =	swait.ge [sflag:s21], $0x100  }
0x71: {  	[sflag:s21] =	ssyncset.done $0x0  }
0x72: {  	[sflag:s21] =	ssyncadd.s32 $0xFFFFFF00  }
0x73: {  	v3 =	vld [tilespmem:$0x0];
	_ =	sdelay $0x4  }
0x74: {  	v4 =	vshrl.u32 v3, $0x3  }
0x75: {  	v4 =	vmul.u32 $0x30, v4  }
0x76: {  	v3 =	vand.u32 $0x7, v3  }
0x77: {  	v3 =	vor.u32 v3, v4  }
0x78: {  	v4 =	vperm.xlane v3, v0;
	_ =	sdelay $0x1  }
0x79: {  	v4 =	vadd.s32 v1, v4;
	_ =	sdelay $0x3  }
0x7a: {  	v3 =	vperm.xlane v3, v2  }
0x7b: {  	[tilespmem:s28], [sflag:$0x1] =	stream.indirect_vreg.gather [hbm4b:s1+s8], $0x80, v4, vm0, $0xb8;
	[tilespmem:$0x18D00] =	vst v63  }
0x7c: {  	s13 =	simm.s32 $0xC00;
	v3 =	vadd.s32 v1, v3  }
0x7d: {  	[tilespmem:s13], [sflag:$0x1] =	stream.indirect_vreg.gather [hbm4b:s15+s8], $0x80, v4, vm0, $0xb8;
	[tilespmem:$0x18D00] =	vst v63  }
0x7e: {  	s14 =	simm.s32 $0x1400  }
0x7f: {  	[tilespmem:s14], [sflag:$0x1] =	stream.indirect_vreg.gather [hbm4b:s16+s8], $0x80, v4, vm0, $0xb8;
	[tilespmem:$0x18D00] =	vst v63  }
0x80: {  	s17 =	simm.s32 $0x1C00  }
0x81: {  	[tilespmem:s17], [sflag:$0x1] =	stream.indirect_vreg.gather [hbm4b:s1+s8], $0x80, v3, vm0, $0xb8;
	[tilespmem:$0x18D00] =	vst v63  }
0x82: {  	s18 =	simm.s32 $0x2400  }
0x83: {  	[tilespmem:s18], [sflag:$0x1] =	stream.indirect_vreg.gather [hbm4b:s15+s8], $0x80, v3, vm0, $0xb8;
	[tilespmem:$0x18D00] =	vst v63  }
0x84: {  	s19 =	simm.s32 $0x2C00  }
0x85: {  	[tilespmem:s19], [sflag:$0x1] =	stream.indirect_vreg.gather [hbm4b:s16+s8], $0x80, v3, vm0, $0xb8;
	[tilespmem:$0x18D00] =	vst v63  }
0x86: {  	v3 =	vld [tilespmem:$0x10];
	_ =	sdelay $0x4  }
0x87: {  	v63 =	vshrl.u32 v3, $0x3  }
0x88: {  	v4 =	vmul.u32 $0x30, v63  }
0x89: {  	v3 =	vand.u32 $0x7, v3  }
0x8a: {  	v3 =	vor.u32 v3, v4  }
0x8b: {  	v4 =	vperm.xlane v3, v0;
	_ =	sdelay $0x1  }
0x8c: {  	v4 =	vadd.s32 v1, v4;
	_ =	sdelay $0x3  }
0x8d: {  	s22 =	simm.s32 $0x3400;
	v3 =	vperm.xlane v3, v2  }
0x8e: {  	[tilespmem:s22], [sflag:$0x1] =	stream.indirect_vreg.gather [hbm4b:s1+s8], $0x80, v4, vm0, $0xb8;
	[tilespmem:$0x18D00] =	vst v63  }
0x8f: {  	s23 =	simm.s32 $0x3C00;
	v3 =	vadd.s32 v1, v3  }
0x90: {  	[tilespmem:s23], [sflag:$0x1] =	stream.indirect_vreg.gather [hbm4b:s15+s8], $0x80, v4, vm0, $0xb8;
	[tilespmem:$0x18D00] =	vst v63  }
0x91: {  	s24 =	simm.s32 $0x4400  }
0x92: {  	[tilespmem:s24], [sflag:$0x1] =	stream.indirect_vreg.gather [hbm4b:s16+s8], $0x80, v4, vm0, $0xb8;
	[tilespmem:$0x18D00] =	vst v63  }
0x93: {  	s29 =	simm.s32 $0x4C00  }
0x94: {  	[tilespmem:s29], [sflag:$0x1] =	stream.indirect_vreg.gather [hbm4b:s1+s8], $0x80, v3, vm0, $0xb8;
	[tilespmem:$0x18D00] =	vst v63  }
.Ltmp2:
0x95: {  	_ = 	snop;
	(pc) =	sbr.rel .LBB2_2-.Ltmp2, $4  }
0x96: {  	s30 =	simm.s32 $0x5400  }
0x97: {  	[tilespmem:s30], [sflag:$0x1] =	stream.indirect_vreg.gather [hbm4b:s15+s8], $0x80, v3, vm0, $0xb8;
	[tilespmem:$0x18D00] =	vst v63  }
0x98: {  	s31 =	simm.s32 $0x5C00;
	s22 =	simm.s32 $0x0  }
0x99: {  	[tilespmem:s31], [sflag:$0x1] =	stream.indirect_vreg.gather [hbm4b:s16+s8], $0x80, v3, vm0, $0xb8;
	[tilespmem:$0x18D00] =	vst v63  }
.LBB2_14:
0x9a: {  	s11 =	sshll.u32 s11, $0xD  }
0x9b: {  	s22 =	sadd.s32 $0x1, s22;
	s11 =	sor.u32 s9, s11  }
0x9c: {  	p0 =	sne.s32 s22, $0xA;
	s0 =	sadd.s32 s0, s11  }
.Ltmp3:
0x9d: {  	s0 =	sshrl.u32 s0, $0x3;
	(pc) =	sbr.rel @!p0 .LBB2_15-.Ltmp3, $3  }
0x9e: {  	s0 =	smul.u32 $0x300, s0;
	_ =	sdelay $0x1  }
0x9f: {  	s0 =	sadd.s32 s7, s0  }
0xa0: {  	[hbm4b:s0+s8] =	stream.linear.scatter [tilespmem:s4], [sflag:$0x6], $0x6000, $0x38;
	[tilespmem:$0x18D00] =	vst v63  }
.LBB2_2:
0xa1: {  	s23 =	smul.u32 $0x3, s22;
	_ =	swait.ge [sflag:s25], $0x6000  }
0xa2: {  	p0 =	seq.s32 s22, $0x0;
	[sflag:s25] =	ssyncset.done $0x0  }
0xa3: {  	s0 =	simm.s32 @!p0 $0x5;
	[sflag:s25] =	ssyncadd.s32 $0xFFFFA000;
	s11 =	sadd.s32 $0x1, s23  }
0xa4: {  	_ =	swait.ge @!p0 [sflag:s0], $0x6000;
	s12 =	sshll.u32 s11, $0x8;
	s13 =	sshll.u32 s11, $0x3  }
0xa5: {  	[sflag:s0] =	ssyncset.done @!p0 $0x0;
	s12 =	sand.u32 $0x300, s12;
	s24 =	sand.u32 $0x3E0, s13  }
0xa6: {  	[sflag:s0] =	ssyncadd.s32 @!p0 $0xFFFFA000;
	s19 =	sadd.s32 s24, s12  }
0xa7: {  	v3 =	vld [tilespmem:s19+$0x0];
	_ =	sdelay $0x4  }
0xa8: {  	v4 =	vshrl.u32 v3, $0x3  }
0xa9: {  	v4 =	vmul.u32 $0x30, v4  }
0xaa: {  	v3 =	vand.u32 $0x7, v3  }
0xab: {  	v3 =	vor.u32 v3, v4  }
0xac: {  	v4 =	vperm.xlane v3, v0;
	_ =	sdelay $0x1  }
0xad: {  	v4 =	vadd.s32 v1, v4;
	_ =	sdelay $0x3  }
0xae: {  	v3 =	vperm.xlane v3, v2  }
0xaf: {  	[tilespmem:s26], [sflag:$0x2] =	stream.indirect_vreg.gather [hbm4b:s1+s8], $0x80, v4, vm0, $0xb8;
	[tilespmem:$0x18D00] =	vst v63  }
0xb0: {  	s29 =	simm.s32 $0x6C00;
	v3 =	vadd.s32 v1, v3  }
0xb1: {  	[tilespmem:s29], [sflag:$0x2] =	stream.indirect_vreg.gather [hbm4b:s15+s8], $0x80, v4, vm0, $0xb8;
	[tilespmem:$0x18D00] =	vst v63  }
0xb2: {  	s30 =	simm.s32 $0x7400  }
0xb3: {  	[tilespmem:s30], [sflag:$0x2] =	stream.indirect_vreg.gather [hbm4b:s16+s8], $0x80, v4, vm0, $0xb8;
	[tilespmem:$0x18D00] =	vst v63  }
0xb4: {  	s31 =	simm.s32 $0x7C00  }
0xb5: {  	[tilespmem:s31], [sflag:$0x2] =	stream.indirect_vreg.gather [hbm4b:s1+s8], $0x80, v3, vm0, $0xb8;
	[tilespmem:$0x18D00] =	vst v63  }
0xb6: {  	s13 =	simm.s32 $0x8400  }
0xb7: {  	[tilespmem:s13], [sflag:$0x2] =	stream.indirect_vreg.gather [hbm4b:s15+s8], $0x80, v3, vm0, $0xb8;
	[tilespmem:$0x18D00] =	vst v63  }
0xb8: {  	s14 =	simm.s32 $0x8C00  }
0xb9: {  	[tilespmem:s14], [sflag:$0x2] =	stream.indirect_vreg.gather [hbm4b:s16+s8], $0x80, v3, vm0, $0xb8;
	[tilespmem:$0x18D00] =	vst v63  }
0xba: {  	v3 =	vld [tilespmem:s19+$0x10];
	_ =	sdelay $0x4  }
0xbb: {  	v63 =	vshrl.u32 v3, $0x3  }
0xbc: {  	v4 =	vmul.u32 $0x30, v63  }
0xbd: {  	v3 =	vand.u32 $0x7, v3  }
0xbe: {  	v3 =	vor.u32 v3, v4  }
0xbf: {  	v4 =	vperm.xlane v3, v0;
	_ =	sdelay $0x1  }
0xc0: {  	v4 =	vadd.s32 v1, v4;
	_ =	sdelay $0x3  }
0xc1: {  	s17 =	simm.s32 $0x9400;
	v3 =	vperm.xlane v3, v2  }
0xc2: {  	[tilespmem:s17], [sflag:$0x2] =	stream.indirect_vreg.gather [hbm4b:s1+s8], $0x80, v4, vm0, $0xb8;
	[tilespmem:$0x18D00] =	vst v63  }
0xc3: {  	s18 =	simm.s32 $0x9C00;
	v3 =	vadd.s32 v1, v3  }
0xc4: {  	[tilespmem:s18], [sflag:$0x2] =	stream.indirect_vreg.gather [hbm4b:s15+s8], $0x80, v4, vm0, $0xb8;
	[tilespmem:$0x18D00] =	vst v63  }
0xc5: {  	s0 =	sand.u32 $0x3, s23;
	s19 =	simm.s32 $0xA400  }
0xc6: {  	[tilespmem:s19], [sflag:$0x2] =	stream.indirect_vreg.gather [hbm4b:s16+s8], $0x80, v4, vm0, $0xb8;
	[tilespmem:$0x18D00] =	vst v63  }
0xc7: {  	p1 =	sne.s32 s0, $0x0;
	s29 =	simm.s32 $0xAC00  }
0xc8: {  	[tilespmem:s29], [sflag:$0x2] =	stream.indirect_vreg.gather [hbm4b:s1+s8], $0x80, v3, vm0, $0xb8;
	[tilespmem:$0x18D00] =	vst v63  }
.Ltmp4:
0xc9: {  	_ = 	snop;
	(pc) =	sbr.rel @p1 .LBB2_6-.Ltmp4, $4  }
0xca: {  	s30 =	simm.s32 $0xB400  }
0xcb: {  	[tilespmem:s30], [sflag:$0x2] =	stream.indirect_vreg.gather [hbm4b:s15+s8], $0x80, v3, vm0, $0xb8;
	[tilespmem:$0x18D00] =	vst v63  }
0xcc: {  	s12 =	smul.u32 $0x18, s22;
	s31 =	simm.s32 $0xBC00  }
0xcd: {  	[tilespmem:s31], [sflag:$0x2] =	stream.indirect_vreg.gather [hbm4b:s16+s8], $0x80, v3, vm0, $0xb8;
	[tilespmem:$0x18D00] =	vst v63  }
0xce: {  	s13 =	sadd.s32 s9, s12  }
0xcf: {  	s13 =	sshrl.u32 s13, $0x3  }
0xd0: {  	s13 =	smul.u32 $0x300, s13;
	_ =	sdelay $0x1  }
0xd1: {  	s14 =	simm.s32 $0x0;
	s13 =	sadd.s32 s3, s13  }
0xd2: {  	[tilespmem:s5], [sflag:$0x7] =	stream.linear.gather [hbm4b:s13+s14], $0x6000, $0x38;
	[tilespmem:$0x18D00] =	vst v63  }
0xd3: {  	_ =	swait.ge [sflag:s21], $0x6000  }
0xd4: {  	s19 =	simm.s32 $0x18400;
	[sflag:s21] =	ssyncset.done $0x0  }
0xd5: {  	s17 =	sand.u32 $0x70, s14;
	s18 =	sand.u32 $0x1C00, s14;
	[sflag:s21] =	ssyncadd.s32 $0xFFFFA000  }
0xd6: {  	s13 =	sor.u32 s17, s18;
	v3 =	vld [tilespmem:s19+$0x0]  }
0xd7: {  	s17 =	sadd.s32 $0x12400, s13;
	v4 =	vld [tilespmem:s13+$0x12400]  }
0xd8: {  	v5 =	vld [tilespmem:s17+$0x80]  }
0xd9: {  	v6 =	vld [tilespmem:s17+$0x100]  }
0xda: {  	v7 =	vld [tilespmem:s17+$0x180]  }
0xdb: {  	v8 =	vld [tilespmem:s17+$0x200]  }
0xdc: {  	v9 =	vld [tilespmem:s17+$0x280];
	v4 =	vadd.f32 v4, v3  }
0xdd: {  	v10 =	vld [tilespmem:s17+$0x300];
	v5 =	vadd.f32 v5, v3  }
0xde: {  	[tilespmem:s13+$0x12400] =	vst v4;
	v4 =	vadd.f32 v6, v3  }
0xdf: {  	[tilespmem:s17+$0x80] =	vst v5;
	v5 =	vadd.f32 v7, v3  }
0xe0: {  	[tilespmem:s17+$0x100] =	vst v4;
	v4 =	vadd.f32 v8, v3  }
0xe1: {  	[tilespmem:s17+$0x180] =	vst v5;
	v5 =	vadd.f32 v9, v3  }
0xe2: {  	[tilespmem:s17+$0x200] =	vst v4;
	v4 =	vadd.f32 v10, v3  }
0xe3: {  	s14 =	sor.u32 s14, s14;
	[tilespmem:s17+$0x280] =	vst v5  }
0xe4: {  	s14 =	sor.u32 $0x380, s14;
	[tilespmem:s17+$0x300] =	vst v4  }
0xe5: {  	v4 =	vld [tilespmem:s14+$0x12400];
	_ =	sdelay $0x4  }
0xe6: {  	v4 =	vadd.f32 v4, v3;
	_ =	sdelay $0x1  }
0xe7: {  	[tilespmem:s14+$0x12400] =	vst v4  }
0xe8: {  	v4 =	vld [tilespmem:s13+$0x16F80]  }
0xe9: {  	v5 =	vld [tilespmem:s13+$0x13C00]  }
0xea: {  	v6 =	vld [tilespmem:s13+$0x13C80]  }
0xeb: {  	v7 =	vld [tilespmem:s13+$0x13D00]  }
0xec: {  	v8 =	vld [tilespmem:s13+$0x13D80]  }
0xed: {  	v9 =	vld [tilespmem:s13+$0x13E00];
	v4 =	vadd.f32 v4, v3  }
0xee: {  	v10 =	vld [tilespmem:s13+$0x13E80];
	v5 =	vadd.f32 v5, v3  }
0xef: {  	v11 =	vld [tilespmem:s13+$0x13F00];
	[tilespmem:s13+$0x16F80] =	vst v4;
	v4 =	vadd.f32 v6, v3  }
0xf0: {  	s18 =	simm.s32 $0x10;
	s17 =	simm.s32 $0x80;
	v12 =	vld [tilespmem:s13+$0x13F80];
	[tilespmem:s13+$0x13C00] =	vst v5;
	v5 =	vadd.f32 v7, v3  }
0xf1: {  	s31 =	sand.u32 $0x70, s18;
	s19 =	simm.s32 $0x18410;
	s29 =	sand.u32 $0x1C00, s17;
	v13 =	vld [tilespmem:s13+$0x15400];
	v6 =	vadd.f32 v8, v3;
	[tilespmem:s13+$0x13C80] =	vst v4  }
0xf2: {  	s14 =	sor.u32 s31, s29;
	v7 =	vadd.f32 v9, v3;
	v4 =	vld [tilespmem:s19+$0x0];
	[tilespmem:s13+$0x13D00] =	vst v5  }
0xf3: {  	s30 =	sadd.s32 $0x12400, s14;
	v8 =	vadd.f32 v10, v3;
	v5 =	vld [tilespmem:s14+$0x12400];
	[tilespmem:s13+$0x13D80] =	vst v6  }
0xf4: {  	v10 =	vadd.f32 v11, v3;
	v6 =	vld [tilespmem:s30+$0x80];
	[tilespmem:s13+$0x13E00] =	vst v7  }
0xf5: {  	v9 =	vadd.f32 v12, v3;
	v7 =	vld [tilespmem:s30+$0x100];
	[tilespmem:s13+$0x13E80] =	vst v8  }
0xf6: {  	s29 =	simm.s32 $0x20;
	v8 =	vld [tilespmem:s30+$0x180];
	[tilespmem:s13+$0x13F00] =	vst v10;
	v10 =	vadd.f32 v13, v3  }
.LBB2_4:
0xf7: {  	p1 =	sne.s32 s29, $0x2F0;
	v11 =	vld [tilespmem:s30+$0x200];
	[tilespmem:s13+$0x13F80] =	vst v9  }
0xf8: {  	v5 =	vadd.f32 v5, v4;
	v9 =	vld [tilespmem:s30+$0x280];
	[tilespmem:s13+$0x15400] =	vst v10  }
0xf9: {  	v6 =	vadd.f32 v6, v4;
	v10 =	vld [tilespmem:s30+$0x300]  }
0xfa: {  	[tilespmem:s14+$0x12400] =	vst v5;
	v5 =	vadd.f32 v7, v4;
	v7 =	vld [tilespmem:s13+$0x15480]  }
0xfb: {  	[tilespmem:s30+$0x80] =	vst v6;
	v6 =	vadd.f32 v8, v4;
	v8 =	vld [tilespmem:s13+$0x15500]  }
0xfc: {  	[tilespmem:s30+$0x100] =	vst v5;
	v5 =	vadd.f32 v11, v4;
	v11 =	vld [tilespmem:s13+$0x15580]  }
0xfd: {  	[tilespmem:s30+$0x180] =	vst v6;
	v6 =	vadd.f32 v9, v4;
	v9 =	vld [tilespmem:s13+$0x15600]  }
0xfe: {  	[tilespmem:s30+$0x200] =	vst v5;
	v5 =	vadd.f32 v10, v4;
	v10 =	vld [tilespmem:s13+$0x15680]  }
0xff: {  	s31 =	sor.u32 s17, s18;
	s18 =	smov.u32 s29;
	[tilespmem:s30+$0x280] =	vst v6;
	v6 =	vadd.f32 v7, v3;
	v7 =	vld [tilespmem:s13+$0x15700]  }
0x100: {  	[tilespmem:s30+$0x300] =	vst v5;
	s30 =	sor.u32 $0x380, s31;
	v5 =	vadd.f32 v8, v3;
	v8 =	vld [tilespmem:s13+$0x15780]  }
0x101: {  	v12 =	vld [tilespmem:s30+$0x12400];
	[tilespmem:s13+$0x15480] =	vst v6;
	v6 =	vadd.f32 v11, v3  }
0x102: {  	[tilespmem:s13+$0x15500] =	vst v5;
	v5 =	vadd.f32 v9, v3;
	v9 =	vld [tilespmem:s13+$0x16C00]  }
0x103: {  	[tilespmem:s13+$0x15580] =	vst v6;
	v6 =	vadd.f32 v10, v3;
	v10 =	vld [tilespmem:s13+$0x16C80]  }
0x104: {  	[tilespmem:s13+$0x15600] =	vst v5;
	v5 =	vadd.f32 v7, v3;
	v7 =	vld [tilespmem:s13+$0x16D00]  }
0x105: {  	[tilespmem:s13+$0x15680] =	vst v6;
	v6 =	vadd.f32 v8, v3;
	v8 =	vld [tilespmem:s13+$0x16D80]  }
0x106: {  	v11 =	vadd.f32 v12, v4;
	[tilespmem:s13+$0x15700] =	vst v5;
	v5 =	vld [tilespmem:s13+$0x16E00]  }
0x107: {  	[tilespmem:s13+$0x15780] =	vst v6;
	v6 =	vadd.f32 v9, v3;
	v9 =	vld [tilespmem:s13+$0x16E80]  }
0x108: {  	[tilespmem:s30+$0x12400] =	vst v11;
	v10 =	vadd.f32 v10, v3;
	v11 =	vld [tilespmem:s13+$0x16F00]  }
0x109: {  	v12 =	vld [tilespmem:s14+$0x16F80];
	[tilespmem:s13+$0x16C00] =	vst v6;
	v6 =	vadd.f32 v7, v3  }
0x10a: {  	v7 =	vld [tilespmem:s14+$0x13C00];
	[tilespmem:s13+$0x16C80] =	vst v10;
	v8 =	vadd.f32 v8, v3  }
0x10b: {  	v10 =	vld [tilespmem:s14+$0x13C80];
	[tilespmem:s13+$0x16D00] =	vst v6;
	v5 =	vadd.f32 v5, v3  }
0x10c: {  	v6 =	vld [tilespmem:s14+$0x13D00];
	[tilespmem:s13+$0x16D80] =	vst v8;
	v8 =	vadd.f32 v9, v3  }
0x10d: {  	v9 =	vld [tilespmem:s14+$0x13D80];
	[tilespmem:s13+$0x16E00] =	vst v5;
	v5 =	vadd.f32 v11, v3;
	v3 =	vmov v4  }
0x10e: {  	v11 =	vld [tilespmem:s14+$0x13E00];
	v4 =	vadd.f32 v12, v3;
	[tilespmem:s13+$0x16E80] =	vst v8  }
0x10f: {  	v7 =	vadd.f32 v7, v3;
	v8 =	vld [tilespmem:s14+$0x13E80];
	[tilespmem:s13+$0x16F00] =	vst v5;
	s13 =	smov.u32 s14  }
0x110: {  	v5 =	vadd.f32 v10, v3;
	v10 =	vld [tilespmem:s13+$0x13F00];
	[tilespmem:s13+$0x16F80] =	vst v4  }
0x111: {  	s17 =	sadd.s32 $0x80, s17;
	[tilespmem:s13+$0x13C00] =	vst v7;
	v6 =	vadd.f32 v6, v3;
	v12 =	vld [tilespmem:s13+$0x13F80]  }
0x112: {  	s19 =	sadd.s32 $0x10, s19;
	s30 =	sand.u32 $0x1C00, s17;
	s14 =	sand.u32 $0x70, s29;
	[tilespmem:s13+$0x13C80] =	vst v5;
	v7 =	vadd.f32 v9, v3;
	v13 =	vld [tilespmem:s13+$0x15400]  }
.Ltmp5:
0x113: {  	s14 =	sor.u32 s14, s30;
	v4 =	vld [tilespmem:s19+$0x0];
	[tilespmem:s13+$0x13D00] =	vst v6;
	v9 =	vadd.f32 v11, v3;
	(pc) =	sbr.rel @p1 .LBB2_4-.Ltmp5, $4  }
0x114: {  	s30 =	sadd.s32 $0x12400, s14;
	v5 =	vld [tilespmem:s14+$0x12400];
	[tilespmem:s13+$0x13D80] =	vst v7;
	v8 =	vadd.f32 v8, v3  }
0x115: {  	v6 =	vld [tilespmem:s30+$0x80];
	[tilespmem:s13+$0x13E00] =	vst v9;
	v10 =	vadd.f32 v10, v3  }
0x116: {  	v7 =	vld [tilespmem:s30+$0x100];
	[tilespmem:s13+$0x13E80] =	vst v8;
	v9 =	vadd.f32 v12, v3  }
0x117: {  	s29 =	sadd.s32 $0x10, s29;
	v8 =	vld [tilespmem:s30+$0x180];
	[tilespmem:s13+$0x13F00] =	vst v10;
	v10 =	vadd.f32 v13, v3  }
0x118: {  	v11 =	vld [tilespmem:s30+$0x200]  }
0x119: {  	v14 =	vld [tilespmem:s30+$0x280];
	v5 =	vadd.f32 v5, v4  }
0x11a: {  	v15 =	vld [tilespmem:s30+$0x300];
	v6 =	vadd.f32 v6, v4  }
0x11b: {  	[tilespmem:s14+$0x12400] =	vst v5;
	v16 =	vadd.f32 v7, v4  }
0x11c: {  	[tilespmem:s30+$0x80] =	vst v6;
	v17 =	vadd.f32 v8, v4  }
0x11d: {  	v18 =	vld [tilespmem:s13+$0x15480];
	[tilespmem:s30+$0x100] =	vst v16;
	v19 =	vadd.f32 v11, v4  }
0x11e: {  	v20 =	vld [tilespmem:s13+$0x15500];
	v21 =	vadd.f32 v14, v4;
	[tilespmem:s30+$0x180] =	vst v17  }
0x11f: {  	v22 =	vld [tilespmem:s13+$0x15580];
	v23 =	vadd.f32 v15, v4;
	[tilespmem:s30+$0x200] =	vst v19  }
0x120: {  	v24 =	vld [tilespmem:s13+$0x15600];
	s17 =	sor.u32 s17, s18;
	[tilespmem:s30+$0x280] =	vst v21  }
0x121: {  	v25 =	vld [tilespmem:s13+$0x15680];
	s17 =	sor.u32 $0x380, s17;
	[tilespmem:s30+$0x300] =	vst v23  }
0x122: {  	v5 =	vld [tilespmem:s17+$0x12400]  }
0x123: {  	v26 =	vld [tilespmem:s13+$0x15700]  }
0x124: {  	[tilespmem:s13+$0x13F80] =	vst v9;
	v12 =	vld [tilespmem:s13+$0x15780];
	v7 =	vadd.f32 v18, v3  }
0x125: {  	v28 =	vld [tilespmem:s13+$0x16C00];
	[tilespmem:s13+$0x15400] =	vst v10;
	v8 =	vadd.f32 v20, v3  }
0x126: {  	v29 =	vld [tilespmem:s13+$0x16C80];
	v27 =	vadd.f32 v22, v3;
	[tilespmem:s13+$0x15480] =	vst v7  }
0x127: {  	v33 =	vld [tilespmem:s13+$0x16D00];
	[tilespmem:s13+$0x15500] =	vst v8;
	v5 =	vadd.f32 v5, v4  }
0x128: {  	v36 =	vld [tilespmem:s13+$0x16D80];
	v10 =	vadd.f32 v24, v3;
	[tilespmem:s13+$0x15580] =	vst v27  }
0x129: {  	v43 =	vld [tilespmem:s13+$0x16E00];
	v32 =	vadd.f32 v25, v3;
	[tilespmem:s17+$0x12400] =	vst v5  }
0x12a: {  	v11 =	vadd.f32 v26, v3;
	[tilespmem:s13+$0x15600] =	vst v10;
	v5 =	vld [tilespmem:s14+$0x16F80]  }
0x12b: {  	v12 =	vadd.f32 v12, v3;
	[tilespmem:s13+$0x15680] =	vst v32;
	v30 =	vld [tilespmem:s14+$0x13C00]  }
0x12c: {  	v6 =	vadd.f32 v33, v3;
	[tilespmem:s13+$0x15700] =	vst v11;
	v13 =	vld [tilespmem:s14+$0x13C80]  }
0x12d: {  	[tilespmem:s13+$0x15780] =	vst v12;
	v8 =	vadd.f32 v28, v3;
	v14 =	vld [tilespmem:s14+$0x13D00]  }
0x12e: {  	v7 =	vadd.f32 v29, v3;
	[tilespmem:s13+$0x16D00] =	vst v6;
	v15 =	vld [tilespmem:s14+$0x13D80]  }
0x12f: {  	[tilespmem:s13+$0x16C00] =	vst v8;
	v16 =	vld [tilespmem:s14+$0x13E00];
	v5 =	vadd.f32 v5, v4  }
0x130: {  	[tilespmem:s13+$0x16C80] =	vst v7;
	v17 =	vld [tilespmem:s14+$0x13E80];
	v9 =	vadd.f32 v30, v4  }
0x131: {  	v31 =	vld [tilespmem:s14+$0x13F00];
	v34 =	vadd.f32 v13, v4;
	[tilespmem:s14+$0x16F80] =	vst v5  }
0x132: {  	v39 =	vld [tilespmem:s14+$0x15400];
	v37 =	vadd.f32 v14, v4;
	[tilespmem:s14+$0x13C00] =	vst v9  }
0x133: {  	v45 =	vld [tilespmem:s14+$0x15500];
	v38 =	vadd.f32 v15, v4;
	[tilespmem:s14+$0x13C80] =	vst v34  }
0x134: {  	v46 =	vld [tilespmem:s14+$0x15580];
	v40 =	vadd.f32 v16, v4;
	[tilespmem:s14+$0x13D00] =	vst v37  }
0x135: {  	v47 =	vld [tilespmem:s14+$0x15600];
	v41 =	vadd.f32 v17, v4;
	[tilespmem:s14+$0x13D80] =	vst v38  }
0x136: {  	v48 =	vld [tilespmem:s14+$0x15680];
	v10 =	vadd.f32 v31, v4;
	[tilespmem:s14+$0x13E00] =	vst v40  }
0x137: {  	v49 =	vld [tilespmem:s14+$0x15700];
	v42 =	vadd.f32 v39, v4;
	[tilespmem:s14+$0x13E80] =	vst v41  }
0x138: {  	v50 =	vld [tilespmem:s14+$0x15780];
	v11 =	vadd.f32 v45, v4;
	[tilespmem:s14+$0x13F00] =	vst v10  }
0x139: {  	v53 =	vld [tilespmem:s14+$0x16C00];
	v13 =	vadd.f32 v46, v4;
	[tilespmem:s14+$0x15400] =	vst v42  }
0x13a: {  	v57 =	vld [tilespmem:s14+$0x16D00];
	v54 =	vadd.f32 v47, v4;
	[tilespmem:s14+$0x15500] =	vst v11  }
0x13b: {  	v62 =	vld [tilespmem:s14+$0x16F00];
	v56 =	vadd.f32 v48, v4;
	[tilespmem:s14+$0x15580] =	vst v13  }
0x13c: {  	v35 =	vld [tilespmem:s14+$0x13F80];
	v58 =	vadd.f32 v49, v4;
	[tilespmem:s14+$0x15600] =	vst v54  }
0x13d: {  	v44 =	vld [tilespmem:s14+$0x15480];
	v12 =	vadd.f32 v50, v4;
	[tilespmem:s14+$0x15680] =	vst v56  }
0x13e: {  	v51 =	vld [tilespmem:s13+$0x16E80];
	v8 =	vadd.f32 v53, v4;
	[tilespmem:s14+$0x15700] =	vst v58  }
0x13f: {  	v52 =	vld [tilespmem:s13+$0x16F00];
	v6 =	vadd.f32 v57, v4;
	[tilespmem:s14+$0x15780] =	vst v12  }
0x140: {  	v63 =	vadd.f32 v62, v4;
	[tilespmem:s14+$0x16C00] =	vst v8  }
0x141: {  	v55 =	vld [tilespmem:s14+$0x16C80];
	v5 =	vadd.f32 v35, v4;
	[tilespmem:s14+$0x16D00] =	vst v6  }
0x142: {  	v10 =	vadd.f32 v44, v4;
	[tilespmem:s14+$0x16F00] =	vst v63  }
0x143: {  	v59 =	vld [tilespmem:s14+$0x16D80];
	v9 =	vadd.f32 v36, v3;
	[tilespmem:s14+$0x13F80] =	vst v5;
	v5 =	vadd.f32 v43, v3  }
0x144: {  	v60 =	vld [tilespmem:s14+$0x16E00];
	[tilespmem:s14+$0x15480] =	vst v10;
	v10 =	vadd.f32 v51, v3;
	v3 =	vadd.f32 v52, v3  }
0x145: {  	v61 =	vld [tilespmem:s14+$0x16E80];
	[tilespmem:s13+$0x16D80] =	vst v9  }
0x146: {  	[tilespmem:s13+$0x16F00] =	vst v3;
	v3 =	vadd.f32 v55, v4  }
0x147: {  	[tilespmem:s13+$0x16E00] =	vst v5  }
0x148: {  	[tilespmem:s14+$0x16C80] =	vst v3;
	v3 =	vadd.f32 v59, v4  }
0x149: {  	[tilespmem:s13+$0x16E80] =	vst v10;
	v5 =	vadd.f32 v60, v4  }
0x14a: {  	[tilespmem:s14+$0x16D80] =	vst v3;
	v3 =	vadd.f32 v61, v4  }
0x14b: {  	[tilespmem:s14+$0x16E00] =	vst v5  }
0x14c: {  	[tilespmem:s14+$0x16E80] =	vst v3  }
.LBB2_6:
0x14d: {  	s12 =	sand.u32 $0x1E0, s12  }
0x14e: {  	s0 =	sshll.u32 s0, $0xD;
	s12 =	sadd.s32 s9, s12  }
0x14f: {  	s0 =	sadd.s32 s0, s12  }
0x150: {  	s0 =	sshrl.u32 s0, $0x3  }
0x151: {  	s0 =	smul.u32 $0x300, s0;
	_ =	sdelay $0x1  }
0x152: {  	s0 =	sadd.s32 s7, s0  }
0x153: {  	[hbm4b:s0+s8] =	stream.linear.scatter [tilespmem:s28], [sflag:$0x4], $0x6000, $0x38;
	[tilespmem:$0x18D00] =	vst v63  }
0x154: {  	_ =	swait.ge [sflag:s2], $0x6000  }
0x155: {  	[sflag:s2] =	ssyncset.done $0x0  }
0x156: {  	s13 =	simm.s32 @!p0 $0x6;
	s12 =	sadd.s32 $0x2, s23;
	[sflag:s2] =	ssyncadd.s32 $0xFFFFA000  }
0x157: {  	s31 =	sshll.u32 s12, $0x8;
	s14 =	sshll.u32 s12, $0x3;
	_ =	swait.ge @!p0 [sflag:s13], $0x6000  }
0x158: {  	s17 =	sand.u32 $0x300, s31;
	s0 =	sand.u32 $0x3E0, s14;
	[sflag:s13] =	ssyncset.done @!p0 $0x0  }
0x159: {  	s17 =	sadd.s32 s0, s17;
	[sflag:s13] =	ssyncadd.s32 @!p0 $0xFFFFA000  }
0x15a: {  	v3 =	vld [tilespmem:s17+$0x0];
	_ =	sdelay $0x4  }
0x15b: {  	v4 =	vshrl.u32 v3, $0x3  }
0x15c: {  	v4 =	vmul.u32 $0x30, v4  }
0x15d: {  	v3 =	vand.u32 $0x7, v3  }
0x15e: {  	v3 =	vor.u32 v3, v4  }
0x15f: {  	v4 =	vperm.xlane v3, v0;
	_ =	sdelay $0x1  }
0x160: {  	v4 =	vadd.s32 v1, v4;
	_ =	sdelay $0x3  }
0x161: {  	v3 =	vperm.xlane v3, v2  }
0x162: {  	[tilespmem:s4], [sflag:$0x3] =	stream.indirect_vreg.gather [hbm4b:s1+s8], $0x80, v4, vm0, $0xb8;
	[tilespmem:$0x18D00] =	vst v63  }
0x163: {  	s18 =	simm.s32 $0xCC00;
	v3 =	vadd.s32 v1, v3  }
0x164: {  	[tilespmem:s18], [sflag:$0x3] =	stream.indirect_vreg.gather [hbm4b:s15+s8], $0x80, v4, vm0, $0xb8;
	[tilespmem:$0x18D00] =	vst v63  }
0x165: {  	s19 =	simm.s32 $0xD400  }
0x166: {  	[tilespmem:s19], [sflag:$0x3] =	stream.indirect_vreg.gather [hbm4b:s16+s8], $0x80, v4, vm0, $0xb8;
	[tilespmem:$0x18D00] =	vst v63  }
0x167: {  	s29 =	simm.s32 $0xDC00  }
0x168: {  	[tilespmem:s29], [sflag:$0x3] =	stream.indirect_vreg.gather [hbm4b:s1+s8], $0x80, v3, vm0, $0xb8;
	[tilespmem:$0x18D00] =	vst v63  }
0x169: {  	s30 =	simm.s32 $0xE400  }
0x16a: {  	[tilespmem:s30], [sflag:$0x3] =	stream.indirect_vreg.gather [hbm4b:s15+s8], $0x80, v3, vm0, $0xb8;
	[tilespmem:$0x18D00] =	vst v63  }
0x16b: {  	s31 =	simm.s32 $0xEC00  }
0x16c: {  	[tilespmem:s31], [sflag:$0x3] =	stream.indirect_vreg.gather [hbm4b:s16+s8], $0x80, v3, vm0, $0xb8;
	[tilespmem:$0x18D00] =	vst v63  }
0x16d: {  	v3 =	vld [tilespmem:s17+$0x10];
	_ =	sdelay $0x4  }
0x16e: {  	v63 =	vshrl.u32 v3, $0x3  }
0x16f: {  	v4 =	vmul.u32 $0x30, v63  }
0x170: {  	v3 =	vand.u32 $0x7, v3  }
0x171: {  	v3 =	vor.u32 v3, v4  }
0x172: {  	v4 =	vperm.xlane v3, v0;
	_ =	sdelay $0x1  }
0x173: {  	v4 =	vadd.s32 v1, v4;
	_ =	sdelay $0x3  }
0x174: {  	s17 =	simm.s32 $0xF400;
	v3 =	vperm.xlane v3, v2  }
0x175: {  	[tilespmem:s17], [sflag:$0x3] =	stream.indirect_vreg.gather [hbm4b:s1+s8], $0x80, v4, vm0, $0xb8;
	[tilespmem:$0x18D00] =	vst v63  }
0x176: {  	s18 =	simm.s32 $0xFC00;
	v3 =	vadd.s32 v1, v3  }
0x177: {  	[tilespmem:s18], [sflag:$0x3] =	stream.indirect_vreg.gather [hbm4b:s15+s8], $0x80, v4, vm0, $0xb8;
	[tilespmem:$0x18D00] =	vst v63  }
0x178: {  	s13 =	sand.u32 $0x3, s11;
	s19 =	simm.s32 $0x10400  }
0x179: {  	[tilespmem:s19], [sflag:$0x3] =	stream.indirect_vreg.gather [hbm4b:s16+s8], $0x80, v4, vm0, $0xb8;
	[tilespmem:$0x18D00] =	vst v63  }
0x17a: {  	p0 =	sne.s32 s13, $0x0;
	s29 =	simm.s32 $0x10C00  }
0x17b: {  	[tilespmem:s29], [sflag:$0x3] =	stream.indirect_vreg.gather [hbm4b:s1+s8], $0x80, v3, vm0, $0xb8;
	[tilespmem:$0x18D00] =	vst v63  }
.Ltmp6:
0x17c: {  	_ = 	snop;
	(pc) =	sbr.rel @p0 .LBB2_10-.Ltmp6, $4  }
0x17d: {  	s30 =	simm.s32 $0x11400  }
0x17e: {  	[tilespmem:s30], [sflag:$0x3] =	stream.indirect_vreg.gather [hbm4b:s15+s8], $0x80, v3, vm0, $0xb8;
	[tilespmem:$0x18D00] =	vst v63  }
0x17f: {  	s31 =	simm.s32 $0x11C00  }
0x180: {  	[tilespmem:s31], [sflag:$0x3] =	stream.indirect_vreg.gather [hbm4b:s16+s8], $0x80, v3, vm0, $0xb8;
	[tilespmem:$0x18D00] =	vst v63  }
0x181: {  	s11 =	sadd.s32 s10, s11  }
0x182: {  	s11 =	smul.u32 $0x300, s11;
	_ =	sdelay $0x1  }
0x183: {  	s14 =	simm.s32 $0x0;
	s11 =	sadd.s32 s3, s11  }
0x184: {  	[tilespmem:s5], [sflag:$0x7] =	stream.linear.gather [hbm4b:s11+s14], $0x6000, $0x38;
	[tilespmem:$0x18D00] =	vst v63  }
0x185: {  	_ =	swait.ge [sflag:s21], $0x6000  }
0x186: {  	s19 =	simm.s32 $0x18400;
	[sflag:s21] =	ssyncset.done $0x0  }
0x187: {  	s17 =	sand.u32 $0x70, s14;
	s18 =	sand.u32 $0x1C00, s14;
	[sflag:s21] =	ssyncadd.s32 $0xFFFFA000  }
0x188: {  	s11 =	sor.u32 s17, s18;
	v3 =	vld [tilespmem:s19+$0x0]  }
0x189: {  	s17 =	sadd.s32 $0x12400, s11;
	v4 =	vld [tilespmem:s11+$0x12400]  }
0x18a: {  	v5 =	vld [tilespmem:s17+$0x80]  }
0x18b: {  	v6 =	vld [tilespmem:s17+$0x100]  }
0x18c: {  	v7 =	vld [tilespmem:s17+$0x180]  }
0x18d: {  	v8 =	vld [tilespmem:s17+$0x200]  }
0x18e: {  	v9 =	vld [tilespmem:s17+$0x280];
	v4 =	vadd.f32 v4, v3  }
0x18f: {  	v10 =	vld [tilespmem:s17+$0x300];
	v5 =	vadd.f32 v5, v3  }
0x190: {  	[tilespmem:s11+$0x12400] =	vst v4;
	v4 =	vadd.f32 v6, v3  }
0x191: {  	[tilespmem:s17+$0x80] =	vst v5;
	v5 =	vadd.f32 v7, v3  }
0x192: {  	[tilespmem:s17+$0x100] =	vst v4;
	v4 =	vadd.f32 v8, v3  }
0x193: {  	[tilespmem:s17+$0x180] =	vst v5;
	v5 =	vadd.f32 v9, v3  }
0x194: {  	[tilespmem:s17+$0x200] =	vst v4;
	v4 =	vadd.f32 v10, v3  }
0x195: {  	s14 =	sor.u32 s14, s14;
	[tilespmem:s17+$0x280] =	vst v5  }
0x196: {  	s14 =	sor.u32 $0x380, s14;
	[tilespmem:s17+$0x300] =	vst v4  }
0x197: {  	v4 =	vld [tilespmem:s14+$0x12400];
	_ =	sdelay $0x4  }
0x198: {  	v4 =	vadd.f32 v4, v3;
	_ =	sdelay $0x1  }
0x199: {  	[tilespmem:s14+$0x12400] =	vst v4  }
0x19a: {  	v4 =	vld [tilespmem:s11+$0x16F80]  }
0x19b: {  	v5 =	vld [tilespmem:s11+$0x13C00]  }
0x19c: {  	v6 =	vld [tilespmem:s11+$0x13C80]  }
0x19d: {  	v7 =	vld [tilespmem:s11+$0x13D00]  }
0x19e: {  	v8 =	vld [tilespmem:s11+$0x13D80]  }
0x19f: {  	v9 =	vld [tilespmem:s11+$0x13E00];
	v4 =	vadd.f32 v4, v3  }
0x1a0: {  	v10 =	vld [tilespmem:s11+$0x13E80];
	v5 =	vadd.f32 v5, v3  }
0x1a1: {  	v11 =	vld [tilespmem:s11+$0x13F00];
	[tilespmem:s11+$0x16F80] =	vst v4;
	v4 =	vadd.f32 v6, v3  }
0x1a2: {  	s18 =	simm.s32 $0x10;
	s17 =	simm.s32 $0x80;
	v12 =	vld [tilespmem:s11+$0x13F80];
	[tilespmem:s11+$0x13C00] =	vst v5;
	v5 =	vadd.f32 v7, v3  }
0x1a3: {  	s31 =	sand.u32 $0x70, s18;
	s19 =	simm.s32 $0x18410;
	s29 =	sand.u32 $0x1C00, s17;
	v13 =	vld [tilespmem:s11+$0x15400];
	v6 =	vadd.f32 v8, v3;
	[tilespmem:s11+$0x13C80] =	vst v4  }
0x1a4: {  	s14 =	sor.u32 s31, s29;
	v7 =	vadd.f32 v9, v3;
	v4 =	vld [tilespmem:s19+$0x0];
	[tilespmem:s11+$0x13D00] =	vst v5  }
0x1a5: {  	s30 =	sadd.s32 $0x12400, s14;
	v8 =	vadd.f32 v10, v3;
	v5 =	vld [tilespmem:s14+$0x12400];
	[tilespmem:s11+$0x13D80] =	vst v6  }
0x1a6: {  	v10 =	vadd.f32 v11, v3;
	v6 =	vld [tilespmem:s30+$0x80];
	[tilespmem:s11+$0x13E00] =	vst v7  }
0x1a7: {  	v9 =	vadd.f32 v12, v3;
	v7 =	vld [tilespmem:s30+$0x100];
	[tilespmem:s11+$0x13E80] =	vst v8  }
0x1a8: {  	s29 =	simm.s32 $0x20;
	v8 =	vld [tilespmem:s30+$0x180];
	[tilespmem:s11+$0x13F00] =	vst v10;
	v10 =	vadd.f32 v13, v3  }
.LBB2_8:
0x1a9: {  	p0 =	sne.s32 s29, $0x2F0;
	v11 =	vld [tilespmem:s30+$0x200];
	[tilespmem:s11+$0x13F80] =	vst v9  }
0x1aa: {  	v5 =	vadd.f32 v5, v4;
	v9 =	vld [tilespmem:s30+$0x280];
	[tilespmem:s11+$0x15400] =	vst v10  }
0x1ab: {  	v6 =	vadd.f32 v6, v4;
	v10 =	vld [tilespmem:s30+$0x300]  }
0x1ac: {  	[tilespmem:s14+$0x12400] =	vst v5;
	v5 =	vadd.f32 v7, v4;
	v7 =	vld [tilespmem:s11+$0x15480]  }
0x1ad: {  	[tilespmem:s30+$0x80] =	vst v6;
	v6 =	vadd.f32 v8, v4;
	v8 =	vld [tilespmem:s11+$0x15500]  }
0x1ae: {  	[tilespmem:s30+$0x100] =	vst v5;
	v5 =	vadd.f32 v11, v4;
	v11 =	vld [tilespmem:s11+$0x15580]  }
0x1af: {  	[tilespmem:s30+$0x180] =	vst v6;
	v6 =	vadd.f32 v9, v4;
	v9 =	vld [tilespmem:s11+$0x15600]  }
0x1b0: {  	[tilespmem:s30+$0x200] =	vst v5;
	v5 =	vadd.f32 v10, v4;
	v10 =	vld [tilespmem:s11+$0x15680]  }
0x1b1: {  	s31 =	sor.u32 s17, s18;
	s18 =	smov.u32 s29;
	[tilespmem:s30+$0x280] =	vst v6;
	v6 =	vadd.f32 v7, v3;
	v7 =	vld [tilespmem:s11+$0x15700]  }
0x1b2: {  	[tilespmem:s30+$0x300] =	vst v5;
	s30 =	sor.u32 $0x380, s31;
	v5 =	vadd.f32 v8, v3;
	v8 =	vld [tilespmem:s11+$0x15780]  }
0x1b3: {  	v12 =	vld [tilespmem:s30+$0x12400];
	[tilespmem:s11+$0x15480] =	vst v6;
	v6 =	vadd.f32 v11, v3  }
0x1b4: {  	[tilespmem:s11+$0x15500] =	vst v5;
	v5 =	vadd.f32 v9, v3;
	v9 =	vld [tilespmem:s11+$0x16C00]  }
0x1b5: {  	[tilespmem:s11+$0x15580] =	vst v6;
	v6 =	vadd.f32 v10, v3;
	v10 =	vld [tilespmem:s11+$0x16C80]  }
0x1b6: {  	[tilespmem:s11+$0x15600] =	vst v5;
	v5 =	vadd.f32 v7, v3;
	v7 =	vld [tilespmem:s11+$0x16D00]  }
0x1b7: {  	[tilespmem:s11+$0x15680] =	vst v6;
	v6 =	vadd.f32 v8, v3;
	v8 =	vld [tilespmem:s11+$0x16D80]  }
0x1b8: {  	v11 =	vadd.f32 v12, v4;
	[tilespmem:s11+$0x15700] =	vst v5;
	v5 =	vld [tilespmem:s11+$0x16E00]  }
0x1b9: {  	[tilespmem:s11+$0x15780] =	vst v6;
	v6 =	vadd.f32 v9, v3;
	v9 =	vld [tilespmem:s11+$0x16E80]  }
0x1ba: {  	[tilespmem:s30+$0x12400] =	vst v11;
	v10 =	vadd.f32 v10, v3;
	v11 =	vld [tilespmem:s11+$0x16F00]  }
0x1bb: {  	v12 =	vld [tilespmem:s14+$0x16F80];
	[tilespmem:s11+$0x16C00] =	vst v6;
	v6 =	vadd.f32 v7, v3  }
0x1bc: {  	v7 =	vld [tilespmem:s14+$0x13C00];
	[tilespmem:s11+$0x16C80] =	vst v10;
	v8 =	vadd.f32 v8, v3  }
0x1bd: {  	v10 =	vld [tilespmem:s14+$0x13C80];
	[tilespmem:s11+$0x16D00] =	vst v6;
	v5 =	vadd.f32 v5, v3  }
0x1be: {  	v6 =	vld [tilespmem:s14+$0x13D00];
	[tilespmem:s11+$0x16D80] =	vst v8;
	v8 =	vadd.f32 v9, v3  }
0x1bf: {  	v9 =	vld [tilespmem:s14+$0x13D80];
	[tilespmem:s11+$0x16E00] =	vst v5;
	v5 =	vadd.f32 v11, v3;
	v3 =	vmov v4  }
0x1c0: {  	v11 =	vld [tilespmem:s14+$0x13E00];
	v4 =	vadd.f32 v12, v3;
	[tilespmem:s11+$0x16E80] =	vst v8  }
0x1c1: {  	v7 =	vadd.f32 v7, v3;
	v8 =	vld [tilespmem:s14+$0x13E80];
	[tilespmem:s11+$0x16F00] =	vst v5;
	s11 =	smov.u32 s14  }
0x1c2: {  	v5 =	vadd.f32 v10, v3;
	v10 =	vld [tilespmem:s11+$0x13F00];
	[tilespmem:s11+$0x16F80] =	vst v4  }
0x1c3: {  	s17 =	sadd.s32 $0x80, s17;
	[tilespmem:s11+$0x13C00] =	vst v7;
	v6 =	vadd.f32 v6, v3;
	v12 =	vld [tilespmem:s11+$0x13F80]  }
0x1c4: {  	s19 =	sadd.s32 $0x10, s19;
	s30 =	sand.u32 $0x1C00, s17;
	s14 =	sand.u32 $0x70, s29;
	[tilespmem:s11+$0x13C80] =	vst v5;
	v7 =	vadd.f32 v9, v3;
	v13 =	vld [tilespmem:s11+$0x15400]  }
.Ltmp7:
0x1c5: {  	s14 =	sor.u32 s14, s30;
	v4 =	vld [tilespmem:s19+$0x0];
	[tilespmem:s11+$0x13D00] =	vst v6;
	v9 =	vadd.f32 v11, v3;
	(pc) =	sbr.rel @p0 .LBB2_8-.Ltmp7, $4  }
0x1c6: {  	s30 =	sadd.s32 $0x12400, s14;
	v5 =	vld [tilespmem:s14+$0x12400];
	[tilespmem:s11+$0x13D80] =	vst v7;
	v8 =	vadd.f32 v8, v3  }
0x1c7: {  	v6 =	vld [tilespmem:s30+$0x80];
	[tilespmem:s11+$0x13E00] =	vst v9;
	v10 =	vadd.f32 v10, v3  }
0x1c8: {  	v7 =	vld [tilespmem:s30+$0x100];
	[tilespmem:s11+$0x13E80] =	vst v8;
	v9 =	vadd.f32 v12, v3  }
0x1c9: {  	s29 =	sadd.s32 $0x10, s29;
	v8 =	vld [tilespmem:s30+$0x180];
	[tilespmem:s11+$0x13F00] =	vst v10;
	v10 =	vadd.f32 v13, v3  }
0x1ca: {  	v11 =	vld [tilespmem:s30+$0x200]  }
0x1cb: {  	v14 =	vld [tilespmem:s30+$0x280];
	v5 =	vadd.f32 v5, v4  }
0x1cc: {  	v15 =	vld [tilespmem:s30+$0x300];
	v6 =	vadd.f32 v6, v4  }
0x1cd: {  	[tilespmem:s14+$0x12400] =	vst v5;
	v16 =	vadd.f32 v7, v4  }
0x1ce: {  	[tilespmem:s30+$0x80] =	vst v6;
	v17 =	vadd.f32 v8, v4  }
0x1cf: {  	v18 =	vld [tilespmem:s11+$0x15480];
	[tilespmem:s30+$0x100] =	vst v16;
	v19 =	vadd.f32 v11, v4  }
0x1d0: {  	v20 =	vld [tilespmem:s11+$0x15500];
	v21 =	vadd.f32 v14, v4;
	[tilespmem:s30+$0x180] =	vst v17  }
0x1d1: {  	v22 =	vld [tilespmem:s11+$0x15580];
	v23 =	vadd.f32 v15, v4;
	[tilespmem:s30+$0x200] =	vst v19  }
0x1d2: {  	v24 =	vld [tilespmem:s11+$0x15600];
	s17 =	sor.u32 s17, s18;
	[tilespmem:s30+$0x280] =	vst v21  }
0x1d3: {  	v25 =	vld [tilespmem:s11+$0x15680];
	s17 =	sor.u32 $0x380, s17;
	[tilespmem:s30+$0x300] =	vst v23  }
0x1d4: {  	v5 =	vld [tilespmem:s17+$0x12400]  }
0x1d5: {  	v26 =	vld [tilespmem:s11+$0x15700]  }
0x1d6: {  	[tilespmem:s11+$0x13F80] =	vst v9;
	v12 =	vld [tilespmem:s11+$0x15780];
	v7 =	vadd.f32 v18, v3  }
0x1d7: {  	v28 =	vld [tilespmem:s11+$0x16C00];
	[tilespmem:s11+$0x15400] =	vst v10;
	v8 =	vadd.f32 v20, v3  }
0x1d8: {  	v29 =	vld [tilespmem:s11+$0x16C80];
	v27 =	vadd.f32 v22, v3;
	[tilespmem:s11+$0x15480] =	vst v7  }
0x1d9: {  	v33 =	vld [tilespmem:s11+$0x16D00];
	[tilespmem:s11+$0x15500] =	vst v8;
	v5 =	vadd.f32 v5, v4  }
0x1da: {  	v36 =	vld [tilespmem:s11+$0x16D80];
	v10 =	vadd.f32 v24, v3;
	[tilespmem:s11+$0x15580] =	vst v27  }
0x1db: {  	v43 =	vld [tilespmem:s11+$0x16E00];
	v32 =	vadd.f32 v25, v3;
	[tilespmem:s17+$0x12400] =	vst v5  }
0x1dc: {  	v11 =	vadd.f32 v26, v3;
	[tilespmem:s11+$0x15600] =	vst v10;
	v5 =	vld [tilespmem:s14+$0x16F80]  }
0x1dd: {  	v12 =	vadd.f32 v12, v3;
	[tilespmem:s11+$0x15680] =	vst v32;
	v30 =	vld [tilespmem:s14+$0x13C00]  }
0x1de: {  	v6 =	vadd.f32 v33, v3;
	[tilespmem:s11+$0x15700] =	vst v11;
	v13 =	vld [tilespmem:s14+$0x13C80]  }
0x1df: {  	[tilespmem:s11+$0x15780] =	vst v12;
	v8 =	vadd.f32 v28, v3;
	v14 =	vld [tilespmem:s14+$0x13D00]  }
0x1e0: {  	v7 =	vadd.f32 v29, v3;
	[tilespmem:s11+$0x16D00] =	vst v6;
	v15 =	vld [tilespmem:s14+$0x13D80]  }
0x1e1: {  	[tilespmem:s11+$0x16C00] =	vst v8;
	v16 =	vld [tilespmem:s14+$0x13E00];
	v5 =	vadd.f32 v5, v4  }
0x1e2: {  	[tilespmem:s11+$0x16C80] =	vst v7;
	v17 =	vld [tilespmem:s14+$0x13E80];
	v9 =	vadd.f32 v30, v4  }
0x1e3: {  	v31 =	vld [tilespmem:s14+$0x13F00];
	v34 =	vadd.f32 v13, v4;
	[tilespmem:s14+$0x16F80] =	vst v5  }
0x1e4: {  	v39 =	vld [tilespmem:s14+$0x15400];
	v37 =	vadd.f32 v14, v4;
	[tilespmem:s14+$0x13C00] =	vst v9  }
0x1e5: {  	v45 =	vld [tilespmem:s14+$0x15500];
	v38 =	vadd.f32 v15, v4;
	[tilespmem:s14+$0x13C80] =	vst v34  }
0x1e6: {  	v46 =	vld [tilespmem:s14+$0x15580];
	v40 =	vadd.f32 v16, v4;
	[tilespmem:s14+$0x13D00] =	vst v37  }
0x1e7: {  	v47 =	vld [tilespmem:s14+$0x15600];
	v41 =	vadd.f32 v17, v4;
	[tilespmem:s14+$0x13D80] =	vst v38  }
0x1e8: {  	v48 =	vld [tilespmem:s14+$0x15680];
	v10 =	vadd.f32 v31, v4;
	[tilespmem:s14+$0x13E00] =	vst v40  }
0x1e9: {  	v49 =	vld [tilespmem:s14+$0x15700];
	v42 =	vadd.f32 v39, v4;
	[tilespmem:s14+$0x13E80] =	vst v41  }
0x1ea: {  	v50 =	vld [tilespmem:s14+$0x15780];
	v11 =	vadd.f32 v45, v4;
	[tilespmem:s14+$0x13F00] =	vst v10  }
0x1eb: {  	v53 =	vld [tilespmem:s14+$0x16C00];
	v13 =	vadd.f32 v46, v4;
	[tilespmem:s14+$0x15400] =	vst v42  }
0x1ec: {  	v57 =	vld [tilespmem:s14+$0x16D00];
	v54 =	vadd.f32 v47, v4;
	[tilespmem:s14+$0x15500] =	vst v11  }
0x1ed: {  	v62 =	vld [tilespmem:s14+$0x16F00];
	v56 =	vadd.f32 v48, v4;
	[tilespmem:s14+$0x15580] =	vst v13  }
0x1ee: {  	v35 =	vld [tilespmem:s14+$0x13F80];
	v58 =	vadd.f32 v49, v4;
	[tilespmem:s14+$0x15600] =	vst v54  }
0x1ef: {  	v44 =	vld [tilespmem:s14+$0x15480];
	v12 =	vadd.f32 v50, v4;
	[tilespmem:s14+$0x15680] =	vst v56  }
0x1f0: {  	v51 =	vld [tilespmem:s11+$0x16E80];
	v8 =	vadd.f32 v53, v4;
	[tilespmem:s14+$0x15700] =	vst v58  }
0x1f1: {  	v52 =	vld [tilespmem:s11+$0x16F00];
	v6 =	vadd.f32 v57, v4;
	[tilespmem:s14+$0x15780] =	vst v12  }
0x1f2: {  	v63 =	vadd.f32 v62, v4;
	[tilespmem:s14+$0x16C00] =	vst v8  }
0x1f3: {  	v55 =	vld [tilespmem:s14+$0x16C80];
	v5 =	vadd.f32 v35, v4;
	[tilespmem:s14+$0x16D00] =	vst v6  }
0x1f4: {  	v10 =	vadd.f32 v44, v4;
	[tilespmem:s14+$0x16F00] =	vst v63  }
0x1f5: {  	v59 =	vld [tilespmem:s14+$0x16D80];
	v9 =	vadd.f32 v36, v3;
	[tilespmem:s14+$0x13F80] =	vst v5;
	v5 =	vadd.f32 v43, v3  }
0x1f6: {  	v60 =	vld [tilespmem:s14+$0x16E00];
	[tilespmem:s14+$0x15480] =	vst v10;
	v10 =	vadd.f32 v51, v3;
	v3 =	vadd.f32 v52, v3  }
0x1f7: {  	v61 =	vld [tilespmem:s14+$0x16E80];
	[tilespmem:s11+$0x16D80] =	vst v9  }
0x1f8: {  	[tilespmem:s11+$0x16F00] =	vst v3;
	v3 =	vadd.f32 v55, v4  }
0x1f9: {  	[tilespmem:s11+$0x16E00] =	vst v5  }
0x1fa: {  	[tilespmem:s14+$0x16C80] =	vst v3;
	v3 =	vadd.f32 v59, v4  }
0x1fb: {  	[tilespmem:s11+$0x16E80] =	vst v10;
	v5 =	vadd.f32 v60, v4  }
0x1fc: {  	[tilespmem:s14+$0x16D80] =	vst v3;
	v3 =	vadd.f32 v61, v4  }
0x1fd: {  	[tilespmem:s14+$0x16E00] =	vst v5  }
0x1fe: {  	[tilespmem:s14+$0x16E80] =	vst v3  }
.LBB2_10:
0x1ff: {  	s11 =	sshll.u32 s13, $0xD  }
0x200: {  	s11 =	sor.u32 s9, s11  }
0x201: {  	s11 =	sadd.s32 s24, s11  }
0x202: {  	s11 =	sshrl.u32 s11, $0x3  }
0x203: {  	s11 =	smul.u32 $0x300, s11;
	_ =	sdelay $0x1  }
0x204: {  	s11 =	sadd.s32 s7, s11  }
0x205: {  	[hbm4b:s11+s8] =	stream.linear.scatter [tilespmem:s26], [sflag:$0x5], $0x6000, $0x38;
	[tilespmem:$0x18D00] =	vst v63  }
0x206: {  	_ =	swait.ge [sflag:s6], $0x6000  }
0x207: {  	[sflag:s6] =	ssyncset.done $0x0  }
0x208: {  	s24 =	sadd.s32 $0x3, s23;
	[sflag:s6] =	ssyncadd.s32 $0xFFFFA000  }
0x209: {  	s29 =	sshll.u32 s24, $0x8;
	s11 =	sshll.u32 s24, $0x3;
	_ =	swait.ge [sflag:s20], $0x6000  }
0x20a: {  	s13 =	sand.u32 $0x300, s29;
	s11 =	sand.u32 $0x3E0, s11;
	[sflag:s20] =	ssyncset.done $0x0  }
0x20b: {  	s11 =	sadd.s32 s11, s13;
	[sflag:s20] =	ssyncadd.s32 $0xFFFFA000  }
0x20c: {  	v3 =	vld [tilespmem:s11+$0x0];
	_ =	sdelay $0x4  }
0x20d: {  	v4 =	vshrl.u32 v3, $0x3  }
0x20e: {  	v4 =	vmul.u32 $0x30, v4  }
0x20f: {  	v3 =	vand.u32 $0x7, v3  }
0x210: {  	v3 =	vor.u32 v3, v4  }
0x211: {  	v4 =	vperm.xlane v3, v0;
	_ =	sdelay $0x1  }
0x212: {  	v4 =	vadd.s32 v1, v4;
	_ =	sdelay $0x3  }
0x213: {  	v3 =	vperm.xlane v3, v2  }
0x214: {  	[tilespmem:s28], [sflag:$0x1] =	stream.indirect_vreg.gather [hbm4b:s1+s8], $0x80, v4, vm0, $0xb8;
	[tilespmem:$0x18D00] =	vst v63  }
0x215: {  	s30 =	simm.s32 $0xC00;
	v3 =	vadd.s32 v1, v3  }
0x216: {  	[tilespmem:s30], [sflag:$0x1] =	stream.indirect_vreg.gather [hbm4b:s15+s8], $0x80, v4, vm0, $0xb8;
	[tilespmem:$0x18D00] =	vst v63  }
0x217: {  	s31 =	simm.s32 $0x1400  }
0x218: {  	[tilespmem:s31], [sflag:$0x1] =	stream.indirect_vreg.gather [hbm4b:s16+s8], $0x80, v4, vm0, $0xb8;
	[tilespmem:$0x18D00] =	vst v63  }
0x219: {  	s14 =	simm.s32 $0x1C00  }
0x21a: {  	[tilespmem:s14], [sflag:$0x1] =	stream.indirect_vreg.gather [hbm4b:s1+s8], $0x80, v3, vm0, $0xb8;
	[tilespmem:$0x18D00] =	vst v63  }
0x21b: {  	s17 =	simm.s32 $0x2400  }
0x21c: {  	[tilespmem:s17], [sflag:$0x1] =	stream.indirect_vreg.gather [hbm4b:s15+s8], $0x80, v3, vm0, $0xb8;
	[tilespmem:$0x18D00] =	vst v63  }
0x21d: {  	s18 =	simm.s32 $0x2C00  }
0x21e: {  	[tilespmem:s18], [sflag:$0x1] =	stream.indirect_vreg.gather [hbm4b:s16+s8], $0x80, v3, vm0, $0xb8;
	[tilespmem:$0x18D00] =	vst v63  }
0x21f: {  	v3 =	vld [tilespmem:s11+$0x10];
	_ =	sdelay $0x4  }
0x220: {  	v63 =	vshrl.u32 v3, $0x3  }
0x221: {  	v4 =	vmul.u32 $0x30, v63  }
0x222: {  	v3 =	vand.u32 $0x7, v3  }
0x223: {  	v3 =	vor.u32 v3, v4  }
0x224: {  	v4 =	vperm.xlane v3, v0;
	_ =	sdelay $0x1  }
0x225: {  	v4 =	vadd.s32 v1, v4;
	_ =	sdelay $0x3  }
0x226: {  	s19 =	simm.s32 $0x3400;
	v3 =	vperm.xlane v3, v2  }
0x227: {  	[tilespmem:s19], [sflag:$0x1] =	stream.indirect_vreg.gather [hbm4b:s1+s8], $0x80, v4, vm0, $0xb8;
	[tilespmem:$0x18D00] =	vst v63  }
0x228: {  	s23 =	simm.s32 $0x3C00;
	v3 =	vadd.s32 v1, v3  }
0x229: {  	[tilespmem:s23], [sflag:$0x1] =	stream.indirect_vreg.gather [hbm4b:s15+s8], $0x80, v4, vm0, $0xb8;
	[tilespmem:$0x18D00] =	vst v63  }
0x22a: {  	s24 =	simm.s32 $0x4400;
	s11 =	sand.u32 $0x3, s12  }
0x22b: {  	[tilespmem:s24], [sflag:$0x1] =	stream.indirect_vreg.gather [hbm4b:s16+s8], $0x80, v4, vm0, $0xb8;
	[tilespmem:$0x18D00] =	vst v63  }
0x22c: {  	s29 =	simm.s32 $0x4C00;
	p0 =	sne.s32 s11, $0x0  }
0x22d: {  	[tilespmem:s29], [sflag:$0x1] =	stream.indirect_vreg.gather [hbm4b:s1+s8], $0x80, v3, vm0, $0xb8;
	[tilespmem:$0x18D00] =	vst v63  }
.Ltmp8:
0x22e: {  	_ = 	snop;
	(pc) =	sbr.rel @p0 .LBB2_14-.Ltmp8, $4  }
0x22f: {  	s30 =	simm.s32 $0x5400  }
0x230: {  	[tilespmem:s30], [sflag:$0x1] =	stream.indirect_vreg.gather [hbm4b:s15+s8], $0x80, v3, vm0, $0xb8;
	[tilespmem:$0x18D00] =	vst v63  }
0x231: {  	s31 =	simm.s32 $0x5C00  }
0x232: {  	[tilespmem:s31], [sflag:$0x1] =	stream.indirect_vreg.gather [hbm4b:s16+s8], $0x80, v3, vm0, $0xb8;
	[tilespmem:$0x18D00] =	vst v63  }
0x233: {  	s12 =	sadd.s32 s10, s12  }
0x234: {  	s12 =	smul.u32 $0x300, s12;
	_ =	sdelay $0x1  }
0x235: {  	s13 =	simm.s32 $0x0;
	s12 =	sadd.s32 s3, s12  }
0x236: {  	[tilespmem:s5], [sflag:$0x7] =	stream.linear.gather [hbm4b:s12+s13], $0x6000, $0x38;
	[tilespmem:$0x18D00] =	vst v63  }
0x237: {  	_ =	swait.ge [sflag:s21], $0x6000  }
0x238: {  	s30 =	simm.s32 $0x18400;
	[sflag:s21] =	ssyncset.done $0x0  }
0x239: {  	s14 =	sand.u32 $0x70, s13;
	s17 =	sand.u32 $0x1C00, s13;
	[sflag:s21] =	ssyncadd.s32 $0xFFFFA000  }
0x23a: {  	s12 =	sor.u32 s14, s17;
	v3 =	vld [tilespmem:s30+$0x0]  }
0x23b: {  	s14 =	sadd.s32 $0x12400, s12;
	v4 =	vld [tilespmem:s12+$0x12400]  }
0x23c: {  	v5 =	vld [tilespmem:s14+$0x80]  }
0x23d: {  	v6 =	vld [tilespmem:s14+$0x100]  }
0x23e: {  	v7 =	vld [tilespmem:s14+$0x180]  }
0x23f: {  	v8 =	vld [tilespmem:s14+$0x200]  }
0x240: {  	v9 =	vld [tilespmem:s14+$0x280];
	v4 =	vadd.f32 v4, v3  }
0x241: {  	v10 =	vld [tilespmem:s14+$0x300];
	v5 =	vadd.f32 v5, v3  }
0x242: {  	[tilespmem:s12+$0x12400] =	vst v4;
	v4 =	vadd.f32 v6, v3  }
0x243: {  	[tilespmem:s14+$0x80] =	vst v5;
	v5 =	vadd.f32 v7, v3  }
0x244: {  	[tilespmem:s14+$0x100] =	vst v4;
	v4 =	vadd.f32 v8, v3  }
0x245: {  	[tilespmem:s14+$0x180] =	vst v5;
	v5 =	vadd.f32 v9, v3  }
0x246: {  	[tilespmem:s14+$0x200] =	vst v4;
	v4 =	vadd.f32 v10, v3  }
0x247: {  	s13 =	sor.u32 s13, s13;
	[tilespmem:s14+$0x280] =	vst v5  }
0x248: {  	s13 =	sor.u32 $0x380, s13;
	[tilespmem:s14+$0x300] =	vst v4  }
0x249: {  	v4 =	vld [tilespmem:s13+$0x12400];
	_ =	sdelay $0x4  }
0x24a: {  	v4 =	vadd.f32 v4, v3;
	_ =	sdelay $0x1  }
0x24b: {  	[tilespmem:s13+$0x12400] =	vst v4  }
0x24c: {  	v4 =	vld [tilespmem:s12+$0x16F80]  }
0x24d: {  	v5 =	vld [tilespmem:s12+$0x13C00]  }
0x24e: {  	v6 =	vld [tilespmem:s12+$0x13C80]  }
0x24f: {  	v7 =	vld [tilespmem:s12+$0x13D00]  }
0x250: {  	v8 =	vld [tilespmem:s12+$0x13D80]  }
0x251: {  	v9 =	vld [tilespmem:s12+$0x13E00];
	v4 =	vadd.f32 v4, v3  }
0x252: {  	v10 =	vld [tilespmem:s12+$0x13E80];
	v5 =	vadd.f32 v5, v3  }
0x253: {  	v11 =	vld [tilespmem:s12+$0x13F00];
	[tilespmem:s12+$0x16F80] =	vst v4;
	v4 =	vadd.f32 v6, v3  }
0x254: {  	s17 =	simm.s32 $0x10;
	s14 =	simm.s32 $0x80;
	v12 =	vld [tilespmem:s12+$0x13F80];
	[tilespmem:s12+$0x13C00] =	vst v5;
	v5 =	vadd.f32 v7, v3  }
0x255: {  	s18 =	simm.s32 $0x18410;
	s31 =	sand.u32 $0x70, s17;
	s19 =	sand.u32 $0x1C00, s14;
	v13 =	vld [tilespmem:s12+$0x15400];
	v6 =	vadd.f32 v8, v3;
	[tilespmem:s12+$0x13C80] =	vst v4  }
0x256: {  	s13 =	sor.u32 s31, s19;
	v7 =	vadd.f32 v9, v3;
	v4 =	vld [tilespmem:s18+$0x0];
	[tilespmem:s12+$0x13D00] =	vst v5  }
0x257: {  	s23 =	sadd.s32 $0x12400, s13;
	v8 =	vadd.f32 v10, v3;
	v5 =	vld [tilespmem:s13+$0x12400];
	[tilespmem:s12+$0x13D80] =	vst v6  }
0x258: {  	v10 =	vadd.f32 v11, v3;
	v6 =	vld [tilespmem:s23+$0x80];
	[tilespmem:s12+$0x13E00] =	vst v7  }
0x259: {  	v9 =	vadd.f32 v12, v3;
	v7 =	vld [tilespmem:s23+$0x100];
	[tilespmem:s12+$0x13E80] =	vst v8  }
0x25a: {  	s19 =	simm.s32 $0x20;
	v8 =	vld [tilespmem:s23+$0x180];
	[tilespmem:s12+$0x13F00] =	vst v10;
	v10 =	vadd.f32 v13, v3  }
.LBB2_12:
0x25b: {  	p0 =	sne.s32 s19, $0x2F0;
	v11 =	vld [tilespmem:s23+$0x200];
	[tilespmem:s12+$0x13F80] =	vst v9  }
0x25c: {  	v5 =	vadd.f32 v5, v4;
	v9 =	vld [tilespmem:s23+$0x280];
	[tilespmem:s12+$0x15400] =	vst v10  }
0x25d: {  	v6 =	vadd.f32 v6, v4;
	v10 =	vld [tilespmem:s23+$0x300]  }
0x25e: {  	[tilespmem:s13+$0x12400] =	vst v5;
	v5 =	vadd.f32 v7, v4;
	v7 =	vld [tilespmem:s12+$0x15480]  }
0x25f: {  	[tilespmem:s23+$0x80] =	vst v6;
	v6 =	vadd.f32 v8, v4;
	v8 =	vld [tilespmem:s12+$0x15500]  }
0x260: {  	[tilespmem:s23+$0x100] =	vst v5;
	v5 =	vadd.f32 v11, v4;
	v11 =	vld [tilespmem:s12+$0x15580]  }
0x261: {  	[tilespmem:s23+$0x180] =	vst v6;
	v6 =	vadd.f32 v9, v4;
	v9 =	vld [tilespmem:s12+$0x15600]  }
0x262: {  	[tilespmem:s23+$0x200] =	vst v5;
	v5 =	vadd.f32 v10, v4;
	v10 =	vld [tilespmem:s12+$0x15680]  }
0x263: {  	s24 =	sor.u32 s14, s17;
	s17 =	smov.u32 s19;
	[tilespmem:s23+$0x280] =	vst v6;
	v6 =	vadd.f32 v7, v3;
	v7 =	vld [tilespmem:s12+$0x15700]  }
0x264: {  	[tilespmem:s23+$0x300] =	vst v5;
	s23 =	sor.u32 $0x380, s24;
	v5 =	vadd.f32 v8, v3;
	v8 =	vld [tilespmem:s12+$0x15780]  }
0x265: {  	v12 =	vld [tilespmem:s23+$0x12400];
	[tilespmem:s12+$0x15480] =	vst v6;
	v6 =	vadd.f32 v11, v3  }
0x266: {  	[tilespmem:s12+$0x15500] =	vst v5;
	v5 =	vadd.f32 v9, v3;
	v9 =	vld [tilespmem:s12+$0x16C00]  }
0x267: {  	[tilespmem:s12+$0x15580] =	vst v6;
	v6 =	vadd.f32 v10, v3;
	v10 =	vld [tilespmem:s12+$0x16C80]  }
0x268: {  	[tilespmem:s12+$0x15600] =	vst v5;
	v5 =	vadd.f32 v7, v3;
	v7 =	vld [tilespmem:s12+$0x16D00]  }
0x269: {  	[tilespmem:s12+$0x15680] =	vst v6;
	v6 =	vadd.f32 v8, v3;
	v8 =	vld [tilespmem:s12+$0x16D80]  }
0x26a: {  	v11 =	vadd.f32 v12, v4;
	[tilespmem:s12+$0x15700] =	vst v5;
	v5 =	vld [tilespmem:s12+$0x16E00]  }
0x26b: {  	[tilespmem:s12+$0x15780] =	vst v6;
	v6 =	vadd.f32 v9, v3;
	v9 =	vld [tilespmem:s12+$0x16E80]  }
0x26c: {  	[tilespmem:s23+$0x12400] =	vst v11;
	v10 =	vadd.f32 v10, v3;
	v11 =	vld [tilespmem:s12+$0x16F00]  }
0x26d: {  	v12 =	vld [tilespmem:s13+$0x16F80];
	[tilespmem:s12+$0x16C00] =	vst v6;
	v6 =	vadd.f32 v7, v3  }
0x26e: {  	v7 =	vld [tilespmem:s13+$0x13C00];
	[tilespmem:s12+$0x16C80] =	vst v10;
	v8 =	vadd.f32 v8, v3  }
0x26f: {  	v10 =	vld [tilespmem:s13+$0x13C80];
	[tilespmem:s12+$0x16D00] =	vst v6;
	v5 =	vadd.f32 v5, v3  }
0x270: {  	v6 =	vld [tilespmem:s13+$0x13D00];
	[tilespmem:s12+$0x16D80] =	vst v8;
	v8 =	vadd.f32 v9, v3  }
0x271: {  	v9 =	vld [tilespmem:s13+$0x13D80];
	[tilespmem:s12+$0x16E00] =	vst v5;
	v5 =	vadd.f32 v11, v3;
	v3 =	vmov v4  }
0x272: {  	v11 =	vld [tilespmem:s13+$0x13E00];
	v4 =	vadd.f32 v12, v3;
	[tilespmem:s12+$0x16E80] =	vst v8  }
0x273: {  	v7 =	vadd.f32 v7, v3;
	v8 =	vld [tilespmem:s13+$0x13E80];
	[tilespmem:s12+$0x16F00] =	vst v5;
	s12 =	smov.u32 s13  }
0x274: {  	v5 =	vadd.f32 v10, v3;
	v10 =	vld [tilespmem:s12+$0x13F00];
	[tilespmem:s12+$0x16F80] =	vst v4  }
0x275: {  	s14 =	sadd.s32 $0x80, s14;
	[tilespmem:s12+$0x13C00] =	vst v7;
	v6 =	vadd.f32 v6, v3;
	v12 =	vld [tilespmem:s12+$0x13F80]  }
0x276: {  	s18 =	sadd.s32 $0x10, s18;
	s23 =	sand.u32 $0x1C00, s14;
	s13 =	sand.u32 $0x70, s19;
	[tilespmem:s12+$0x13C80] =	vst v5;
	v7 =	vadd.f32 v9, v3;
	v13 =	vld [tilespmem:s12+$0x15400]  }
.Ltmp9:
0x277: {  	s13 =	sor.u32 s13, s23;
	v4 =	vld [tilespmem:s18+$0x0];
	[tilespmem:s12+$0x13D00] =	vst v6;
	v9 =	vadd.f32 v11, v3;
	(pc) =	sbr.rel @p0 .LBB2_12-.Ltmp9, $4  }
0x278: {  	s23 =	sadd.s32 $0x12400, s13;
	v5 =	vld [tilespmem:s13+$0x12400];
	[tilespmem:s12+$0x13D80] =	vst v7;
	v8 =	vadd.f32 v8, v3  }
0x279: {  	v6 =	vld [tilespmem:s23+$0x80];
	[tilespmem:s12+$0x13E00] =	vst v9;
	v10 =	vadd.f32 v10, v3  }
0x27a: {  	v7 =	vld [tilespmem:s23+$0x100];
	[tilespmem:s12+$0x13E80] =	vst v8;
	v9 =	vadd.f32 v12, v3  }
0x27b: {  	s19 =	sadd.s32 $0x10, s19;
	v8 =	vld [tilespmem:s23+$0x180];
	[tilespmem:s12+$0x13F00] =	vst v10;
	v10 =	vadd.f32 v13, v3  }
0x27c: {  	v11 =	vld [tilespmem:s23+$0x200]  }
0x27d: {  	v14 =	vld [tilespmem:s23+$0x280];
	v5 =	vadd.f32 v5, v4  }
0x27e: {  	v15 =	vld [tilespmem:s23+$0x300];
	v6 =	vadd.f32 v6, v4  }
0x27f: {  	[tilespmem:s13+$0x12400] =	vst v5;
	v16 =	vadd.f32 v7, v4  }
0x280: {  	[tilespmem:s23+$0x80] =	vst v6;
	v17 =	vadd.f32 v8, v4  }
0x281: {  	v18 =	vld [tilespmem:s12+$0x15480];
	[tilespmem:s23+$0x100] =	vst v16;
	v19 =	vadd.f32 v11, v4  }
0x282: {  	v20 =	vld [tilespmem:s12+$0x15500];
	v21 =	vadd.f32 v14, v4;
	[tilespmem:s23+$0x180] =	vst v17  }
0x283: {  	v22 =	vld [tilespmem:s12+$0x15580];
	v23 =	vadd.f32 v15, v4;
	[tilespmem:s23+$0x200] =	vst v19  }
0x284: {  	v24 =	vld [tilespmem:s12+$0x15600];
	s14 =	sor.u32 s14, s17;
	[tilespmem:s23+$0x280] =	vst v21  }
0x285: {  	v25 =	vld [tilespmem:s12+$0x15680];
	s14 =	sor.u32 $0x380, s14;
	[tilespmem:s23+$0x300] =	vst v23  }
0x286: {  	v5 =	vld [tilespmem:s14+$0x12400]  }
0x287: {  	v26 =	vld [tilespmem:s12+$0x15700]  }
0x288: {  	[tilespmem:s12+$0x13F80] =	vst v9;
	v12 =	vld [tilespmem:s12+$0x15780];
	v7 =	vadd.f32 v18, v3  }
0x289: {  	v28 =	vld [tilespmem:s12+$0x16C00];
	[tilespmem:s12+$0x15400] =	vst v10;
	v8 =	vadd.f32 v20, v3  }
0x28a: {  	v29 =	vld [tilespmem:s12+$0x16C80];
	v27 =	vadd.f32 v22, v3;
	[tilespmem:s12+$0x15480] =	vst v7  }
0x28b: {  	v33 =	vld [tilespmem:s12+$0x16D00];
	[tilespmem:s12+$0x15500] =	vst v8;
	v5 =	vadd.f32 v5, v4  }
0x28c: {  	v36 =	vld [tilespmem:s12+$0x16D80];
	v10 =	vadd.f32 v24, v3;
	[tilespmem:s12+$0x15580] =	vst v27  }
0x28d: {  	v43 =	vld [tilespmem:s12+$0x16E00];
	v32 =	vadd.f32 v25, v3;
	[tilespmem:s14+$0x12400] =	vst v5  }
0x28e: {  	v11 =	vadd.f32 v26, v3;
	[tilespmem:s12+$0x15600] =	vst v10;
	v5 =	vld [tilespmem:s13+$0x16F80]  }
0x28f: {  	v12 =	vadd.f32 v12, v3;
	[tilespmem:s12+$0x15680] =	vst v32;
	v30 =	vld [tilespmem:s13+$0x13C00]  }
0x290: {  	v6 =	vadd.f32 v33, v3;
	[tilespmem:s12+$0x15700] =	vst v11;
	v13 =	vld [tilespmem:s13+$0x13C80]  }
0x291: {  	[tilespmem:s12+$0x15780] =	vst v12;
	v8 =	vadd.f32 v28, v3;
	v14 =	vld [tilespmem:s13+$0x13D00]  }
0x292: {  	v7 =	vadd.f32 v29, v3;
	[tilespmem:s12+$0x16D00] =	vst v6;
	v15 =	vld [tilespmem:s13+$0x13D80]  }
0x293: {  	[tilespmem:s12+$0x16C00] =	vst v8;
	v16 =	vld [tilespmem:s13+$0x13E00];
	v5 =	vadd.f32 v5, v4  }
0x294: {  	[tilespmem:s12+$0x16C80] =	vst v7;
	v17 =	vld [tilespmem:s13+$0x13E80];
	v9 =	vadd.f32 v30, v4  }
0x295: {  	v31 =	vld [tilespmem:s13+$0x13F00];
	v34 =	vadd.f32 v13, v4;
	[tilespmem:s13+$0x16F80] =	vst v5  }
0x296: {  	v39 =	vld [tilespmem:s13+$0x15400];
	v37 =	vadd.f32 v14, v4;
	[tilespmem:s13+$0x13C00] =	vst v9  }
0x297: {  	v45 =	vld [tilespmem:s13+$0x15500];
	v38 =	vadd.f32 v15, v4;
	[tilespmem:s13+$0x13C80] =	vst v34  }
0x298: {  	v46 =	vld [tilespmem:s13+$0x15580];
	v40 =	vadd.f32 v16, v4;
	[tilespmem:s13+$0x13D00] =	vst v37  }
0x299: {  	v47 =	vld [tilespmem:s13+$0x15600];
	v41 =	vadd.f32 v17, v4;
	[tilespmem:s13+$0x13D80] =	vst v38  }
0x29a: {  	v48 =	vld [tilespmem:s13+$0x15680];
	v10 =	vadd.f32 v31, v4;
	[tilespmem:s13+$0x13E00] =	vst v40  }
0x29b: {  	v49 =	vld [tilespmem:s13+$0x15700];
	v42 =	vadd.f32 v39, v4;
	[tilespmem:s13+$0x13E80] =	vst v41  }
0x29c: {  	v50 =	vld [tilespmem:s13+$0x15780];
	v11 =	vadd.f32 v45, v4;
	[tilespmem:s13+$0x13F00] =	vst v10  }
0x29d: {  	v53 =	vld [tilespmem:s13+$0x16C00];
	v13 =	vadd.f32 v46, v4;
	[tilespmem:s13+$0x15400] =	vst v42  }
0x29e: {  	v57 =	vld [tilespmem:s13+$0x16D00];
	v54 =	vadd.f32 v47, v4;
	[tilespmem:s13+$0x15500] =	vst v11  }
0x29f: {  	v62 =	vld [tilespmem:s13+$0x16F00];
	v56 =	vadd.f32 v48, v4;
	[tilespmem:s13+$0x15580] =	vst v13  }
0x2a0: {  	v35 =	vld [tilespmem:s13+$0x13F80];
	v58 =	vadd.f32 v49, v4;
	[tilespmem:s13+$0x15600] =	vst v54  }
0x2a1: {  	v44 =	vld [tilespmem:s13+$0x15480];
	v12 =	vadd.f32 v50, v4;
	[tilespmem:s13+$0x15680] =	vst v56  }
0x2a2: {  	v51 =	vld [tilespmem:s12+$0x16E80];
	v8 =	vadd.f32 v53, v4;
	[tilespmem:s13+$0x15700] =	vst v58  }
0x2a3: {  	v52 =	vld [tilespmem:s12+$0x16F00];
	v6 =	vadd.f32 v57, v4;
	[tilespmem:s13+$0x15780] =	vst v12  }
0x2a4: {  	v63 =	vadd.f32 v62, v4;
	[tilespmem:s13+$0x16C00] =	vst v8  }
0x2a5: {  	v55 =	vld [tilespmem:s13+$0x16C80];
	v5 =	vadd.f32 v35, v4;
	[tilespmem:s13+$0x16D00] =	vst v6  }
0x2a6: {  	v10 =	vadd.f32 v44, v4;
	[tilespmem:s13+$0x16F00] =	vst v63  }
0x2a7: {  	v59 =	vld [tilespmem:s13+$0x16D80];
	v9 =	vadd.f32 v36, v3;
	[tilespmem:s13+$0x13F80] =	vst v5;
	v5 =	vadd.f32 v43, v3  }
0x2a8: {  	v60 =	vld [tilespmem:s13+$0x16E00];
	[tilespmem:s13+$0x15480] =	vst v10;
	v10 =	vadd.f32 v51, v3;
	v3 =	vadd.f32 v52, v3  }
0x2a9: {  	v61 =	vld [tilespmem:s13+$0x16E80];
	[tilespmem:s12+$0x16D80] =	vst v9  }
0x2aa: {  	[tilespmem:s12+$0x16F00] =	vst v3;
	v3 =	vadd.f32 v55, v4  }
0x2ab: {  	[tilespmem:s12+$0x16E00] =	vst v5  }
.Ltmp10:
0x2ac: {  	[tilespmem:s13+$0x16C80] =	vst v3;
	v3 =	vadd.f32 v59, v4;
	(pc) =	sbr.rel .LBB2_14-.Ltmp10, $4  }
0x2ad: {  	[tilespmem:s12+$0x16E80] =	vst v10;
	v5 =	vadd.f32 v60, v4  }
0x2ae: {  	[tilespmem:s13+$0x16D80] =	vst v3;
	v3 =	vadd.f32 v61, v4  }
0x2af: {  	[tilespmem:s13+$0x16E00] =	vst v5  }
0x2b0: {  	[tilespmem:s13+$0x16E80] =	vst v3  }
.LBB2_16:
0x2b1: {  	_ =	sfence.sel $0x180000  }
0x2b2: {  	[bflag:$0x0] =	sbarrier.arrive $0xFFFF  }
0x2b3: {  	_ =	strace $0x90000047  }
0x2b4: {  	s0 =	stileid.u32;
	[bflag:$0x2] =	sbarrier.arrive $0xFFFF  }
0x2b5: {  	p0 =	sne.s32 s0, $0x0;
	s0 =	rddreg [dreg:$0x6]  }
0x2b6: {  	s0 =	sadd.s32 @!p0 $0x100000, s0  }
0x2b7: {  	[sflag:s0] =	ssyncadd.tile.s32 @!p0 $0x1;
	_ =	shalt  }
.Lfunc_end2:
_tile_overlayer_lowered:
.L_overlay_start_2:
0x2b8: {  	(tag) =	ssettag $0x2  }
0x2b9: {  	s0 =	rddreg [dreg:$0x0];
	s2 =	stileid.u32  }
0x2ba: {  	s1 =	rddreg [dreg:$0x1];
	p0 =	sne.s32 s2, $0x0  }
0x2bb: {  	s3 =	rddreg [dreg:$0x2];
	[bflag:$0x3] =	sbarrier.arrive $0xFFFF;
	s2 =	simm.s32 @!p0 $0x1C07  }
0x2bc: {  	[timem:s3], [sflag:s2] =	dma.local @!p0 [hbm:s0], s1  }
0x2bd: {  	s0 =	simm.s32 @!p0 $0x7  }
0x2be: {  	_ =	swait.ge @!p0 [sflag:s0], s1  }
0x2bf: {  	s1 =	ssub.s32 @!p0 $0x0, s1;
	[sflag:s0] =	ssyncset.done @!p0 $0x0  }
0x2c0: {  	[sflag:s0] =	ssyncadd.s32 @!p0 s1  }
0x2c1: {  	[bflag:$0x3] =	sbarrier.arrive $0xFFFF  }
0x2c2: {  	_ =	shalt  }

</sc_bundles>
